<compile_context>
chip_gen: v7x
topology: tpu7x:2x2x1
jax: 0.10.2.dev20260603
libtpu: 0.0.44.dev20260713+nightly
codegen_flags: <defaults>
</compile_context>

<pallas_src>
import functools

import jax
import jax.numpy as jnp
from jax import lax
from jax.experimental import pallas as pl
from jax.experimental.pallas import tpu as pltpu
from jax.experimental.pallas import tpu_sc as plsc

N = 10000
D = 128
E = 320000
L = 100000

NC = 2
NS = 16
CHUNK = 128
ACC_ROWS = 10112
SLAB = ACC_ROWS // NS
DUMMY = 10008

NCH_TILE = 160
E_PAD = NS * NCH_TILE * CHUNK
GRP = 8
N_GRP = NCH_TILE // GRP
N_PAIR = N_GRP // 2

L_CH_TILE = 49
L_PER_TILE = L_CH_TILE * CHUNK
L_PAD = NS * L_PER_TILE


def _make_agg_kernel(with_counts):
    mesh = plsc.VectorSubcoreMesh(core_axis_name="c", subcore_axis_name="s")
    out_type = [jax.ShapeDtypeStruct((NC, ACC_ROWS, D), jnp.float32)]
    scratch = [
        pltpu.VMEM((GRP, CHUNK), jnp.int32),
        pltpu.VMEM((GRP, CHUNK), jnp.int32),
        pltpu.VMEM((GRP, CHUNK), jnp.int32),
        pltpu.VMEM((GRP, CHUNK), jnp.int32),
        pltpu.VMEM((CHUNK, D), jnp.float32),
        pltpu.VMEM((CHUNK, D), jnp.float32),
        pltpu.VMEM_SHARED((ACC_ROWS, D), jnp.float32),
        pltpu.SemaphoreType.DMA,
        pltpu.SemaphoreType.DMA,
        pltpu.SemaphoreType.DMA,
        pltpu.SemaphoreType.DMA,
    ]
    if with_counts:
        out_type.append(jax.ShapeDtypeStruct((NC, NS, ACC_ROWS), jnp.float32))
        scratch.append(pltpu.VMEM((ACC_ROWS,), jnp.float32))

    def body(*refs):
        if with_counts:
            (table, src_all, dst_all, zf, agg_out, cnt_out,
             src_a, dst_a, src_b, dst_b, buf_a, buf_b, acc,
             sem_da, sem_db, sem_ia, sem_ib, hist) = refs
        else:
            (table, src_all, dst_all, zf, agg_out,
             src_a, dst_a, src_b, dst_b, buf_a, buf_b, acc,
             sem_da, sem_db, sem_ia, sem_ib) = refs
        cid = lax.axis_index("c")
        sid = lax.axis_index("s")
        slab = pl.ds(pl.multiple_of(sid * SLAB, 8), SLAB)
        pltpu.sync_copy(zf.at[slab], acc.at[slab])
        if with_counts:
            zeros16 = jnp.zeros((16,), jnp.float32)

            @pl.loop(0, ACC_ROWS // 16)
            def _(i):
                hist[pl.ds(i * 16, 16)] = zeros16
        plsc.subcore_barrier()

        ch_base = sid * NCH_TILE

        def stage(grp, sb, db, sem):
            off = pl.multiple_of(ch_base + grp * GRP, 8)
            pltpu.async_copy(src_all.at[cid, pl.ds(off, GRP)], sb, sem)
            pltpu.async_copy(dst_all.at[cid, pl.ds(off, GRP)], db, sem)

        def wait_stage(sb, db, sem):
            pltpu.make_async_copy(src_all.at[cid, pl.ds(0, GRP)], sb,
                                  sem).wait()
            pltpu.make_async_copy(src_all.at[cid, pl.ds(0, GRP)], db,
                                  sem).wait()

        def gather(idx_row, buf, sem):
            pltpu.async_copy(table.at[idx_row], buf, sem)

        def wait_data(buf, sem):
            pltpu.make_async_copy(table.at[src_a.at[0]], buf, sem).wait()

        ones16 = jnp.ones((16,), jnp.float32)

        def scatter(d_ref, k, buf):
            pltpu.sync_copy(buf, acc.at[d_ref.at[k]], add=True)
            if with_counts:
                for q in range(CHUNK // 16):
                    idx16 = d_ref[k, pl.ds(q * 16, 16)]
                    plsc.addupdate_scatter(hist, [idx16], ones16)

        stage(0, src_a, dst_a, sem_ia)
        stage(1, src_b, dst_b, sem_ib)
        wait_stage(src_a, dst_a, sem_ia)
        gather(src_a.at[0], buf_a, sem_da)
        gather(src_a.at[1], buf_b, sem_db)

        @pl.loop(0, N_PAIR)
        def _(gp):
            def guarded(cond, fn):
                if cond is True:
                    fn()
                else:
                    pl.when(cond)(fn)

            def half(s_cur, d_cur, s_nxt, d_nxt, sem_nxt, nxt_staged):
                @pl.loop(0, GRP // 2)
                def _(j):
                    k0 = j * 2

                    def chunk(k, buf, semd):
                        wait_data(buf, semd)
                        scatter(d_cur, k, buf)

                        @pl.when(k == GRP - 2)
                        def _():
                            guarded(nxt_staged, functools.partial(
                                wait_stage, s_nxt, d_nxt, sem_nxt))

                        @pl.when(k < GRP - 2)
                        def _():
                            gather(s_cur.at[k + 2], buf, semd)

                        @pl.when(k >= GRP - 2)
                        def _():
                            guarded(nxt_staged, functools.partial(
                                gather, s_nxt.at[k - (GRP - 2)], buf,
                                semd))

                    chunk(k0, buf_a, sem_da)
                    chunk(k0 + 1, buf_b, sem_db)

            not_last = gp + 1 < N_PAIR
            half(src_a, dst_a, src_b, dst_b, sem_ib, True)

            @pl.when(not_last)
            def _():
                stage(2 * gp + 2, src_a, dst_a, sem_ia)

            half(src_b, dst_b, src_a, dst_a, sem_ia, not_last)

            @pl.when(not_last)
            def _():
                stage(2 * gp + 3, src_b, dst_b, sem_ib)

        plsc.subcore_barrier()
        pltpu.sync_copy(acc.at[slab], agg_out.at[cid, slab])
        if with_counts:
            pltpu.sync_copy(hist, cnt_out.at[cid, sid])

    return pl.kernel(body, out_type=out_type, mesh=mesh,
                     scratch_types=scratch,
                     compiler_params=pltpu.CompilerParams(
                         needs_layout_passes=False))


def _make_label_gather_kernel():
    mesh = plsc.VectorSubcoreMesh(core_axis_name="c", subcore_axis_name="s")
    out_type = [jax.ShapeDtypeStruct((L, 2 * D), jnp.float32)]
    scratch = [
        pltpu.VMEM((L_PER_TILE,), jnp.int32),
        pltpu.VMEM((CHUNK, D), jnp.float32),
        pltpu.VMEM((CHUNK, D), jnp.float32),
        pltpu.SemaphoreType.DMA,
        pltpu.SemaphoreType.DMA,
    ]
    tail = L % CHUNK

    def body(table, idx_all, out, idx_v, buf_a, buf_b, sem_a, sem_b):
        cid = lax.axis_index("c")
        sid = lax.axis_index("s")
        base = pl.multiple_of(sid * L_PER_TILE, CHUNK)
        cols = pl.ds(pl.multiple_of(cid * D, D), D)
        pltpu.sync_copy(idx_all.at[cid, pl.ds(base, L_PER_TILE)], idx_v)

        def start(j, buf, sem):
            pltpu.async_copy(table.at[idx_v.at[pl.ds(j * CHUNK, CHUNK)]],
                             buf, sem)

        def wait(buf, sem):
            pltpu.make_async_copy(table.at[idx_v.at[pl.ds(0, CHUNK)]],
                                  buf, sem).wait()

        def put(j, buf):
            row0 = pl.multiple_of(base + j * CHUNK, CHUNK)

            @pl.when(row0 + CHUNK <= L)
            def _():
                pltpu.sync_copy(buf, out.at[pl.ds(row0, CHUNK), cols])

            @pl.when(jnp.logical_and(row0 < L, row0 + CHUNK > L))
            def _():
                pltpu.sync_copy(buf.at[pl.ds(0, tail)],
                                out.at[pl.ds(row0, tail), cols])

        start(0, buf_a, sem_a)
        start(1, buf_b, sem_b)

        @pl.loop(0, (L_CH_TILE - 1) // 2)
        def _(g):
            j0 = g * 2
            j1 = j0 + 1
            wait(buf_a, sem_a)
            put(j0, buf_a)

            @pl.when(j0 + 2 < L_CH_TILE)
            def _():
                start(j0 + 2, buf_a, sem_a)

            wait(buf_b, sem_b)
            put(j1, buf_b)

            @pl.when(j1 + 2 < L_CH_TILE)
            def _():
                start(j1 + 2, buf_b, sem_b)

        wait(buf_a, sem_a)
        put(L_CH_TILE - 1, buf_a)

    return pl.kernel(body, out_type=out_type, mesh=mesh,
                     scratch_types=scratch)


_agg_with_counts = _make_agg_kernel(True)
_agg_plain = _make_agg_kernel(False)
_label_gather = _make_label_gather_kernel()


def _sage_update_body(relu, agg, cnt, x, wl, wr, b, o):
    count = jnp.maximum(jnp.sum(cnt[0], axis=0), 1.0)[:, None]
    mean = agg[0] / count
    acc = (jnp.dot(mean, wl[0], preferred_element_type=jnp.float32) + b[0]
           + jnp.dot(x[0], wr[0], preferred_element_type=jnp.float32))
    o[0] = jnp.maximum(acc, 0.0) if relu else acc


def _sage_update(agg, cnt, x, wl, wr, b, relu):
    return pl.pallas_call(
        functools.partial(_sage_update_body, relu),
        grid=(2,),
        in_specs=[
            pl.BlockSpec((1, ACC_ROWS, D), lambda t: (t, 0, 0)),
            pl.BlockSpec((1, NS, ACC_ROWS), lambda t: (t, 0, 0)),
            pl.BlockSpec((1, ACC_ROWS, D), lambda t: (t, 0, 0)),
            pl.BlockSpec((1, D, D), lambda t: (t, 0, 0)),
            pl.BlockSpec((1, D, D), lambda t: (t, 0, 0)),
            pl.BlockSpec((1, 1, D), lambda t: (t, 0, 0)),
        ],
        out_specs=pl.BlockSpec((1, ACC_ROWS, D), lambda t: (t, 0, 0)),
        out_shape=jax.ShapeDtypeStruct((2, ACC_ROWS, D), jnp.float32),
    )(agg, cnt, x, wl, wr, b)


def _decoder_body(z1, w1, b1, w2, b2, z2o, z3o):
    z2 = jnp.maximum(
        jnp.dot(z1[...], w1[...], preferred_element_type=jnp.float32)
        + b1[...], 0.0)
    z2o[...] = z2
    z3o[...] = jnp.sum(z2 * w2[...], axis=1, keepdims=True) + b2[...]


def _decoder(z1, w1, b1, w2row, b2, rows_block=2000):
    nb = L // rows_block
    return pl.pallas_call(
        _decoder_body,
        grid=(nb,),
        in_specs=[
            pl.BlockSpec((rows_block, 2 * D), lambda i: (i, 0)),
            pl.BlockSpec((2 * D, D), lambda i: (0, 0)),
            pl.BlockSpec((1, D), lambda i: (0, 0)),
            pl.BlockSpec((1, D), lambda i: (0, 0)),
            pl.BlockSpec((1, 1), lambda i: (0, 0)),
        ],
        out_specs=[
            pl.BlockSpec((rows_block, D), lambda i: (i, 0)),
            pl.BlockSpec((rows_block, 1), lambda i: (i, 0)),
        ],
        out_shape=[
            jax.ShapeDtypeStruct((L, D), jnp.float32),
            jax.ShapeDtypeStruct((L, 1), jnp.float32),
        ],
    )(z1, w1, b1, w2row, b2)


def _pad_idx(idx, pad_value, total):
    pad = total - idx.shape[0]
    return jnp.concatenate(
        [idx.astype(jnp.int32),
         jnp.full((pad,), pad_value, dtype=jnp.int32)])


def kernel(x_author, x_hotel, edge_index_author_hotel,
           edge_index_hotel_author, edge_label_index,
           Wl_ah0, Wr_ah0, b_ah0, Wl_ha0, Wr_ha0, b_ha0,
           Wl_ah1, Wr_ah1, b_ah1, Wl_ha1, Wr_ha1, b_ha1,
           dec_W1, dec_b1, dec_W2, dec_b2):
    x_stack = jnp.concatenate(
        [jnp.stack([x_author, x_hotel]),
         jnp.zeros((2, ACC_ROWS - N, D), jnp.float32)], axis=1)
    table0 = x_stack.reshape(2 * ACC_ROWS, D)

    src0 = _pad_idx(edge_index_hotel_author[0] + ACC_ROWS, 0, E_PAD)
    dst0 = _pad_idx(edge_index_hotel_author[1], DUMMY, E_PAD)
    src1 = _pad_idx(edge_index_author_hotel[0], 0, E_PAD)
    dst1 = _pad_idx(edge_index_author_hotel[1], DUMMY, E_PAD)
    src_all = jnp.stack([src0, src1]).reshape(NC, E_PAD // CHUNK, CHUNK)
    dst_all = jnp.stack([dst0, dst1]).reshape(NC, E_PAD // CHUNK, CHUNK)

    zf = jnp.zeros((ACC_ROWS, D), jnp.float32)

    agg0, cnt = _agg_with_counts(table0, src_all, dst_all, zf)
    wl0 = jnp.stack([Wl_ha0, Wl_ah0])
    wr0 = jnp.stack([Wr_ha0, Wr_ah0])
    bb0 = jnp.stack([b_ha0, b_ah0]).reshape(2, 1, D)
    h_stack = _sage_update(agg0, cnt, x_stack, wl0, wr0, bb0, relu=True)

    (agg1,) = _agg_plain(h_stack.reshape(2 * ACC_ROWS, D), src_all,
                         dst_all, zf)
    wl1 = jnp.stack([Wl_ha1, Wl_ah1])
    wr1 = jnp.stack([Wr_ha1, Wr_ah1])
    bb1 = jnp.stack([b_ha1, b_ah1]).reshape(2, 1, D)
    z_stack = _sage_update(agg1, cnt, h_stack, wl1, wr1, bb1, relu=False)

    row = _pad_idx(edge_label_index[0], 0, L_PAD)
    col = _pad_idx(edge_label_index[1] + ACC_ROWS, 0, L_PAD)
    idx_all = jnp.stack([row, col])
    (z1,) = _label_gather(z_stack.reshape(2 * ACC_ROWS, D), idx_all)

    z2, z3 = _decoder(z1, dec_W1, dec_b1.reshape(1, D),
                      dec_W2.reshape(1, D), dec_b2.reshape(1, 1))
    return (z3.reshape(-1), z1, z2)

# --- scband reference (transcript-rebuilt; emitter-appended) ---
"""Pipeline reference for scband-link-label-pred-model-7765300871785 (READ-ONLY COPY).

The authoritative reference and input builder live on the scoring server;
editing this copy changes nothing except your own understanding.
"""

import jax, jax.numpy as jnp
import numpy as np

N_AUTHOR = 10000
N_HOTEL = 10000
D = 128
E = 320000
L = 100000


def _sage(x_src, x_dst, edge_index, Wl, Wr, b):
    # PyG SAGEConv with mean aggregation: lin_l(mean_j x_src[j]) + lin_r(x_dst)
    src = edge_index[0]
    dst = edge_index[1]
    msgs = jnp.take(x_src, src, axis=0)
    agg = jax.ops.segment_sum(msgs, dst, num_segments=x_dst.shape[0])
    cnt = jax.ops.segment_sum(jnp.ones((edge_index.shape[1],), dtype=x_src.dtype), dst, num_segments=x_dst.shape[0])
    mean = agg / jnp.clip(cnt, 1.0)[:, None]
    return mean @ Wl + b + x_dst @ Wr


def setup_inputs(seed: int = 0):
    key = jax.random.key(seed)
    ks = jax.random.split(key, 24)
    inp = {}
    inp['x_author'] = jax.random.normal(ks[0], (N_AUTHOR, D), dtype=jnp.float32)
    inp['x_hotel'] = jax.random.normal(ks[1], (N_HOTEL, D), dtype=jnp.float32)
    inp['edge_index_author_hotel'] = jax.random.randint(ks[2], (2, E), 0, N_AUTHOR)
    inp['edge_index_hotel_author'] = jax.random.randint(ks[3], (2, E), 0, N_HOTEL)
    inp['edge_label_index'] = jax.random.randint(ks[4], (2, L), 0, N_AUTHOR)
    i = 5
    for l in range(2):
        for et in ('ah', 'ha'):
            inp['Wl_' + et + str(l)] = jax.random.normal(ks[i], (D, D), dtype=jnp.float32) * 0.05; i += 1
            inp['Wr_' + et + str(l)] = jax.random.normal(ks[i], (D, D), dtype=jnp.float32) * 0.05; i += 1
            inp['b_' + et + str(l)] = jnp.zeros((D,), dtype=jnp.float32)
    inp['dec_W1'] = jax.random.normal(ks[i], (2 * D, D), dtype=jnp.float32) * 0.05; i += 1
    inp['dec_b1'] = jnp.zeros((D,), dtype=jnp.float32)
    inp['dec_W2'] = jax.random.normal(ks[i], (D, 1), dtype=jnp.float32) * 0.05; i += 1
    inp['dec_b2'] = jnp.zeros((1,), dtype=jnp.float32)
    return inp


def reference(x_author, x_hotel, edge_index_author_hotel, edge_index_hotel_author, edge_label_index,
              Wl_ah0, Wr_ah0, b_ah0, Wl_ha0, Wr_ha0, b_ha0,
              Wl_ah1, Wr_ah1, b_ah1, Wl_ha1, Wr_ha1, b_ha1,
              dec_W1, dec_b1, dec_W2, dec_b2):
    # HeteroEncoder layer 0: each node type receives from exactly one edge type
    h_hotel = _sage(x_author, x_hotel, edge_index_author_hotel, Wl_ah0, Wr_ah0, b_ah0)
    h_author = _sage(x_hotel, x_author, edge_index_hotel_author, Wl_ha0, Wr_ha0, b_ha0)
    # intermediate relu (i < nlayers-1)
    h_hotel = jax.nn.relu(h_hotel)
    h_author = jax.nn.relu(h_author)
    # layer 1 (no relu after)
    z_hotel = _sage(h_author, h_hotel, edge_index_author_hotel, Wl_ah1, Wr_ah1, b_ah1)
    z_author = _sage(h_hotel, h_author, edge_index_hotel_author, Wl_ha1, Wr_ha1, b_ha1)
    # EdgeDecoder
    row = edge_label_index[0]
    col = edge_label_index[1]
    z1 = jnp.concatenate([jnp.take(z_author, row, axis=0), jnp.take(z_hotel, col, axis=0)], axis=-1)
    z2 = jax.nn.relu(z1 @ dec_W1 + dec_b1)
    z3 = z2 @ dec_W2 + dec_b2
    return (z3.reshape(-1), z1, z2)

if __name__ == "__main__":
    import jax
    _d = setup_inputs()
    print(jax.jit(kernel)(*tuple(_d.values())))

</pallas_src>

<mosaic_0001>
#map = affine_map<(d0, d1) -> (0, 0)>
module attributes {stable_mosaic.version = 14 : i64} {
  func.func @body(%arg0: i32, %arg1: i32, %arg2: memref<20224x128xf32, #tpu.memory_space<hbm>>, %arg3: memref<2x100352xi32, #tpu.memory_space<hbm>>, %arg4: memref<100000x256xf32, #tpu.memory_space<hbm>>, %arg5: memref<6272xi32, #tpu.memory_space<vmem>>, %arg6: memref<128x128xf32, #tpu.memory_space<vmem>>, %arg7: memref<128x128xf32, #tpu.memory_space<vmem>>, %arg8: memref<!tpu.dma_semaphore, #tpu.memory_space<semaphore_mem>>, %arg9: memref<!tpu.dma_semaphore, #tpu.memory_space<semaphore_mem>>) attributes {dimension_semantics = [#tpu.dimension_semantics<core_parallel>, #tpu.dimension_semantics<subcore_parallel>], iteration_bounds = array<i64: 2, 16>, scalar_prefetch = 0 : i64, scratch_operands = 5 : i64, tpu.core_type = #tpu.core_type<sc_vector_subcore>, window_params = [{transform_indices = #map}, {transform_indices = #map}, {transform_indices = #map}]} {
    %mul3A = arith.constant 6272 : i32
    %mul3A_0 = arith.muli %arg1, %mul3A : i32
    %multiple_of3A = tpu.assume_multiple %mul3A_0, 128 : i32
    %mul3A_1 = arith.constant 128 : i32
    %mul3A_2 = arith.muli %arg0, %mul3A_1 : i32
    %multiple_of3A_3 = tpu.assume_multiple %mul3A_2, 128 : i32
    "tpu.region"() ({
      %run_scoped3A = tpu.sem_alloc : memref<!tpu.dma_semaphore, #tpu.memory_space<semaphore_mem>>
      %dma_start3A_34 = tpu.memref_slice %arg3[%arg0, %multiple_of3A] : memref<2x100352xi32, #tpu.memory_space<hbm>> -> memref<1x6272xi32, #tpu.memory_space<hbm>>
      %dma_start3A_35 = tpu.memref_squeeze %dma_start3A_34 : memref<1x6272xi32, #tpu.memory_space<hbm>> -> memref<6272xi32, #tpu.memory_space<hbm>>
      %dma_start3A_36 = tpu.memref_slice %arg3[%arg0, %multiple_of3A] : memref<2x100352xi32, #tpu.memory_space<hbm>> -> memref<1x6272xi32, #tpu.memory_space<hbm>>
      %dma_start3A_37 = tpu.memref_squeeze %dma_start3A_36 : memref<1x6272xi32, #tpu.memory_space<hbm>> -> memref<6272xi32, #tpu.memory_space<hbm>>
      tpu.enqueue_dma source(%dma_start3A_37 : memref<6272xi32, #tpu.memory_space<hbm>>) target(%arg5 : memref<6272xi32, #tpu.memory_space<vmem>>) target_semaphore(%run_scoped3A : memref<!tpu.dma_semaphore, #tpu.memory_space<semaphore_mem>>)
      %dma_wait3A_38 = tpu.memref_slice %arg3[%arg0, %multiple_of3A] : memref<2x100352xi32, #tpu.memory_space<hbm>> -> memref<1x6272xi32, #tpu.memory_space<hbm>>
      %dma_wait3A_39 = tpu.memref_squeeze %dma_wait3A_38 : memref<1x6272xi32, #tpu.memory_space<hbm>> -> memref<6272xi32, #tpu.memory_space<hbm>>
      %dma_wait3A_40 = tpu.memref_slice %arg3[%arg0, %multiple_of3A] : memref<2x100352xi32, #tpu.memory_space<hbm>> -> memref<1x6272xi32, #tpu.memory_space<hbm>>
      %dma_wait3A_41 = tpu.memref_squeeze %dma_wait3A_40 : memref<1x6272xi32, #tpu.memory_space<hbm>> -> memref<6272xi32, #tpu.memory_space<hbm>>
      tpu.wait_dma2 semaphore(%run_scoped3A : memref<!tpu.dma_semaphore, #tpu.memory_space<semaphore_mem>>) src(%dma_wait3A_41 : memref<6272xi32, #tpu.memory_space<hbm>>) dst(%arg5 : memref<6272xi32, #tpu.memory_space<vmem>>)
      tpu.yield
    }) : () -> ()
    %dma_start3A = arith.constant 0 : i32
    %dma_start3A_4 = tpu.memref_slice %arg5[%dma_start3A] : memref<6272xi32, #tpu.memory_space<vmem>> -> memref<128xi32, #tpu.memory_space<vmem>>
    %dma_start3A_5 = arith.constant 0 : i32
    %dma_start3A_6 = arith.constant 0 : i32
    %dma_start3A_7 = tpu.memref_slice %arg2[%dma_start3A_5, %dma_start3A_6] : memref<20224x128xf32, #tpu.memory_space<hbm>> -> memref<20224x128xf32, #tpu.memory_space<hbm>>
    tpu.enqueue_indirect_dma source(%dma_start3A_7 : memref<20224x128xf32, #tpu.memory_space<hbm>>) target(%arg6 : memref<128x128xf32, #tpu.memory_space<vmem>>) offsets(%dma_start3A_4 : memref<128xi32, #tpu.memory_space<vmem>>) semaphore(%arg8 : memref<!tpu.dma_semaphore, #tpu.memory_space<semaphore_mem>>)
    %dma_start3A_8 = arith.constant 128 : i32
    %dma_start3A_9 = tpu.memref_slice %arg5[%dma_start3A_8] : memref<6272xi32, #tpu.memory_space<vmem>> -> memref<128xi32, #tpu.memory_space<vmem>>
    %dma_start3A_10 = arith.constant 0 : i32
    %dma_start3A_11 = arith.constant 0 : i32
    %dma_start3A_12 = tpu.memref_slice %arg2[%dma_start3A_10, %dma_start3A_11] : memref<20224x128xf32, #tpu.memory_space<hbm>> -> memref<20224x128xf32, #tpu.memory_space<hbm>>
    tpu.enqueue_indirect_dma source(%dma_start3A_12 : memref<20224x128xf32, #tpu.memory_space<hbm>>) target(%arg7 : memref<128x128xf32, #tpu.memory_space<vmem>>) offsets(%dma_start3A_9 : memref<128xi32, #tpu.memory_space<vmem>>) semaphore(%arg9 : memref<!tpu.dma_semaphore, #tpu.memory_space<semaphore_mem>>)
    %scan3A = arith.constant 0 : i32
    %scan3A_13 = arith.constant 24 : i32
    %scan3A_14 = arith.addi %scan3A, %scan3A_13 : i32
    %scan3A_15 = arith.constant 1 : i32
    scf.for %scan3A_34 = %scan3A to %scan3A_14 step %scan3A_15  : i32 {
      %mul3A_35 = arith.constant 1 : i32
      %mul3A_36 = arith.muli %scan3A_34, %mul3A_35 : i32
      %add3A_37 = arith.constant 0 : i32
      %add3A_38 = arith.addi %add3A_37, %mul3A_36 : i32
      %mul3A_39 = arith.constant 2 : i32
      %mul3A_40 = arith.muli %add3A_38, %mul3A_39 : i32
      %add3A_41 = arith.constant 1 : i32
      %add3A_42 = arith.addi %mul3A_40, %add3A_41 : i32
      %dma_wait3A_43 = arith.constant 0 : i32
      %dma_wait3A_44 = tpu.memref_slice %arg5[%dma_wait3A_43] : memref<6272xi32, #tpu.memory_space<vmem>> -> memref<128xi32, #tpu.memory_space<vmem>>
      %dma_wait3A_45 = arith.constant 0 : i32
      %dma_wait3A_46 = arith.constant 0 : i32
      %dma_wait3A_47 = tpu.memref_slice %arg2[%dma_wait3A_45, %dma_wait3A_46] : memref<20224x128xf32, #tpu.memory_space<hbm>> -> memref<20224x128xf32, #tpu.memory_space<hbm>>
      tpu.wait_indirect_dma semaphore(%arg8 : memref<!tpu.dma_semaphore, #tpu.memory_space<semaphore_mem>>) src(%dma_wait3A_47 : memref<20224x128xf32, #tpu.memory_space<hbm>>) dst(%arg6 : memref<128x128xf32, #tpu.memory_space<vmem>>)
      %mul3A_48 = arith.constant 128 : i32
      %mul3A_49 = arith.muli %mul3A_40, %mul3A_48 : i32
      %add3A_50 = arith.addi %multiple_of3A, %mul3A_49 : i32
      %multiple_of3A_51 = tpu.assume_multiple %add3A_50, 128 : i32
      %add3A_52 = arith.constant 128 : i32
      %add3A_53 = arith.addi %multiple_of3A_51, %add3A_52 : i32
      %le3A_54 = arith.constant 100000 : i32
      %le3A_55 = arith.cmpi sle, %add3A_53, %le3A_54 : i32
      %convert_element_type3A_56 = arith.extui %le3A_55 : i1 to i32
      %cond3A_57 = arith.constant 0 : i32
      %cond3A_58 = arith.cmpi ne, %convert_element_type3A_56, %cond3A_57 : i32
      scf.if %cond3A_58 {
        "tpu.region"() ({
          %run_scoped3A = tpu.sem_alloc : memref<!tpu.dma_semaphore, #tpu.memory_space<semaphore_mem>>
          %dma_start3A_109 = tpu.memref_slice %arg4[%multiple_of3A_51, %multiple_of3A_3] : memref<100000x256xf32, #tpu.memory_space<hbm>> -> memref<128x128xf32, #tpu.memory_space<hbm>>
          %dma_start3A_110 = tpu.memref_slice %arg4[%multiple_of3A_51, %multiple_of3A_3] : memref<100000x256xf32, #tpu.memory_space<hbm>> -> memref<128x128xf32, #tpu.memory_space<hbm>>
          tpu.enqueue_dma source(%arg6 : memref<128x128xf32, #tpu.memory_space<vmem>>) target(%dma_start3A_110 : memref<128x128xf32, #tpu.memory_space<hbm>>) target_semaphore(%run_scoped3A : memref<!tpu.dma_semaphore, #tpu.memory_space<semaphore_mem>>)
          %dma_wait3A_111 = tpu.memref_slice %arg4[%multiple_of3A_51, %multiple_of3A_3] : memref<100000x256xf32, #tpu.memory_space<hbm>> -> memref<128x128xf32, #tpu.memory_space<hbm>>
          %dma_wait3A_112 = tpu.memref_slice %arg4[%multiple_of3A_51, %multiple_of3A_3] : memref<100000x256xf32, #tpu.memory_space<hbm>> -> memref<128x128xf32, #tpu.memory_space<hbm>>
          tpu.wait_dma2 semaphore(%run_scoped3A : memref<!tpu.dma_semaphore, #tpu.memory_space<semaphore_mem>>) src(%arg6 : memref<128x128xf32, #tpu.memory_space<vmem>>) dst(%dma_wait3A_112 : memref<128x128xf32, #tpu.memory_space<hbm>>)
          tpu.yield
        }) : () -> ()
      } else {
      }
      %lt3A_59 = arith.constant 100000 : i32
      %lt3A_60 = arith.cmpi slt, %multiple_of3A_51, %lt3A_59 : i32
      %add3A_61 = arith.constant 128 : i32
      %add3A_62 = arith.addi %multiple_of3A_51, %add3A_61 : i32
      %gt3A_63 = arith.constant 100000 : i32
      %gt3A_64 = arith.cmpi sgt, %add3A_62, %gt3A_63 : i32
      %and3A_65 = arith.andi %lt3A_60, %gt3A_64 : i1
      %convert_element_type3A_66 = arith.extui %and3A_65 : i1 to i32
      %cond3A_67 = arith.constant 0 : i32
      %cond3A_68 = arith.cmpi ne, %convert_element_type3A_66, %cond3A_67 : i32
      scf.if %cond3A_68 {
        "tpu.region"() ({
          %run_scoped3A = tpu.sem_alloc : memref<!tpu.dma_semaphore, #tpu.memory_space<semaphore_mem>>
          %dma_start3A_109 = arith.constant 0 : i32
          %dma_start3A_110 = arith.constant 0 : i32
          %dma_start3A_111 = tpu.memref_slice %arg6[%dma_start3A_109, %dma_start3A_110] : memref<128x128xf32, #tpu.memory_space<vmem>> -> memref<32x128xf32, #tpu.memory_space<vmem>>
          %dma_start3A_112 = tpu.memref_slice %arg4[%multiple_of3A_51, %multiple_of3A_3] : memref<100000x256xf32, #tpu.memory_space<hbm>> -> memref<32x128xf32, #tpu.memory_space<hbm>>
          %dma_start3A_113 = tpu.memref_slice %arg4[%multiple_of3A_51, %multiple_of3A_3] : memref<100000x256xf32, #tpu.memory_space<hbm>> -> memref<32x128xf32, #tpu.memory_space<hbm>>
          %dma_start3A_114 = arith.constant 0 : i32
          %dma_start3A_115 = arith.constant 0 : i32
          %dma_start3A_116 = tpu.memref_slice %arg6[%dma_start3A_114, %dma_start3A_115] : memref<128x128xf32, #tpu.memory_space<vmem>> -> memref<32x128xf32, #tpu.memory_space<vmem>>
          tpu.enqueue_dma source(%dma_start3A_116 : memref<32x128xf32, #tpu.memory_space<vmem>>) target(%dma_start3A_113 : memref<32x128xf32, #tpu.memory_space<hbm>>) target_semaphore(%run_scoped3A : memref<!tpu.dma_semaphore, #tpu.memory_space<semaphore_mem>>)
          %dma_wait3A_117 = arith.constant 0 : i32
          %dma_wait3A_118 = arith.constant 0 : i32
          %dma_wait3A_119 = tpu.memref_slice %arg6[%dma_wait3A_117, %dma_wait3A_118] : memref<128x128xf32, #tpu.memory_space<vmem>> -> memref<32x128xf32, #tpu.memory_space<vmem>>
          %dma_wait3A_120 = tpu.memref_slice %arg4[%multiple_of3A_51, %multiple_of3A_3] : memref<100000x256xf32, #tpu.memory_space<hbm>> -> memref<32x128xf32, #tpu.memory_space<hbm>>
          %dma_wait3A_121 = tpu.memref_slice %arg4[%multiple_of3A_51, %multiple_of3A_3] : memref<100000x256xf32, #tpu.memory_space<hbm>> -> memref<32x128xf32, #tpu.memory_space<hbm>>
          %dma_wait3A_122 = arith.constant 0 : i32
          %dma_wait3A_123 = arith.constant 0 : i32
          %dma_wait3A_124 = tpu.memref_slice %arg6[%dma_wait3A_122, %dma_wait3A_123] : memref<128x128xf32, #tpu.memory_space<vmem>> -> memref<32x128xf32, #tpu.memory_space<vmem>>
          tpu.wait_dma2 semaphore(%run_scoped3A : memref<!tpu.dma_semaphore, #tpu.memory_space<semaphore_mem>>) src(%dma_wait3A_124 : memref<32x128xf32, #tpu.memory_space<vmem>>) dst(%dma_wait3A_121 : memref<32x128xf32, #tpu.memory_space<hbm>>)
          tpu.yield
        }) : () -> ()
      } else {
      }
      %add3A_69 = arith.constant 2 : i32
      %add3A_70 = arith.addi %mul3A_40, %add3A_69 : i32
      %lt3A_71 = arith.constant 49 : i32
      %lt3A_72 = arith.cmpi slt, %add3A_70, %lt3A_71 : i32
      %convert_element_type3A_73 = arith.extui %lt3A_72 : i1 to i32
      %cond3A_74 = arith.constant 0 : i32
      %cond3A_75 = arith.cmpi ne, %convert_element_type3A_73, %cond3A_74 : i32
      scf.if %cond3A_75 {
        %add3A_109 = arith.constant 2 : i32
        %add3A_110 = arith.addi %mul3A_40, %add3A_109 : i32
        %mul3A_111 = arith.constant 128 : i32
        %mul3A_112 = arith.muli %add3A_110, %mul3A_111 : i32
        %dma_start3A_113 = tpu.memref_slice %arg5[%mul3A_112] : memref<6272xi32, #tpu.memory_space<vmem>> -> memref<128xi32, #tpu.memory_space<vmem>>
        %dma_start3A_114 = arith.constant 0 : i32
        %dma_start3A_115 = arith.constant 0 : i32
        %dma_start3A_116 = tpu.memref_slice %arg2[%dma_start3A_114, %dma_start3A_115] : memref<20224x128xf32, #tpu.memory_space<hbm>> -> memref<20224x128xf32, #tpu.memory_space<hbm>>
        tpu.enqueue_indirect_dma source(%dma_start3A_116 : memref<20224x128xf32, #tpu.memory_space<hbm>>) target(%arg6 : memref<128x128xf32, #tpu.memory_space<vmem>>) offsets(%dma_start3A_113 : memref<128xi32, #tpu.memory_space<vmem>>) semaphore(%arg8 : memref<!tpu.dma_semaphore, #tpu.memory_space<semaphore_mem>>)
      } else {
      }
      %dma_wait3A_76 = arith.constant 0 : i32
      %dma_wait3A_77 = tpu.memref_slice %arg5[%dma_wait3A_76] : memref<6272xi32, #tpu.memory_space<vmem>> -> memref<128xi32, #tpu.memory_space<vmem>>
      %dma_wait3A_78 = arith.constant 0 : i32
      %dma_wait3A_79 = arith.constant 0 : i32
      %dma_wait3A_80 = tpu.memref_slice %arg2[%dma_wait3A_78, %dma_wait3A_79] : memref<20224x128xf32, #tpu.memory_space<hbm>> -> memref<20224x128xf32, #tpu.memory_space<hbm>>
      tpu.wait_indirect_dma semaphore(%arg9 : memref<!tpu.dma_semaphore, #tpu.memory_space<semaphore_mem>>) src(%dma_wait3A_80 : memref<20224x128xf32, #tpu.memory_space<hbm>>) dst(%arg7 : memref<128x128xf32, #tpu.memory_space<vmem>>)
      %mul3A_81 = arith.constant 128 : i32
      %mul3A_82 = arith.muli %add3A_42, %mul3A_81 : i32
      %add3A_83 = arith.addi %multiple_of3A, %mul3A_82 : i32
      %multiple_of3A_84 = tpu.assume_multiple %add3A_83, 128 : i32
      %add3A_85 = arith.constant 128 : i32
      %add3A_86 = arith.addi %multiple_of3A_84, %add3A_85 : i32
      %le3A_87 = arith.constant 100000 : i32
      %le3A_88 = arith.cmpi sle, %add3A_86, %le3A_87 : i32
      %convert_element_type3A_89 = arith.extui %le3A_88 : i1 to i32
      %cond3A_90 = arith.constant 0 : i32
      %cond3A_91 = arith.cmpi ne, %convert_element_type3A_89, %cond3A_90 : i32
      scf.if %cond3A_91 {
        "tpu.region"() ({
          %run_scoped3A = tpu.sem_alloc : memref<!tpu.dma_semaphore, #tpu.memory_space<semaphore_mem>>
          %dma_start3A_109 = tpu.memref_slice %arg4[%multiple_of3A_84, %multiple_of3A_3] : memref<100000x256xf32, #tpu.memory_space<hbm>> -> memref<128x128xf32, #tpu.memory_space<hbm>>
          %dma_start3A_110 = tpu.memref_slice %arg4[%multiple_of3A_84, %multiple_of3A_3] : memref<100000x256xf32, #tpu.memory_space<hbm>> -> memref<128x128xf32, #tpu.memory_space<hbm>>
          tpu.enqueue_dma source(%arg7 : memref<128x128xf32, #tpu.memory_space<vmem>>) target(%dma_start3A_110 : memref<128x128xf32, #tpu.memory_space<hbm>>) target_semaphore(%run_scoped3A : memref<!tpu.dma_semaphore, #tpu.memory_space<semaphore_mem>>)
          %dma_wait3A_111 = tpu.memref_slice %arg4[%multiple_of3A_84, %multiple_of3A_3] : memref<100000x256xf32, #tpu.memory_space<hbm>> -> memref<128x128xf32, #tpu.memory_space<hbm>>
          %dma_wait3A_112 = tpu.memref_slice %arg4[%multiple_of3A_84, %multiple_of3A_3] : memref<100000x256xf32, #tpu.memory_space<hbm>> -> memref<128x128xf32, #tpu.memory_space<hbm>>
          tpu.wait_dma2 semaphore(%run_scoped3A : memref<!tpu.dma_semaphore, #tpu.memory_space<semaphore_mem>>) src(%arg7 : memref<128x128xf32, #tpu.memory_space<vmem>>) dst(%dma_wait3A_112 : memref<128x128xf32, #tpu.memory_space<hbm>>)
          tpu.yield
        }) : () -> ()
      } else {
      }
      %lt3A_92 = arith.constant 100000 : i32
      %lt3A_93 = arith.cmpi slt, %multiple_of3A_84, %lt3A_92 : i32
      %add3A_94 = arith.constant 128 : i32
      %add3A_95 = arith.addi %multiple_of3A_84, %add3A_94 : i32
      %gt3A_96 = arith.constant 100000 : i32
      %gt3A_97 = arith.cmpi sgt, %add3A_95, %gt3A_96 : i32
      %and3A_98 = arith.andi %lt3A_93, %gt3A_97 : i1
      %convert_element_type3A_99 = arith.extui %and3A_98 : i1 to i32
      %cond3A_100 = arith.constant 0 : i32
      %cond3A_101 = arith.cmpi ne, %convert_element_type3A_99, %cond3A_100 : i32
      scf.if %cond3A_101 {
        "tpu.region"() ({
          %run_scoped3A = tpu.sem_alloc : memref<!tpu.dma_semaphore, #tpu.memory_space<semaphore_mem>>
          %dma_start3A_109 = arith.constant 0 : i32
          %dma_start3A_110 = arith.constant 0 : i32
          %dma_start3A_111 = tpu.memref_slice %arg7[%dma_start3A_109, %dma_start3A_110] : memref<128x128xf32, #tpu.memory_space<vmem>> -> memref<32x128xf32, #tpu.memory_space<vmem>>
          %dma_start3A_112 = tpu.memref_slice %arg4[%multiple_of3A_84, %multiple_of3A_3] : memref<100000x256xf32, #tpu.memory_space<hbm>> -> memref<32x128xf32, #tpu.memory_space<hbm>>
          %dma_start3A_113 = tpu.memref_slice %arg4[%multiple_of3A_84, %multiple_of3A_3] : memref<100000x256xf32, #tpu.memory_space<hbm>> -> memref<32x128xf32, #tpu.memory_space<hbm>>
          %dma_start3A_114 = arith.constant 0 : i32
          %dma_start3A_115 = arith.constant 0 : i32
          %dma_start3A_116 = tpu.memref_slice %arg7[%dma_start3A_114, %dma_start3A_115] : memref<128x128xf32, #tpu.memory_space<vmem>> -> memref<32x128xf32, #tpu.memory_space<vmem>>
          tpu.enqueue_dma source(%dma_start3A_116 : memref<32x128xf32, #tpu.memory_space<vmem>>) target(%dma_start3A_113 : memref<32x128xf32, #tpu.memory_space<hbm>>) target_semaphore(%run_scoped3A : memref<!tpu.dma_semaphore, #tpu.memory_space<semaphore_mem>>)
          %dma_wait3A_117 = arith.constant 0 : i32
          %dma_wait3A_118 = arith.constant 0 : i32
          %dma_wait3A_119 = tpu.memref_slice %arg7[%dma_wait3A_117, %dma_wait3A_118] : memref<128x128xf32, #tpu.memory_space<vmem>> -> memref<32x128xf32, #tpu.memory_space<vmem>>
          %dma_wait3A_120 = tpu.memref_slice %arg4[%multiple_of3A_84, %multiple_of3A_3] : memref<100000x256xf32, #tpu.memory_space<hbm>> -> memref<32x128xf32, #tpu.memory_space<hbm>>
          %dma_wait3A_121 = tpu.memref_slice %arg4[%multiple_of3A_84, %multiple_of3A_3] : memref<100000x256xf32, #tpu.memory_space<hbm>> -> memref<32x128xf32, #tpu.memory_space<hbm>>
          %dma_wait3A_122 = arith.constant 0 : i32
          %dma_wait3A_123 = arith.constant 0 : i32
          %dma_wait3A_124 = tpu.memref_slice %arg7[%dma_wait3A_122, %dma_wait3A_123] : memref<128x128xf32, #tpu.memory_space<vmem>> -> memref<32x128xf32, #tpu.memory_space<vmem>>
          tpu.wait_dma2 semaphore(%run_scoped3A : memref<!tpu.dma_semaphore, #tpu.memory_space<semaphore_mem>>) src(%dma_wait3A_124 : memref<32x128xf32, #tpu.memory_space<vmem>>) dst(%dma_wait3A_121 : memref<32x128xf32, #tpu.memory_space<hbm>>)
          tpu.yield
        }) : () -> ()
      } else {
      }
      %add3A_102 = arith.constant 2 : i32
      %add3A_103 = arith.addi %add3A_42, %add3A_102 : i32
      %lt3A_104 = arith.constant 49 : i32
      %lt3A_105 = arith.cmpi slt, %add3A_103, %lt3A_104 : i32
      %convert_element_type3A_106 = arith.extui %lt3A_105 : i1 to i32
      %cond3A_107 = arith.constant 0 : i32
      %cond3A_108 = arith.cmpi ne, %convert_element_type3A_106, %cond3A_107 : i32
      scf.if %cond3A_108 {
        %add3A_109 = arith.constant 2 : i32
        %add3A_110 = arith.addi %add3A_42, %add3A_109 : i32
        %mul3A_111 = arith.constant 128 : i32
        %mul3A_112 = arith.muli %add3A_110, %mul3A_111 : i32
        %dma_start3A_113 = tpu.memref_slice %arg5[%mul3A_112] : memref<6272xi32, #tpu.memory_space<vmem>> -> memref<128xi32, #tpu.memory_space<vmem>>
        %dma_start3A_114 = arith.constant 0 : i32
        %dma_start3A_115 = arith.constant 0 : i32
        %dma_start3A_116 = tpu.memref_slice %arg2[%dma_start3A_114, %dma_start3A_115] : memref<20224x128xf32, #tpu.memory_space<hbm>> -> memref<20224x128xf32, #tpu.memory_space<hbm>>
        tpu.enqueue_indirect_dma source(%dma_start3A_116 : memref<20224x128xf32, #tpu.memory_space<hbm>>) target(%arg7 : memref<128x128xf32, #tpu.memory_space<vmem>>) offsets(%dma_start3A_113 : memref<128xi32, #tpu.memory_space<vmem>>) semaphore(%arg9 : memref<!tpu.dma_semaphore, #tpu.memory_space<semaphore_mem>>)
      } else {
      }
    }
    %scan3A_16 = arith.constant 24 : i32
    %dma_wait3A = arith.constant 0 : i32
    %dma_wait3A_17 = tpu.memref_slice %arg5[%dma_wait3A] : memref<6272xi32, #tpu.memory_space<vmem>> -> memref<128xi32, #tpu.memory_space<vmem>>
    %dma_wait3A_18 = arith.constant 0 : i32
    %dma_wait3A_19 = arith.constant 0 : i32
    %dma_wait3A_20 = tpu.memref_slice %arg2[%dma_wait3A_18, %dma_wait3A_19] : memref<20224x128xf32, #tpu.memory_space<hbm>> -> memref<20224x128xf32, #tpu.memory_space<hbm>>
    tpu.wait_indirect_dma semaphore(%arg8 : memref<!tpu.dma_semaphore, #tpu.memory_space<semaphore_mem>>) src(%dma_wait3A_20 : memref<20224x128xf32, #tpu.memory_space<hbm>>) dst(%arg6 : memref<128x128xf32, #tpu.memory_space<vmem>>)
    %add3A = arith.constant 6144 : i32
    %add3A_21 = arith.addi %multiple_of3A, %add3A : i32
    %multiple_of3A_22 = tpu.assume_multiple %add3A_21, 128 : i32
    %add3A_23 = arith.constant 128 : i32
    %add3A_24 = arith.addi %multiple_of3A_22, %add3A_23 : i32
    %le3A = arith.constant 100000 : i32
    %le3A_25 = arith.cmpi sle, %add3A_24, %le3A : i32
    %convert_element_type3A = arith.extui %le3A_25 : i1 to i32
    %cond3A = arith.constant 0 : i32
    %cond3A_26 = arith.cmpi ne, %convert_element_type3A, %cond3A : i32
    scf.if %cond3A_26 {
      "tpu.region"() ({
        %run_scoped3A = tpu.sem_alloc : memref<!tpu.dma_semaphore, #tpu.memory_space<semaphore_mem>>
        %dma_start3A_34 = tpu.memref_slice %arg4[%multiple_of3A_22, %multiple_of3A_3] : memref<100000x256xf32, #tpu.memory_space<hbm>> -> memref<128x128xf32, #tpu.memory_space<hbm>>
        %dma_start3A_35 = tpu.memref_slice %arg4[%multiple_of3A_22, %multiple_of3A_3] : memref<100000x256xf32, #tpu.memory_space<hbm>> -> memref<128x128xf32, #tpu.memory_space<hbm>>
        tpu.enqueue_dma source(%arg6 : memref<128x128xf32, #tpu.memory_space<vmem>>) target(%dma_start3A_35 : memref<128x128xf32, #tpu.memory_space<hbm>>) target_semaphore(%run_scoped3A : memref<!tpu.dma_semaphore, #tpu.memory_space<semaphore_mem>>)
        %dma_wait3A_36 = tpu.memref_slice %arg4[%multiple_of3A_22, %multiple_of3A_3] : memref<100000x256xf32, #tpu.memory_space<hbm>> -> memref<128x128xf32, #tpu.memory_space<hbm>>
        %dma_wait3A_37 = tpu.memref_slice %arg4[%multiple_of3A_22, %multiple_of3A_3] : memref<100000x256xf32, #tpu.memory_space<hbm>> -> memref<128x128xf32, #tpu.memory_space<hbm>>
        tpu.wait_dma2 semaphore(%run_scoped3A : memref<!tpu.dma_semaphore, #tpu.memory_space<semaphore_mem>>) src(%arg6 : memref<128x128xf32, #tpu.memory_space<vmem>>) dst(%dma_wait3A_37 : memref<128x128xf32, #tpu.memory_space<hbm>>)
        tpu.yield
      }) : () -> ()
    } else {
    }
    %lt3A = arith.constant 100000 : i32
    %lt3A_27 = arith.cmpi slt, %multiple_of3A_22, %lt3A : i32
    %add3A_28 = arith.constant 128 : i32
    %add3A_29 = arith.addi %multiple_of3A_22, %add3A_28 : i32
    %gt3A = arith.constant 100000 : i32
    %gt3A_30 = arith.cmpi sgt, %add3A_29, %gt3A : i32
    %and3A = arith.andi %lt3A_27, %gt3A_30 : i1
    %convert_element_type3A_31 = arith.extui %and3A : i1 to i32
    %cond3A_32 = arith.constant 0 : i32
    %cond3A_33 = arith.cmpi ne, %convert_element_type3A_31, %cond3A_32 : i32
    scf.if %cond3A_33 {
      "tpu.region"() ({
        %run_scoped3A = tpu.sem_alloc : memref<!tpu.dma_semaphore, #tpu.memory_space<semaphore_mem>>
        %dma_start3A_34 = arith.constant 0 : i32
        %dma_start3A_35 = arith.constant 0 : i32
        %dma_start3A_36 = tpu.memref_slice %arg6[%dma_start3A_34, %dma_start3A_35] : memref<128x128xf32, #tpu.memory_space<vmem>> -> memref<32x128xf32, #tpu.memory_space<vmem>>
        %dma_start3A_37 = tpu.memref_slice %arg4[%multiple_of3A_22, %multiple_of3A_3] : memref<100000x256xf32, #tpu.memory_space<hbm>> -> memref<32x128xf32, #tpu.memory_space<hbm>>
        %dma_start3A_38 = tpu.memref_slice %arg4[%multiple_of3A_22, %multiple_of3A_3] : memref<100000x256xf32, #tpu.memory_space<hbm>> -> memref<32x128xf32, #tpu.memory_space<hbm>>
        %dma_start3A_39 = arith.constant 0 : i32
        %dma_start3A_40 = arith.constant 0 : i32
        %dma_start3A_41 = tpu.memref_slice %arg6[%dma_start3A_39, %dma_start3A_40] : memref<128x128xf32, #tpu.memory_space<vmem>> -> memref<32x128xf32, #tpu.memory_space<vmem>>
        tpu.enqueue_dma source(%dma_start3A_41 : memref<32x128xf32, #tpu.memory_space<vmem>>) target(%dma_start3A_38 : memref<32x128xf32, #tpu.memory_space<hbm>>) target_semaphore(%run_scoped3A : memref<!tpu.dma_semaphore, #tpu.memory_space<semaphore_mem>>)
        %dma_wait3A_42 = arith.constant 0 : i32
        %dma_wait3A_43 = arith.constant 0 : i32
        %dma_wait3A_44 = tpu.memref_slice %arg6[%dma_wait3A_42, %dma_wait3A_43] : memref<128x128xf32, #tpu.memory_space<vmem>> -> memref<32x128xf32, #tpu.memory_space<vmem>>
        %dma_wait3A_45 = tpu.memref_slice %arg4[%multiple_of3A_22, %multiple_of3A_3] : memref<100000x256xf32, #tpu.memory_space<hbm>> -> memref<32x128xf32, #tpu.memory_space<hbm>>
        %dma_wait3A_46 = tpu.memref_slice %arg4[%multiple_of3A_22, %multiple_of3A_3] : memref<100000x256xf32, #tpu.memory_space<hbm>> -> memref<32x128xf32, #tpu.memory_space<hbm>>
        %dma_wait3A_47 = arith.constant 0 : i32
        %dma_wait3A_48 = arith.constant 0 : i32
        %dma_wait3A_49 = tpu.memref_slice %arg6[%dma_wait3A_47, %dma_wait3A_48] : memref<128x128xf32, #tpu.memory_space<vmem>> -> memref<32x128xf32, #tpu.memory_space<vmem>>
        tpu.wait_dma2 semaphore(%run_scoped3A : memref<!tpu.dma_semaphore, #tpu.memory_space<semaphore_mem>>) src(%dma_wait3A_49 : memref<32x128xf32, #tpu.memory_space<vmem>>) dst(%dma_wait3A_46 : memref<32x128xf32, #tpu.memory_space<hbm>>)
        tpu.yield
      }) : () -> ()
    } else {
    }
    return
  }
}

#map = affine_map<(d0, d1) -> (0, 0)>
#map1 = affine_map<(d0, d1) -> (0, 0, 0)>
module attributes {stable_mosaic.version = 14 : i64} {
  func.func @body(%arg0: i32, %arg1: i32, %arg2: memref<20224x128xf32, #tpu.memory_space<hbm>>, %arg3: memref<2x2560x128xi32, #tpu.memory_space<hbm>>, %arg4: memref<2x2560x128xi32, #tpu.memory_space<hbm>>, %arg5: memref<10112x128xf32, #tpu.memory_space<hbm>>, %arg6: memref<2x10112x128xf32, #tpu.memory_space<hbm>>, %arg7: memref<8x128xi32, #tpu.memory_space<vmem>>, %arg8: memref<8x128xi32, #tpu.memory_space<vmem>>, %arg9: memref<8x128xi32, #tpu.memory_space<vmem>>, %arg10: memref<8x128xi32, #tpu.memory_space<vmem>>, %arg11: memref<128x128xf32, #tpu.memory_space<vmem>>, %arg12: memref<128x128xf32, #tpu.memory_space<vmem>>, %arg13: memref<10112x128xf32, #tpu.memory_space<vmem_shared>>, %arg14: memref<!tpu.dma_semaphore, #tpu.memory_space<semaphore_mem>>, %arg15: memref<!tpu.dma_semaphore, #tpu.memory_space<semaphore_mem>>, %arg16: memref<!tpu.dma_semaphore, #tpu.memory_space<semaphore_mem>>, %arg17: memref<!tpu.dma_semaphore, #tpu.memory_space<semaphore_mem>>) attributes {dimension_semantics = [#tpu.dimension_semantics<core_parallel>, #tpu.dimension_semantics<subcore_parallel>], iteration_bounds = array<i64: 2, 16>, scalar_prefetch = 0 : i64, scratch_operands = 11 : i64, tpu.core_type = #tpu.core_type<sc_vector_subcore>, window_params = [{transform_indices = #map}, {transform_indices = #map1}, {transform_indices = #map1}, {transform_indices = #map}, {transform_indices = #map1}]} {
    %mul3A = arith.constant 632 : i32
    %mul3A_0 = arith.muli %arg1, %mul3A : i32
    %multiple_of3A = tpu.assume_multiple %mul3A_0, 8 : i32
    "tpu.region"() ({
      %run_scoped3A = tpu.sem_alloc : memref<!tpu.dma_semaphore, #tpu.memory_space<semaphore_mem>>
      %dma_start3A_66 = arith.constant 0 : i32
      %dma_start3A_67 = tpu.memref_slice %arg13[%multiple_of3A, %dma_start3A_66] : memref<10112x128xf32, #tpu.memory_space<vmem_shared>> -> memref<632x128xf32, #tpu.memory_space<vmem_shared>>
      %dma_start3A_68 = arith.constant 0 : i32
      %dma_start3A_69 = tpu.memref_slice %arg5[%multiple_of3A, %dma_start3A_68] : memref<10112x128xf32, #tpu.memory_space<hbm>> -> memref<632x128xf32, #tpu.memory_space<hbm>>
      tpu.enqueue_dma source(%dma_start3A_69 : memref<632x128xf32, #tpu.memory_space<hbm>>) target(%dma_start3A_67 : memref<632x128xf32, #tpu.memory_space<vmem_shared>>) target_semaphore(%run_scoped3A : memref<!tpu.dma_semaphore, #tpu.memory_space<semaphore_mem>>)
      %dma_wait3A_70 = arith.constant 0 : i32
      %dma_wait3A_71 = tpu.memref_slice %arg13[%multiple_of3A, %dma_wait3A_70] : memref<10112x128xf32, #tpu.memory_space<vmem_shared>> -> memref<632x128xf32, #tpu.memory_space<vmem_shared>>
      %dma_wait3A_72 = arith.constant 0 : i32
      %dma_wait3A_73 = tpu.memref_slice %arg5[%multiple_of3A, %dma_wait3A_72] : memref<10112x128xf32, #tpu.memory_space<hbm>> -> memref<632x128xf32, #tpu.memory_space<hbm>>
      tpu.wait_dma2 semaphore(%run_scoped3A : memref<!tpu.dma_semaphore, #tpu.memory_space<semaphore_mem>>) src(%dma_wait3A_73 : memref<632x128xf32, #tpu.memory_space<hbm>>) dst(%dma_wait3A_71 : memref<632x128xf32, #tpu.memory_space<vmem_shared>>)
      tpu.yield
    }) : () -> ()
    %barrier3A = arith.constant 0 : index
    tpu.barrier barrier_id(%barrier3A)
    %mul3A_1 = arith.constant 160 : i32
    %mul3A_2 = arith.muli %arg1, %mul3A_1 : i32
    %broadcast_in_dim3A = arith.constant 1.000000e+00 : f32
    %broadcast_in_dim3A_3 = vector.broadcast %broadcast_in_dim3A : f32 to vector<16xf32>
    %add3A = arith.constant 0 : i32
    %add3A_4 = arith.addi %mul3A_2, %add3A : i32
    %multiple_of3A_5 = tpu.assume_multiple %add3A_4, 8 : i32
    %dma_start3A = arith.constant 0 : i32
    %dma_start3A_6 = tpu.memref_slice %arg3[%arg0, %multiple_of3A_5, %dma_start3A] : memref<2x2560x128xi32, #tpu.memory_space<hbm>> -> memref<1x8x128xi32, #tpu.memory_space<hbm>>
    %dma_start3A_7 = tpu.memref_squeeze %dma_start3A_6 : memref<1x8x128xi32, #tpu.memory_space<hbm>> -> memref<8x128xi32, #tpu.memory_space<hbm>>
    %dma_start3A_8 = arith.constant 0 : i32
    %dma_start3A_9 = tpu.memref_slice %arg3[%arg0, %multiple_of3A_5, %dma_start3A_8] : memref<2x2560x128xi32, #tpu.memory_space<hbm>> -> memref<1x8x128xi32, #tpu.memory_space<hbm>>
    %dma_start3A_10 = tpu.memref_squeeze %dma_start3A_9 : memref<1x8x128xi32, #tpu.memory_space<hbm>> -> memref<8x128xi32, #tpu.memory_space<hbm>>
    tpu.enqueue_dma source(%dma_start3A_10 : memref<8x128xi32, #tpu.memory_space<hbm>>) target(%arg7 : memref<8x128xi32, #tpu.memory_space<vmem>>) target_semaphore(%arg16 : memref<!tpu.dma_semaphore, #tpu.memory_space<semaphore_mem>>)
    %dma_start3A_11 = arith.constant 0 : i32
    %dma_start3A_12 = tpu.memref_slice %arg4[%arg0, %multiple_of3A_5, %dma_start3A_11] : memref<2x2560x128xi32, #tpu.memory_space<hbm>> -> memref<1x8x128xi32, #tpu.memory_space<hbm>>
    %dma_start3A_13 = tpu.memref_squeeze %dma_start3A_12 : memref<1x8x128xi32, #tpu.memory_space<hbm>> -> memref<8x128xi32, #tpu.memory_space<hbm>>
    %dma_start3A_14 = arith.constant 0 : i32
    %dma_start3A_15 = tpu.memref_slice %arg4[%arg0, %multiple_of3A_5, %dma_start3A_14] : memref<2x2560x128xi32, #tpu.memory_space<hbm>> -> memref<1x8x128xi32, #tpu.memory_space<hbm>>
    %dma_start3A_16 = tpu.memref_squeeze %dma_start3A_15 : memref<1x8x128xi32, #tpu.memory_space<hbm>> -> memref<8x128xi32, #tpu.memory_space<hbm>>
    tpu.enqueue_dma source(%dma_start3A_16 : memref<8x128xi32, #tpu.memory_space<hbm>>) target(%arg8 : memref<8x128xi32, #tpu.memory_space<vmem>>) target_semaphore(%arg16 : memref<!tpu.dma_semaphore, #tpu.memory_space<semaphore_mem>>)
    %add3A_17 = arith.constant 8 : i32
    %add3A_18 = arith.addi %mul3A_2, %add3A_17 : i32
    %multiple_of3A_19 = tpu.assume_multiple %add3A_18, 8 : i32
    %dma_start3A_20 = arith.constant 0 : i32
    %dma_start3A_21 = tpu.memref_slice %arg3[%arg0, %multiple_of3A_19, %dma_start3A_20] : memref<2x2560x128xi32, #tpu.memory_space<hbm>> -> memref<1x8x128xi32, #tpu.memory_space<hbm>>
    %dma_start3A_22 = tpu.memref_squeeze %dma_start3A_21 : memref<1x8x128xi32, #tpu.memory_space<hbm>> -> memref<8x128xi32, #tpu.memory_space<hbm>>
    %dma_start3A_23 = arith.constant 0 : i32
    %dma_start3A_24 = tpu.memref_slice %arg3[%arg0, %multiple_of3A_19, %dma_start3A_23] : memref<2x2560x128xi32, #tpu.memory_space<hbm>> -> memref<1x8x128xi32, #tpu.memory_space<hbm>>
    %dma_start3A_25 = tpu.memref_squeeze %dma_start3A_24 : memref<1x8x128xi32, #tpu.memory_space<hbm>> -> memref<8x128xi32, #tpu.memory_space<hbm>>
    tpu.enqueue_dma source(%dma_start3A_25 : memref<8x128xi32, #tpu.memory_space<hbm>>) target(%arg9 : memref<8x128xi32, #tpu.memory_space<vmem>>) target_semaphore(%arg17 : memref<!tpu.dma_semaphore, #tpu.memory_space<semaphore_mem>>)
    %dma_start3A_26 = arith.constant 0 : i32
    %dma_start3A_27 = tpu.memref_slice %arg4[%arg0, %multiple_of3A_19, %dma_start3A_26] : memref<2x2560x128xi32, #tpu.memory_space<hbm>> -> memref<1x8x128xi32, #tpu.memory_space<hbm>>
    %dma_start3A_28 = tpu.memref_squeeze %dma_start3A_27 : memref<1x8x128xi32, #tpu.memory_space<hbm>> -> memref<8x128xi32, #tpu.memory_space<hbm>>
    %dma_start3A_29 = arith.constant 0 : i32
    %dma_start3A_30 = tpu.memref_slice %arg4[%arg0, %multiple_of3A_19, %dma_start3A_29] : memref<2x2560x128xi32, #tpu.memory_space<hbm>> -> memref<1x8x128xi32, #tpu.memory_space<hbm>>
    %dma_start3A_31 = tpu.memref_squeeze %dma_start3A_30 : memref<1x8x128xi32, #tpu.memory_space<hbm>> -> memref<8x128xi32, #tpu.memory_space<hbm>>
    tpu.enqueue_dma source(%dma_start3A_31 : memref<8x128xi32, #tpu.memory_space<hbm>>) target(%arg10 : memref<8x128xi32, #tpu.memory_space<vmem>>) target_semaphore(%arg17 : memref<!tpu.dma_semaphore, #tpu.memory_space<semaphore_mem>>)
    %dma_wait3A = arith.constant 0 : i32
    %dma_wait3A_32 = arith.constant 0 : i32
    %dma_wait3A_33 = tpu.memref_slice %arg3[%arg0, %dma_wait3A, %dma_wait3A_32] : memref<2x2560x128xi32, #tpu.memory_space<hbm>> -> memref<1x8x128xi32, #tpu.memory_space<hbm>>
    %dma_wait3A_34 = tpu.memref_squeeze %dma_wait3A_33 : memref<1x8x128xi32, #tpu.memory_space<hbm>> -> memref<8x128xi32, #tpu.memory_space<hbm>>
    %dma_wait3A_35 = arith.constant 0 : i32
    %dma_wait3A_36 = arith.constant 0 : i32
    %dma_wait3A_37 = tpu.memref_slice %arg3[%arg0, %dma_wait3A_35, %dma_wait3A_36] : memref<2x2560x128xi32, #tpu.memory_space<hbm>> -> memref<1x8x128xi32, #tpu.memory_space<hbm>>
    %dma_wait3A_38 = tpu.memref_squeeze %dma_wait3A_37 : memref<1x8x128xi32, #tpu.memory_space<hbm>> -> memref<8x128xi32, #tpu.memory_space<hbm>>
    tpu.wait_dma2 semaphore(%arg16 : memref<!tpu.dma_semaphore, #tpu.memory_space<semaphore_mem>>) src(%dma_wait3A_38 : memref<8x128xi32, #tpu.memory_space<hbm>>) dst(%arg7 : memref<8x128xi32, #tpu.memory_space<vmem>>)
    %dma_wait3A_39 = arith.constant 0 : i32
    %dma_wait3A_40 = arith.constant 0 : i32
    %dma_wait3A_41 = tpu.memref_slice %arg3[%arg0, %dma_wait3A_39, %dma_wait3A_40] : memref<2x2560x128xi32, #tpu.memory_space<hbm>> -> memref<1x8x128xi32, #tpu.memory_space<hbm>>
    %dma_wait3A_42 = tpu.memref_squeeze %dma_wait3A_41 : memref<1x8x128xi32, #tpu.memory_space<hbm>> -> memref<8x128xi32, #tpu.memory_space<hbm>>
    %dma_wait3A_43 = arith.constant 0 : i32
    %dma_wait3A_44 = arith.constant 0 : i32
    %dma_wait3A_45 = tpu.memref_slice %arg3[%arg0, %dma_wait3A_43, %dma_wait3A_44] : memref<2x2560x128xi32, #tpu.memory_space<hbm>> -> memref<1x8x128xi32, #tpu.memory_space<hbm>>
    %dma_wait3A_46 = tpu.memref_squeeze %dma_wait3A_45 : memref<1x8x128xi32, #tpu.memory_space<hbm>> -> memref<8x128xi32, #tpu.memory_space<hbm>>
    tpu.wait_dma2 semaphore(%arg16 : memref<!tpu.dma_semaphore, #tpu.memory_space<semaphore_mem>>) src(%dma_wait3A_46 : memref<8x128xi32, #tpu.memory_space<hbm>>) dst(%arg8 : memref<8x128xi32, #tpu.memory_space<vmem>>)
    %dma_start3A_47 = arith.constant 0 : i32
    %dma_start3A_48 = arith.constant 0 : i32
    %dma_start3A_49 = tpu.memref_slice %arg7[%dma_start3A_47, %dma_start3A_48] : memref<8x128xi32, #tpu.memory_space<vmem>> -> memref<1x128xi32, #tpu.memory_space<vmem>>
    %dma_start3A_50 = tpu.memref_squeeze %dma_start3A_49 : memref<1x128xi32, #tpu.memory_space<vmem>> -> memref<128xi32, #tpu.memory_space<vmem>>
    %dma_start3A_51 = arith.constant 0 : i32
    %dma_start3A_52 = arith.constant 0 : i32
    %dma_start3A_53 = tpu.memref_slice %arg2[%dma_start3A_51, %dma_start3A_52] : memref<20224x128xf32, #tpu.memory_space<hbm>> -> memref<20224x128xf32, #tpu.memory_space<hbm>>
    tpu.enqueue_indirect_dma source(%dma_start3A_53 : memref<20224x128xf32, #tpu.memory_space<hbm>>) target(%arg11 : memref<128x128xf32, #tpu.memory_space<vmem>>) offsets(%dma_start3A_50 : memref<128xi32, #tpu.memory_space<vmem>>) semaphore(%arg14 : memref<!tpu.dma_semaphore, #tpu.memory_space<semaphore_mem>>)
    %dma_start3A_54 = arith.constant 1 : i32
    %dma_start3A_55 = arith.constant 0 : i32
    %dma_start3A_56 = tpu.memref_slice %arg7[%dma_start3A_54, %dma_start3A_55] : memref<8x128xi32, #tpu.memory_space<vmem>> -> memref<1x128xi32, #tpu.memory_space<vmem>>
    %dma_start3A_57 = tpu.memref_squeeze %dma_start3A_56 : memref<1x128xi32, #tpu.memory_space<vmem>> -> memref<128xi32, #tpu.memory_space<vmem>>
    %dma_start3A_58 = arith.constant 0 : i32
    %dma_start3A_59 = arith.constant 0 : i32
    %dma_start3A_60 = tpu.memref_slice %arg2[%dma_start3A_58, %dma_start3A_59] : memref<20224x128xf32, #tpu.memory_space<hbm>> -> memref<20224x128xf32, #tpu.memory_space<hbm>>
    tpu.enqueue_indirect_dma source(%dma_start3A_60 : memref<20224x128xf32, #tpu.memory_space<hbm>>) target(%arg12 : memref<128x128xf32, #tpu.memory_space<vmem>>) offsets(%dma_start3A_57 : memref<128xi32, #tpu.memory_space<vmem>>) semaphore(%arg15 : memref<!tpu.dma_semaphore, #tpu.memory_space<semaphore_mem>>)
    %scan3A = arith.constant 0 : i32
    %scan3A_61 = arith.constant 10 : i32
    %scan3A_62 = arith.addi %scan3A, %scan3A_61 : i32
    %scan3A_63 = arith.constant 1 : i32
    scf.for %scan3A_66 = %scan3A to %scan3A_62 step %scan3A_63  : i32 {
      %mul3A_67 = arith.constant 1 : i32
      %mul3A_68 = arith.muli %scan3A_66, %mul3A_67 : i32
      %add3A_69 = arith.constant 0 : i32
      %add3A_70 = arith.addi %add3A_69, %mul3A_68 : i32
      %add3A_71 = arith.constant 1 : i32
      %add3A_72 = arith.addi %add3A_70, %add3A_71 : i32
      %lt3A = arith.constant 10 : i32
      %lt3A_73 = arith.cmpi slt, %add3A_72, %lt3A : i32
      %scan3A_74 = arith.constant 0 : i32
      %scan3A_75 = arith.constant 4 : i32
      %scan3A_76 = arith.addi %scan3A_74, %scan3A_75 : i32
      %scan3A_77 = arith.constant 1 : i32
      scf.for %scan3A_88 = %scan3A_74 to %scan3A_76 step %scan3A_77  : i32 {
        %mul3A_89 = arith.constant 1 : i32
        %mul3A_90 = arith.muli %scan3A_88, %mul3A_89 : i32
        %add3A_91 = arith.constant 0 : i32
        %add3A_92 = arith.addi %add3A_91, %mul3A_90 : i32
        %mul3A_93 = arith.constant 2 : i32
        %mul3A_94 = arith.muli %add3A_92, %mul3A_93 : i32
        %dma_wait3A_95 = arith.constant 0 : i32
        %dma_wait3A_96 = arith.constant 0 : i32
        %dma_wait3A_97 = tpu.memref_slice %arg7[%dma_wait3A_95, %dma_wait3A_96] : memref<8x128xi32, #tpu.memory_space<vmem>> -> memref<1x128xi32, #tpu.memory_space<vmem>>
        %dma_wait3A_98 = tpu.memref_squeeze %dma_wait3A_97 : memref<1x128xi32, #tpu.memory_space<vmem>> -> memref<128xi32, #tpu.memory_space<vmem>>
        %dma_wait3A_99 = arith.constant 0 : i32
        %dma_wait3A_100 = arith.constant 0 : i32
        %dma_wait3A_101 = tpu.memref_slice %arg2[%dma_wait3A_99, %dma_wait3A_100] : memref<20224x128xf32, #tpu.memory_space<hbm>> -> memref<20224x128xf32, #tpu.memory_space<hbm>>
        tpu.wait_indirect_dma semaphore(%arg14 : memref<!tpu.dma_semaphore, #tpu.memory_space<semaphore_mem>>) src(%dma_wait3A_101 : memref<20224x128xf32, #tpu.memory_space<hbm>>) dst(%arg11 : memref<128x128xf32, #tpu.memory_space<vmem>>)
        "tpu.region"() ({
          %run_scoped3A = tpu.sem_alloc : memref<!tpu.dma_semaphore, #tpu.memory_space<semaphore_mem>>
          %dma_start3A_139 = arith.constant 0 : i32
          %dma_start3A_140 = tpu.memref_slice %arg8[%mul3A_94, %dma_start3A_139] : memref<8x128xi32, #tpu.memory_space<vmem>> -> memref<1x128xi32, #tpu.memory_space<vmem>>
          %dma_start3A_141 = tpu.memref_squeeze %dma_start3A_140 : memref<1x128xi32, #tpu.memory_space<vmem>> -> memref<128xi32, #tpu.memory_space<vmem>>
          %dma_start3A_142 = arith.constant 0 : i32
          %dma_start3A_143 = arith.constant 0 : i32
          %dma_start3A_144 = tpu.memref_slice %arg13[%dma_start3A_142, %dma_start3A_143] : memref<10112x128xf32, #tpu.memory_space<vmem_shared>> -> memref<10112x128xf32, #tpu.memory_space<vmem_shared>>
          tpu.enqueue_indirect_dma source(%arg11 : memref<128x128xf32, #tpu.memory_space<vmem>>) target(%dma_start3A_144 : memref<10112x128xf32, #tpu.memory_space<vmem_shared>>) offsets(%dma_start3A_141 : memref<128xi32, #tpu.memory_space<vmem>>) semaphore(%run_scoped3A : memref<!tpu.dma_semaphore, #tpu.memory_space<semaphore_mem>>) {add = true}
          %dma_wait3A_145 = arith.constant 0 : i32
          %dma_wait3A_146 = tpu.memref_slice %arg8[%mul3A_94, %dma_wait3A_145] : memref<8x128xi32, #tpu.memory_space<vmem>> -> memref<1x128xi32, #tpu.memory_space<vmem>>
          %dma_wait3A_147 = tpu.memref_squeeze %dma_wait3A_146 : memref<1x128xi32, #tpu.memory_space<vmem>> -> memref<128xi32, #tpu.memory_space<vmem>>
          %dma_wait3A_148 = arith.constant 0 : i32
          %dma_wait3A_149 = arith.constant 0 : i32
          %dma_wait3A_150 = tpu.memref_slice %arg13[%dma_wait3A_148, %dma_wait3A_149] : memref<10112x128xf32, #tpu.memory_space<vmem_shared>> -> memref<10112x128xf32, #tpu.memory_space<vmem_shared>>
          tpu.wait_indirect_dma semaphore(%run_scoped3A : memref<!tpu.dma_semaphore, #tpu.memory_space<semaphore_mem>>) src(%arg11 : memref<128x128xf32, #tpu.memory_space<vmem>>) dst(%dma_wait3A_150 : memref<10112x128xf32, #tpu.memory_space<vmem_shared>>)
          tpu.yield
        }) : () -> ()
        %eq3A = arith.constant 6 : i32
        %eq3A_102 = arith.cmpi eq, %mul3A_94, %eq3A : i32
        %convert_element_type3A_103 = arith.extui %eq3A_102 : i1 to i32
        %cond3A_104 = arith.constant 0 : i32
        %cond3A_105 = arith.cmpi ne, %convert_element_type3A_103, %cond3A_104 : i32
        scf.if %cond3A_105 {
          %dma_wait3A_139 = arith.constant 0 : i32
          %dma_wait3A_140 = arith.constant 0 : i32
          %dma_wait3A_141 = tpu.memref_slice %arg3[%arg0, %dma_wait3A_139, %dma_wait3A_140] : memref<2x2560x128xi32, #tpu.memory_space<hbm>> -> memref<1x8x128xi32, #tpu.memory_space<hbm>>
          %dma_wait3A_142 = tpu.memref_squeeze %dma_wait3A_141 : memref<1x8x128xi32, #tpu.memory_space<hbm>> -> memref<8x128xi32, #tpu.memory_space<hbm>>
          %dma_wait3A_143 = arith.constant 0 : i32
          %dma_wait3A_144 = arith.constant 0 : i32
          %dma_wait3A_145 = tpu.memref_slice %arg3[%arg0, %dma_wait3A_143, %dma_wait3A_144] : memref<2x2560x128xi32, #tpu.memory_space<hbm>> -> memref<1x8x128xi32, #tpu.memory_space<hbm>>
          %dma_wait3A_146 = tpu.memref_squeeze %dma_wait3A_145 : memref<1x8x128xi32, #tpu.memory_space<hbm>> -> memref<8x128xi32, #tpu.memory_space<hbm>>
          tpu.wait_dma2 semaphore(%arg17 : memref<!tpu.dma_semaphore, #tpu.memory_space<semaphore_mem>>) src(%dma_wait3A_146 : memref<8x128xi32, #tpu.memory_space<hbm>>) dst(%arg9 : memref<8x128xi32, #tpu.memory_space<vmem>>)
          %dma_wait3A_147 = arith.constant 0 : i32
          %dma_wait3A_148 = arith.constant 0 : i32
          %dma_wait3A_149 = tpu.memref_slice %arg3[%arg0, %dma_wait3A_147, %dma_wait3A_148] : memref<2x2560x128xi32, #tpu.memory_space<hbm>> -> memref<1x8x128xi32, #tpu.memory_space<hbm>>
          %dma_wait3A_150 = tpu.memref_squeeze %dma_wait3A_149 : memref<1x8x128xi32, #tpu.memory_space<hbm>> -> memref<8x128xi32, #tpu.memory_space<hbm>>
          %dma_wait3A_151 = arith.constant 0 : i32
          %dma_wait3A_152 = arith.constant 0 : i32
          %dma_wait3A_153 = tpu.memref_slice %arg3[%arg0, %dma_wait3A_151, %dma_wait3A_152] : memref<2x2560x128xi32, #tpu.memory_space<hbm>> -> memref<1x8x128xi32, #tpu.memory_space<hbm>>
          %dma_wait3A_154 = tpu.memref_squeeze %dma_wait3A_153 : memref<1x8x128xi32, #tpu.memory_space<hbm>> -> memref<8x128xi32, #tpu.memory_space<hbm>>
          tpu.wait_dma2 semaphore(%arg17 : memref<!tpu.dma_semaphore, #tpu.memory_space<semaphore_mem>>) src(%dma_wait3A_154 : memref<8x128xi32, #tpu.memory_space<hbm>>) dst(%arg10 : memref<8x128xi32, #tpu.memory_space<vmem>>)
        } else {
        }
        %lt3A_106 = arith.constant 6 : i32
        %lt3A_107 = arith.cmpi slt, %mul3A_94, %lt3A_106 : i32
        %convert_element_type3A_108 = arith.extui %lt3A_107 : i1 to i32
        %cond3A_109 = arith.constant 0 : i32
        %cond3A_110 = arith.cmpi ne, %convert_element_type3A_108, %cond3A_109 : i32
        scf.if %cond3A_110 {
          %add3A_139 = arith.constant 2 : i32
          %add3A_140 = arith.addi %mul3A_94, %add3A_139 : i32
          %dma_start3A_141 = arith.constant 0 : i32
          %dma_start3A_142 = tpu.memref_slice %arg7[%add3A_140, %dma_start3A_141] : memref<8x128xi32, #tpu.memory_space<vmem>> -> memref<1x128xi32, #tpu.memory_space<vmem>>
          %dma_start3A_143 = tpu.memref_squeeze %dma_start3A_142 : memref<1x128xi32, #tpu.memory_space<vmem>> -> memref<128xi32, #tpu.memory_space<vmem>>
          %dma_start3A_144 = arith.constant 0 : i32
          %dma_start3A_145 = arith.constant 0 : i32
          %dma_start3A_146 = tpu.memref_slice %arg2[%dma_start3A_144, %dma_start3A_145] : memref<20224x128xf32, #tpu.memory_space<hbm>> -> memref<20224x128xf32, #tpu.memory_space<hbm>>
          tpu.enqueue_indirect_dma source(%dma_start3A_146 : memref<20224x128xf32, #tpu.memory_space<hbm>>) target(%arg11 : memref<128x128xf32, #tpu.memory_space<vmem>>) offsets(%dma_start3A_143 : memref<128xi32, #tpu.memory_space<vmem>>) semaphore(%arg14 : memref<!tpu.dma_semaphore, #tpu.memory_space<semaphore_mem>>)
        } else {
        }
        %ge3A = arith.constant 6 : i32
        %ge3A_111 = arith.cmpi sge, %mul3A_94, %ge3A : i32
        %convert_element_type3A_112 = arith.extui %ge3A_111 : i1 to i32
        %cond3A_113 = arith.constant 0 : i32
        %cond3A_114 = arith.cmpi ne, %convert_element_type3A_112, %cond3A_113 : i32
        scf.if %cond3A_114 {
          %sub3A = arith.constant 6 : i32
          %sub3A_139 = arith.subi %mul3A_94, %sub3A : i32
          %dma_start3A_140 = arith.constant 0 : i32
          %dma_start3A_141 = tpu.memref_slice %arg9[%sub3A_139, %dma_start3A_140] : memref<8x128xi32, #tpu.memory_space<vmem>> -> memref<1x128xi32, #tpu.memory_space<vmem>>
          %dma_start3A_142 = tpu.memref_squeeze %dma_start3A_141 : memref<1x128xi32, #tpu.memory_space<vmem>> -> memref<128xi32, #tpu.memory_space<vmem>>
          %dma_start3A_143 = arith.constant 0 : i32
          %dma_start3A_144 = arith.constant 0 : i32
          %dma_start3A_145 = tpu.memref_slice %arg2[%dma_start3A_143, %dma_start3A_144] : memref<20224x128xf32, #tpu.memory_space<hbm>> -> memref<20224x128xf32, #tpu.memory_space<hbm>>
          tpu.enqueue_indirect_dma source(%dma_start3A_145 : memref<20224x128xf32, #tpu.memory_space<hbm>>) target(%arg11 : memref<128x128xf32, #tpu.memory_space<vmem>>) offsets(%dma_start3A_142 : memref<128xi32, #tpu.memory_space<vmem>>) semaphore(%arg14 : memref<!tpu.dma_semaphore, #tpu.memory_space<semaphore_mem>>)
        } else {
        }
        %add3A_115 = arith.constant 1 : i32
        %add3A_116 = arith.addi %mul3A_94, %add3A_115 : i32
        %dma_wait3A_117 = arith.constant 0 : i32
        %dma_wait3A_118 = arith.constant 0 : i32
        %dma_wait3A_119 = tpu.memref_slice %arg7[%dma_wait3A_117, %dma_wait3A_118] : memref<8x128xi32, #tpu.memory_space<vmem>> -> memref<1x128xi32, #tpu.memory_space<vmem>>
        %dma_wait3A_120 = tpu.memref_squeeze %dma_wait3A_119 : memref<1x128xi32, #tpu.memory_space<vmem>> -> memref<128xi32, #tpu.memory_space<vmem>>
        %dma_wait3A_121 = arith.constant 0 : i32
        %dma_wait3A_122 = arith.constant 0 : i32
        %dma_wait3A_123 = tpu.memref_slice %arg2[%dma_wait3A_121, %dma_wait3A_122] : memref<20224x128xf32, #tpu.memory_space<hbm>> -> memref<20224x128xf32, #tpu.memory_space<hbm>>
        tpu.wait_indirect_dma semaphore(%arg15 : memref<!tpu.dma_semaphore, #tpu.memory_space<semaphore_mem>>) src(%dma_wait3A_123 : memref<20224x128xf32, #tpu.memory_space<hbm>>) dst(%arg12 : memref<128x128xf32, #tpu.memory_space<vmem>>)
        "tpu.region"() ({
          %run_scoped3A = tpu.sem_alloc : memref<!tpu.dma_semaphore, #tpu.memory_space<semaphore_mem>>
          %dma_start3A_139 = arith.constant 0 : i32
          %dma_start3A_140 = tpu.memref_slice %arg8[%add3A_116, %dma_start3A_139] : memref<8x128xi32, #tpu.memory_space<vmem>> -> memref<1x128xi32, #tpu.memory_space<vmem>>
          %dma_start3A_141 = tpu.memref_squeeze %dma_start3A_140 : memref<1x128xi32, #tpu.memory_space<vmem>> -> memref<128xi32, #tpu.memory_space<vmem>>
          %dma_start3A_142 = arith.constant 0 : i32
          %dma_start3A_143 = arith.constant 0 : i32
          %dma_start3A_144 = tpu.memref_slice %arg13[%dma_start3A_142, %dma_start3A_143] : memref<10112x128xf32, #tpu.memory_space<vmem_shared>> -> memref<10112x128xf32, #tpu.memory_space<vmem_shared>>
          tpu.enqueue_indirect_dma source(%arg12 : memref<128x128xf32, #tpu.memory_space<vmem>>) target(%dma_start3A_144 : memref<10112x128xf32, #tpu.memory_space<vmem_shared>>) offsets(%dma_start3A_141 : memref<128xi32, #tpu.memory_space<vmem>>) semaphore(%run_scoped3A : memref<!tpu.dma_semaphore, #tpu.memory_space<semaphore_mem>>) {add = true}
          %dma_wait3A_145 = arith.constant 0 : i32
          %dma_wait3A_146 = tpu.memref_slice %arg8[%add3A_116, %dma_wait3A_145] : memref<8x128xi32, #tpu.memory_space<vmem>> -> memref<1x128xi32, #tpu.memory_space<vmem>>
          %dma_wait3A_147 = tpu.memref_squeeze %dma_wait3A_146 : memref<1x128xi32, #tpu.memory_space<vmem>> -> memref<128xi32, #tpu.memory_space<vmem>>
          %dma_wait3A_148 = arith.constant 0 : i32
          %dma_wait3A_149 = arith.constant 0 : i32
          %dma_wait3A_150 = tpu.memref_slice %arg13[%dma_wait3A_148, %dma_wait3A_149] : memref<10112x128xf32, #tpu.memory_space<vmem_shared>> -> memref<10112x128xf32, #tpu.memory_space<vmem_shared>>
          tpu.wait_indirect_dma semaphore(%run_scoped3A : memref<!tpu.dma_semaphore, #tpu.memory_space<semaphore_mem>>) src(%arg12 : memref<128x128xf32, #tpu.memory_space<vmem>>) dst(%dma_wait3A_150 : memref<10112x128xf32, #tpu.memory_space<vmem_shared>>)
          tpu.yield
        }) : () -> ()
        %eq3A_124 = arith.constant 6 : i32
        %eq3A_125 = arith.cmpi eq, %add3A_116, %eq3A_124 : i32
        %convert_element_type3A_126 = arith.extui %eq3A_125 : i1 to i32
        %cond3A_127 = arith.constant 0 : i32
        %cond3A_128 = arith.cmpi ne, %convert_element_type3A_126, %cond3A_127 : i32
        scf.if %cond3A_128 {
          %dma_wait3A_139 = arith.constant 0 : i32
          %dma_wait3A_140 = arith.constant 0 : i32
          %dma_wait3A_141 = tpu.memref_slice %arg3[%arg0, %dma_wait3A_139, %dma_wait3A_140] : memref<2x2560x128xi32, #tpu.memory_space<hbm>> -> memref<1x8x128xi32, #tpu.memory_space<hbm>>
          %dma_wait3A_142 = tpu.memref_squeeze %dma_wait3A_141 : memref<1x8x128xi32, #tpu.memory_space<hbm>> -> memref<8x128xi32, #tpu.memory_space<hbm>>
          %dma_wait3A_143 = arith.constant 0 : i32
          %dma_wait3A_144 = arith.constant 0 : i32
          %dma_wait3A_145 = tpu.memref_slice %arg3[%arg0, %dma_wait3A_143, %dma_wait3A_144] : memref<2x2560x128xi32, #tpu.memory_space<hbm>> -> memref<1x8x128xi32, #tpu.memory_space<hbm>>
          %dma_wait3A_146 = tpu.memref_squeeze %dma_wait3A_145 : memref<1x8x128xi32, #tpu.memory_space<hbm>> -> memref<8x128xi32, #tpu.memory_space<hbm>>
          tpu.wait_dma2 semaphore(%arg17 : memref<!tpu.dma_semaphore, #tpu.memory_space<semaphore_mem>>) src(%dma_wait3A_146 : memref<8x128xi32, #tpu.memory_space<hbm>>) dst(%arg9 : memref<8x128xi32, #tpu.memory_space<vmem>>)
          %dma_wait3A_147 = arith.constant 0 : i32
          %dma_wait3A_148 = arith.constant 0 : i32
          %dma_wait3A_149 = tpu.memref_slice %arg3[%arg0, %dma_wait3A_147, %dma_wait3A_148] : memref<2x2560x128xi32, #tpu.memory_space<hbm>> -> memref<1x8x128xi32, #tpu.memory_space<hbm>>
          %dma_wait3A_150 = tpu.memref_squeeze %dma_wait3A_149 : memref<1x8x128xi32, #tpu.memory_space<hbm>> -> memref<8x128xi32, #tpu.memory_space<hbm>>
          %dma_wait3A_151 = arith.constant 0 : i32
          %dma_wait3A_152 = arith.constant 0 : i32
          %dma_wait3A_153 = tpu.memref_slice %arg3[%arg0, %dma_wait3A_151, %dma_wait3A_152] : memref<2x2560x128xi32, #tpu.memory_space<hbm>> -> memref<1x8x128xi32, #tpu.memory_space<hbm>>
          %dma_wait3A_154 = tpu.memref_squeeze %dma_wait3A_153 : memref<1x8x128xi32, #tpu.memory_space<hbm>> -> memref<8x128xi32, #tpu.memory_space<hbm>>
          tpu.wait_dma2 semaphore(%arg17 : memref<!tpu.dma_semaphore, #tpu.memory_space<semaphore_mem>>) src(%dma_wait3A_154 : memref<8x128xi32, #tpu.memory_space<hbm>>) dst(%arg10 : memref<8x128xi32, #tpu.memory_space<vmem>>)
        } else {
        }
        %lt3A_129 = arith.constant 6 : i32
        %lt3A_130 = arith.cmpi slt, %add3A_116, %lt3A_129 : i32
        %convert_element_type3A_131 = arith.extui %lt3A_130 : i1 to i32
        %cond3A_132 = arith.constant 0 : i32
        %cond3A_133 = arith.cmpi ne, %convert_element_type3A_131, %cond3A_132 : i32
        scf.if %cond3A_133 {
          %add3A_139 = arith.constant 2 : i32
          %add3A_140 = arith.addi %add3A_116, %add3A_139 : i32
          %dma_start3A_141 = arith.constant 0 : i32
          %dma_start3A_142 = tpu.memref_slice %arg7[%add3A_140, %dma_start3A_141] : memref<8x128xi32, #tpu.memory_space<vmem>> -> memref<1x128xi32, #tpu.memory_space<vmem>>
          %dma_start3A_143 = tpu.memref_squeeze %dma_start3A_142 : memref<1x128xi32, #tpu.memory_space<vmem>> -> memref<128xi32, #tpu.memory_space<vmem>>
          %dma_start3A_144 = arith.constant 0 : i32
          %dma_start3A_145 = arith.constant 0 : i32
          %dma_start3A_146 = tpu.memref_slice %arg2[%dma_start3A_144, %dma_start3A_145] : memref<20224x128xf32, #tpu.memory_space<hbm>> -> memref<20224x128xf32, #tpu.memory_space<hbm>>
          tpu.enqueue_indirect_dma source(%dma_start3A_146 : memref<20224x128xf32, #tpu.memory_space<hbm>>) target(%arg12 : memref<128x128xf32, #tpu.memory_space<vmem>>) offsets(%dma_start3A_143 : memref<128xi32, #tpu.memory_space<vmem>>) semaphore(%arg15 : memref<!tpu.dma_semaphore, #tpu.memory_space<semaphore_mem>>)
        } else {
        }
        %ge3A_134 = arith.constant 6 : i32
        %ge3A_135 = arith.cmpi sge, %add3A_116, %ge3A_134 : i32
        %convert_element_type3A_136 = arith.extui %ge3A_135 : i1 to i32
        %cond3A_137 = arith.constant 0 : i32
        %cond3A_138 = arith.cmpi ne, %convert_element_type3A_136, %cond3A_137 : i32
        scf.if %cond3A_138 {
          %sub3A = arith.constant 6 : i32
          %sub3A_139 = arith.subi %add3A_116, %sub3A : i32
          %dma_start3A_140 = arith.constant 0 : i32
          %dma_start3A_141 = tpu.memref_slice %arg9[%sub3A_139, %dma_start3A_140] : memref<8x128xi32, #tpu.memory_space<vmem>> -> memref<1x128xi32, #tpu.memory_space<vmem>>
          %dma_start3A_142 = tpu.memref_squeeze %dma_start3A_141 : memref<1x128xi32, #tpu.memory_space<vmem>> -> memref<128xi32, #tpu.memory_space<vmem>>
          %dma_start3A_143 = arith.constant 0 : i32
          %dma_start3A_144 = arith.constant 0 : i32
          %dma_start3A_145 = tpu.memref_slice %arg2[%dma_start3A_143, %dma_start3A_144] : memref<20224x128xf32, #tpu.memory_space<hbm>> -> memref<20224x128xf32, #tpu.memory_space<hbm>>
          tpu.enqueue_indirect_dma source(%dma_start3A_145 : memref<20224x128xf32, #tpu.memory_space<hbm>>) target(%arg12 : memref<128x128xf32, #tpu.memory_space<vmem>>) offsets(%dma_start3A_142 : memref<128xi32, #tpu.memory_space<vmem>>) semaphore(%arg15 : memref<!tpu.dma_semaphore, #tpu.memory_space<semaphore_mem>>)
        } else {
        }
      }
      %scan3A_78 = arith.constant 4 : i32
      %convert_element_type3A = arith.extui %lt3A_73 : i1 to i32
      %cond3A = arith.constant 0 : i32
      %cond3A_79 = arith.cmpi ne, %convert_element_type3A, %cond3A : i32
      scf.if %cond3A_79 {
        %mul3A_88 = arith.constant 2 : i32
        %mul3A_89 = arith.muli %mul3A_88, %add3A_70 : i32
        %add3A_90 = arith.constant 2 : i32
        %add3A_91 = arith.addi %mul3A_89, %add3A_90 : i32
        %mul3A_92 = arith.constant 8 : i32
        %mul3A_93 = arith.muli %add3A_91, %mul3A_92 : i32
        %add3A_94 = arith.addi %mul3A_2, %mul3A_93 : i32
        %multiple_of3A_95 = tpu.assume_multiple %add3A_94, 8 : i32
        %dma_start3A_96 = arith.constant 0 : i32
        %dma_start3A_97 = tpu.memref_slice %arg3[%arg0, %multiple_of3A_95, %dma_start3A_96] : memref<2x2560x128xi32, #tpu.memory_space<hbm>> -> memref<1x8x128xi32, #tpu.memory_space<hbm>>
        %dma_start3A_98 = tpu.memref_squeeze %dma_start3A_97 : memref<1x8x128xi32, #tpu.memory_space<hbm>> -> memref<8x128xi32, #tpu.memory_space<hbm>>
        %dma_start3A_99 = arith.constant 0 : i32
        %dma_start3A_100 = tpu.memref_slice %arg3[%arg0, %multiple_of3A_95, %dma_start3A_99] : memref<2x2560x128xi32, #tpu.memory_space<hbm>> -> memref<1x8x128xi32, #tpu.memory_space<hbm>>
        %dma_start3A_101 = tpu.memref_squeeze %dma_start3A_100 : memref<1x8x128xi32, #tpu.memory_space<hbm>> -> memref<8x128xi32, #tpu.memory_space<hbm>>
        tpu.enqueue_dma source(%dma_start3A_101 : memref<8x128xi32, #tpu.memory_space<hbm>>) target(%arg7 : memref<8x128xi32, #tpu.memory_space<vmem>>) target_semaphore(%arg16 : memref<!tpu.dma_semaphore, #tpu.memory_space<semaphore_mem>>)
        %dma_start3A_102 = arith.constant 0 : i32
        %dma_start3A_103 = tpu.memref_slice %arg4[%arg0, %multiple_of3A_95, %dma_start3A_102] : memref<2x2560x128xi32, #tpu.memory_space<hbm>> -> memref<1x8x128xi32, #tpu.memory_space<hbm>>
        %dma_start3A_104 = tpu.memref_squeeze %dma_start3A_103 : memref<1x8x128xi32, #tpu.memory_space<hbm>> -> memref<8x128xi32, #tpu.memory_space<hbm>>
        %dma_start3A_105 = arith.constant 0 : i32
        %dma_start3A_106 = tpu.memref_slice %arg4[%arg0, %multiple_of3A_95, %dma_start3A_105] : memref<2x2560x128xi32, #tpu.memory_space<hbm>> -> memref<1x8x128xi32, #tpu.memory_space<hbm>>
        %dma_start3A_107 = tpu.memref_squeeze %dma_start3A_106 : memref<1x8x128xi32, #tpu.memory_space<hbm>> -> memref<8x128xi32, #tpu.memory_space<hbm>>
        tpu.enqueue_dma source(%dma_start3A_107 : memref<8x128xi32, #tpu.memory_space<hbm>>) target(%arg8 : memref<8x128xi32, #tpu.memory_space<vmem>>) target_semaphore(%arg16 : memref<!tpu.dma_semaphore, #tpu.memory_space<semaphore_mem>>)
      } else {
      }
      %scan3A_80 = arith.constant 0 : i32
      %scan3A_81 = arith.constant 4 : i32
      %scan3A_82 = arith.addi %scan3A_80, %scan3A_81 : i32
      %scan3A_83 = arith.constant 1 : i32
      scf.for %scan3A_88 = %scan3A_80 to %scan3A_82 step %scan3A_83  : i32 {
        %mul3A_89 = arith.constant 1 : i32
        %mul3A_90 = arith.muli %scan3A_88, %mul3A_89 : i32
        %add3A_91 = arith.constant 0 : i32
        %add3A_92 = arith.addi %add3A_91, %mul3A_90 : i32
        %mul3A_93 = arith.constant 2 : i32
        %mul3A_94 = arith.muli %add3A_92, %mul3A_93 : i32
        %dma_wait3A_95 = arith.constant 0 : i32
        %dma_wait3A_96 = arith.constant 0 : i32
        %dma_wait3A_97 = tpu.memref_slice %arg7[%dma_wait3A_95, %dma_wait3A_96] : memref<8x128xi32, #tpu.memory_space<vmem>> -> memref<1x128xi32, #tpu.memory_space<vmem>>
        %dma_wait3A_98 = tpu.memref_squeeze %dma_wait3A_97 : memref<1x128xi32, #tpu.memory_space<vmem>> -> memref<128xi32, #tpu.memory_space<vmem>>
        %dma_wait3A_99 = arith.constant 0 : i32
        %dma_wait3A_100 = arith.constant 0 : i32
        %dma_wait3A_101 = tpu.memref_slice %arg2[%dma_wait3A_99, %dma_wait3A_100] : memref<20224x128xf32, #tpu.memory_space<hbm>> -> memref<20224x128xf32, #tpu.memory_space<hbm>>
        tpu.wait_indirect_dma semaphore(%arg14 : memref<!tpu.dma_semaphore, #tpu.memory_space<semaphore_mem>>) src(%dma_wait3A_101 : memref<20224x128xf32, #tpu.memory_space<hbm>>) dst(%arg11 : memref<128x128xf32, #tpu.memory_space<vmem>>)
        "tpu.region"() ({
          %run_scoped3A = tpu.sem_alloc : memref<!tpu.dma_semaphore, #tpu.memory_space<semaphore_mem>>
          %dma_start3A_139 = arith.constant 0 : i32
          %dma_start3A_140 = tpu.memref_slice %arg10[%mul3A_94, %dma_start3A_139] : memref<8x128xi32, #tpu.memory_space<vmem>> -> memref<1x128xi32, #tpu.memory_space<vmem>>
          %dma_start3A_141 = tpu.memref_squeeze %dma_start3A_140 : memref<1x128xi32, #tpu.memory_space<vmem>> -> memref<128xi32, #tpu.memory_space<vmem>>
          %dma_start3A_142 = arith.constant 0 : i32
          %dma_start3A_143 = arith.constant 0 : i32
          %dma_start3A_144 = tpu.memref_slice %arg13[%dma_start3A_142, %dma_start3A_143] : memref<10112x128xf32, #tpu.memory_space<vmem_shared>> -> memref<10112x128xf32, #tpu.memory_space<vmem_shared>>
          tpu.enqueue_indirect_dma source(%arg11 : memref<128x128xf32, #tpu.memory_space<vmem>>) target(%dma_start3A_144 : memref<10112x128xf32, #tpu.memory_space<vmem_shared>>) offsets(%dma_start3A_141 : memref<128xi32, #tpu.memory_space<vmem>>) semaphore(%run_scoped3A : memref<!tpu.dma_semaphore, #tpu.memory_space<semaphore_mem>>) {add = true}
          %dma_wait3A_145 = arith.constant 0 : i32
          %dma_wait3A_146 = tpu.memref_slice %arg10[%mul3A_94, %dma_wait3A_145] : memref<8x128xi32, #tpu.memory_space<vmem>> -> memref<1x128xi32, #tpu.memory_space<vmem>>
          %dma_wait3A_147 = tpu.memref_squeeze %dma_wait3A_146 : memref<1x128xi32, #tpu.memory_space<vmem>> -> memref<128xi32, #tpu.memory_space<vmem>>
          %dma_wait3A_148 = arith.constant 0 : i32
          %dma_wait3A_149 = arith.constant 0 : i32
          %dma_wait3A_150 = tpu.memref_slice %arg13[%dma_wait3A_148, %dma_wait3A_149] : memref<10112x128xf32, #tpu.memory_space<vmem_shared>> -> memref<10112x128xf32, #tpu.memory_space<vmem_shared>>
          tpu.wait_indirect_dma semaphore(%run_scoped3A : memref<!tpu.dma_semaphore, #tpu.memory_space<semaphore_mem>>) src(%arg11 : memref<128x128xf32, #tpu.memory_space<vmem>>) dst(%dma_wait3A_150 : memref<10112x128xf32, #tpu.memory_space<vmem_shared>>)
          tpu.yield
        }) : () -> ()
        %eq3A = arith.constant 6 : i32
        %eq3A_102 = arith.cmpi eq, %mul3A_94, %eq3A : i32
        %convert_element_type3A_103 = arith.extui %eq3A_102 : i1 to i32
        %cond3A_104 = arith.constant 0 : i32
        %cond3A_105 = arith.cmpi ne, %convert_element_type3A_103, %cond3A_104 : i32
        scf.if %cond3A_105 {
          %convert_element_type3A_139 = arith.extui %lt3A_73 : i1 to i32
          %cond3A_140 = arith.constant 0 : i32
          %cond3A_141 = arith.cmpi ne, %convert_element_type3A_139, %cond3A_140 : i32
          scf.if %cond3A_141 {
            %dma_wait3A_142 = arith.constant 0 : i32
            %dma_wait3A_143 = arith.constant 0 : i32
            %dma_wait3A_144 = tpu.memref_slice %arg3[%arg0, %dma_wait3A_142, %dma_wait3A_143] : memref<2x2560x128xi32, #tpu.memory_space<hbm>> -> memref<1x8x128xi32, #tpu.memory_space<hbm>>
            %dma_wait3A_145 = tpu.memref_squeeze %dma_wait3A_144 : memref<1x8x128xi32, #tpu.memory_space<hbm>> -> memref<8x128xi32, #tpu.memory_space<hbm>>
            %dma_wait3A_146 = arith.constant 0 : i32
            %dma_wait3A_147 = arith.constant 0 : i32
            %dma_wait3A_148 = tpu.memref_slice %arg3[%arg0, %dma_wait3A_146, %dma_wait3A_147] : memref<2x2560x128xi32, #tpu.memory_space<hbm>> -> memref<1x8x128xi32, #tpu.memory_space<hbm>>
            %dma_wait3A_149 = tpu.memref_squeeze %dma_wait3A_148 : memref<1x8x128xi32, #tpu.memory_space<hbm>> -> memref<8x128xi32, #tpu.memory_space<hbm>>
            tpu.wait_dma2 semaphore(%arg16 : memref<!tpu.dma_semaphore, #tpu.memory_space<semaphore_mem>>) src(%dma_wait3A_149 : memref<8x128xi32, #tpu.memory_space<hbm>>) dst(%arg7 : memref<8x128xi32, #tpu.memory_space<vmem>>)
            %dma_wait3A_150 = arith.constant 0 : i32
            %dma_wait3A_151 = arith.constant 0 : i32
            %dma_wait3A_152 = tpu.memref_slice %arg3[%arg0, %dma_wait3A_150, %dma_wait3A_151] : memref<2x2560x128xi32, #tpu.memory_space<hbm>> -> memref<1x8x128xi32, #tpu.memory_space<hbm>>
            %dma_wait3A_153 = tpu.memref_squeeze %dma_wait3A_152 : memref<1x8x128xi32, #tpu.memory_space<hbm>> -> memref<8x128xi32, #tpu.memory_space<hbm>>
            %dma_wait3A_154 = arith.constant 0 : i32
            %dma_wait3A_155 = arith.constant 0 : i32
            %dma_wait3A_156 = tpu.memref_slice %arg3[%arg0, %dma_wait3A_154, %dma_wait3A_155] : memref<2x2560x128xi32, #tpu.memory_space<hbm>> -> memref<1x8x128xi32, #tpu.memory_space<hbm>>
            %dma_wait3A_157 = tpu.memref_squeeze %dma_wait3A_156 : memref<1x8x128xi32, #tpu.memory_space<hbm>> -> memref<8x128xi32, #tpu.memory_space<hbm>>
            tpu.wait_dma2 semaphore(%arg16 : memref<!tpu.dma_semaphore, #tpu.memory_space<semaphore_mem>>) src(%dma_wait3A_157 : memref<8x128xi32, #tpu.memory_space<hbm>>) dst(%arg8 : memref<8x128xi32, #tpu.memory_space<vmem>>)
          } else {
          }
        } else {
        }
        %lt3A_106 = arith.constant 6 : i32
        %lt3A_107 = arith.cmpi slt, %mul3A_94, %lt3A_106 : i32
        %convert_element_type3A_108 = arith.extui %lt3A_107 : i1 to i32
        %cond3A_109 = arith.constant 0 : i32
        %cond3A_110 = arith.cmpi ne, %convert_element_type3A_108, %cond3A_109 : i32
        scf.if %cond3A_110 {
          %add3A_139 = arith.constant 2 : i32
          %add3A_140 = arith.addi %mul3A_94, %add3A_139 : i32
          %dma_start3A_141 = arith.constant 0 : i32
          %dma_start3A_142 = tpu.memref_slice %arg9[%add3A_140, %dma_start3A_141] : memref<8x128xi32, #tpu.memory_space<vmem>> -> memref<1x128xi32, #tpu.memory_space<vmem>>
          %dma_start3A_143 = tpu.memref_squeeze %dma_start3A_142 : memref<1x128xi32, #tpu.memory_space<vmem>> -> memref<128xi32, #tpu.memory_space<vmem>>
          %dma_start3A_144 = arith.constant 0 : i32
          %dma_start3A_145 = arith.constant 0 : i32
          %dma_start3A_146 = tpu.memref_slice %arg2[%dma_start3A_144, %dma_start3A_145] : memref<20224x128xf32, #tpu.memory_space<hbm>> -> memref<20224x128xf32, #tpu.memory_space<hbm>>
          tpu.enqueue_indirect_dma source(%dma_start3A_146 : memref<20224x128xf32, #tpu.memory_space<hbm>>) target(%arg11 : memref<128x128xf32, #tpu.memory_space<vmem>>) offsets(%dma_start3A_143 : memref<128xi32, #tpu.memory_space<vmem>>) semaphore(%arg14 : memref<!tpu.dma_semaphore, #tpu.memory_space<semaphore_mem>>)
        } else {
        }
        %ge3A = arith.constant 6 : i32
        %ge3A_111 = arith.cmpi sge, %mul3A_94, %ge3A : i32
        %convert_element_type3A_112 = arith.extui %ge3A_111 : i1 to i32
        %cond3A_113 = arith.constant 0 : i32
        %cond3A_114 = arith.cmpi ne, %convert_element_type3A_112, %cond3A_113 : i32
        scf.if %cond3A_114 {
          %sub3A = arith.constant 6 : i32
          %sub3A_139 = arith.subi %mul3A_94, %sub3A : i32
          %convert_element_type3A_140 = arith.extui %lt3A_73 : i1 to i32
          %cond3A_141 = arith.constant 0 : i32
          %cond3A_142 = arith.cmpi ne, %convert_element_type3A_140, %cond3A_141 : i32
          scf.if %cond3A_142 {
            %dma_start3A_143 = arith.constant 0 : i32
            %dma_start3A_144 = tpu.memref_slice %arg7[%sub3A_139, %dma_start3A_143] : memref<8x128xi32, #tpu.memory_space<vmem>> -> memref<1x128xi32, #tpu.memory_space<vmem>>
            %dma_start3A_145 = tpu.memref_squeeze %dma_start3A_144 : memref<1x128xi32, #tpu.memory_space<vmem>> -> memref<128xi32, #tpu.memory_space<vmem>>
            %dma_start3A_146 = arith.constant 0 : i32
            %dma_start3A_147 = arith.constant 0 : i32
            %dma_start3A_148 = tpu.memref_slice %arg2[%dma_start3A_146, %dma_start3A_147] : memref<20224x128xf32, #tpu.memory_space<hbm>> -> memref<20224x128xf32, #tpu.memory_space<hbm>>
            tpu.enqueue_indirect_dma source(%dma_start3A_148 : memref<20224x128xf32, #tpu.memory_space<hbm>>) target(%arg11 : memref<128x128xf32, #tpu.memory_space<vmem>>) offsets(%dma_start3A_145 : memref<128xi32, #tpu.memory_space<vmem>>) semaphore(%arg14 : memref<!tpu.dma_semaphore, #tpu.memory_space<semaphore_mem>>)
          } else {
          }
        } else {
        }
        %add3A_115 = arith.constant 1 : i32
        %add3A_116 = arith.addi %mul3A_94, %add3A_115 : i32
        %dma_wait3A_117 = arith.constant 0 : i32
        %dma_wait3A_118 = arith.constant 0 : i32
        %dma_wait3A_119 = tpu.memref_slice %arg7[%dma_wait3A_117, %dma_wait3A_118] : memref<8x128xi32, #tpu.memory_space<vmem>> -> memref<1x128xi32, #tpu.memory_space<vmem>>
        %dma_wait3A_120 = tpu.memref_squeeze %dma_wait3A_119 : memref<1x128xi32, #tpu.memory_space<vmem>> -> memref<128xi32, #tpu.memory_space<vmem>>
        %dma_wait3A_121 = arith.constant 0 : i32
        %dma_wait3A_122 = arith.constant 0 : i32
        %dma_wait3A_123 = tpu.memref_slice %arg2[%dma_wait3A_121, %dma_wait3A_122] : memref<20224x128xf32, #tpu.memory_space<hbm>> -> memref<20224x128xf32, #tpu.memory_space<hbm>>
        tpu.wait_indirect_dma semaphore(%arg15 : memref<!tpu.dma_semaphore, #tpu.memory_space<semaphore_mem>>) src(%dma_wait3A_123 : memref<20224x128xf32, #tpu.memory_space<hbm>>) dst(%arg12 : memref<128x128xf32, #tpu.memory_space<vmem>>)
        "tpu.region"() ({
          %run_scoped3A = tpu.sem_alloc : memref<!tpu.dma_semaphore, #tpu.memory_space<semaphore_mem>>
          %dma_start3A_139 = arith.constant 0 : i32
          %dma_start3A_140 = tpu.memref_slice %arg10[%add3A_116, %dma_start3A_139] : memref<8x128xi32, #tpu.memory_space<vmem>> -> memref<1x128xi32, #tpu.memory_space<vmem>>
          %dma_start3A_141 = tpu.memref_squeeze %dma_start3A_140 : memref<1x128xi32, #tpu.memory_space<vmem>> -> memref<128xi32, #tpu.memory_space<vmem>>
          %dma_start3A_142 = arith.constant 0 : i32
          %dma_start3A_143 = arith.constant 0 : i32
          %dma_start3A_144 = tpu.memref_slice %arg13[%dma_start3A_142, %dma_start3A_143] : memref<10112x128xf32, #tpu.memory_space<vmem_shared>> -> memref<10112x128xf32, #tpu.memory_space<vmem_shared>>
          tpu.enqueue_indirect_dma source(%arg12 : memref<128x128xf32, #tpu.memory_space<vmem>>) target(%dma_start3A_144 : memref<10112x128xf32, #tpu.memory_space<vmem_shared>>) offsets(%dma_start3A_141 : memref<128xi32, #tpu.memory_space<vmem>>) semaphore(%run_scoped3A : memref<!tpu.dma_semaphore, #tpu.memory_space<semaphore_mem>>) {add = true}
          %dma_wait3A_145 = arith.constant 0 : i32
          %dma_wait3A_146 = tpu.memref_slice %arg10[%add3A_116, %dma_wait3A_145] : memref<8x128xi32, #tpu.memory_space<vmem>> -> memref<1x128xi32, #tpu.memory_space<vmem>>
          %dma_wait3A_147 = tpu.memref_squeeze %dma_wait3A_146 : memref<1x128xi32, #tpu.memory_space<vmem>> -> memref<128xi32, #tpu.memory_space<vmem>>
          %dma_wait3A_148 = arith.constant 0 : i32
          %dma_wait3A_149 = arith.constant 0 : i32
          %dma_wait3A_150 = tpu.memref_slice %arg13[%dma_wait3A_148, %dma_wait3A_149] : memref<10112x128xf32, #tpu.memory_space<vmem_shared>> -> memref<10112x128xf32, #tpu.memory_space<vmem_shared>>
          tpu.wait_indirect_dma semaphore(%run_scoped3A : memref<!tpu.dma_semaphore, #tpu.memory_space<semaphore_mem>>) src(%arg12 : memref<128x128xf32, #tpu.memory_space<vmem>>) dst(%dma_wait3A_150 : memref<10112x128xf32, #tpu.memory_space<vmem_shared>>)
          tpu.yield
        }) : () -> ()
        %eq3A_124 = arith.constant 6 : i32
        %eq3A_125 = arith.cmpi eq, %add3A_116, %eq3A_124 : i32
        %convert_element_type3A_126 = arith.extui %eq3A_125 : i1 to i32
        %cond3A_127 = arith.constant 0 : i32
        %cond3A_128 = arith.cmpi ne, %convert_element_type3A_126, %cond3A_127 : i32
        scf.if %cond3A_128 {
          %convert_element_type3A_139 = arith.extui %lt3A_73 : i1 to i32
          %cond3A_140 = arith.constant 0 : i32
          %cond3A_141 = arith.cmpi ne, %convert_element_type3A_139, %cond3A_140 : i32
          scf.if %cond3A_141 {
            %dma_wait3A_142 = arith.constant 0 : i32
            %dma_wait3A_143 = arith.constant 0 : i32
            %dma_wait3A_144 = tpu.memref_slice %arg3[%arg0, %dma_wait3A_142, %dma_wait3A_143] : memref<2x2560x128xi32, #tpu.memory_space<hbm>> -> memref<1x8x128xi32, #tpu.memory_space<hbm>>
            %dma_wait3A_145 = tpu.memref_squeeze %dma_wait3A_144 : memref<1x8x128xi32, #tpu.memory_space<hbm>> -> memref<8x128xi32, #tpu.memory_space<hbm>>
            %dma_wait3A_146 = arith.constant 0 : i32
            %dma_wait3A_147 = arith.constant 0 : i32
            %dma_wait3A_148 = tpu.memref_slice %arg3[%arg0, %dma_wait3A_146, %dma_wait3A_147] : memref<2x2560x128xi32, #tpu.memory_space<hbm>> -> memref<1x8x128xi32, #tpu.memory_space<hbm>>
            %dma_wait3A_149 = tpu.memref_squeeze %dma_wait3A_148 : memref<1x8x128xi32, #tpu.memory_space<hbm>> -> memref<8x128xi32, #tpu.memory_space<hbm>>
            tpu.wait_dma2 semaphore(%arg16 : memref<!tpu.dma_semaphore, #tpu.memory_space<semaphore_mem>>) src(%dma_wait3A_149 : memref<8x128xi32, #tpu.memory_space<hbm>>) dst(%arg7 : memref<8x128xi32, #tpu.memory_space<vmem>>)
            %dma_wait3A_150 = arith.constant 0 : i32
            %dma_wait3A_151 = arith.constant 0 : i32
            %dma_wait3A_152 = tpu.memref_slice %arg3[%arg0, %dma_wait3A_150, %dma_wait3A_151] : memref<2x2560x128xi32, #tpu.memory_space<hbm>> -> memref<1x8x128xi32, #tpu.memory_space<hbm>>
            %dma_wait3A_153 = tpu.memref_squeeze %dma_wait3A_152 : memref<1x8x128xi32, #tpu.memory_space<hbm>> -> memref<8x128xi32, #tpu.memory_space<hbm>>
            %dma_wait3A_154 = arith.constant 0 : i32
            %dma_wait3A_155 = arith.constant 0 : i32
            %dma_wait3A_156 = tpu.memref_slice %arg3[%arg0, %dma_wait3A_154, %dma_wait3A_155] : memref<2x2560x128xi32, #tpu.memory_space<hbm>> -> memref<1x8x128xi32, #tpu.memory_space<hbm>>
            %dma_wait3A_157 = tpu.memref_squeeze %dma_wait3A_156 : memref<1x8x128xi32, #tpu.memory_space<hbm>> -> memref<8x128xi32, #tpu.memory_space<hbm>>
            tpu.wait_dma2 semaphore(%arg16 : memref<!tpu.dma_semaphore, #tpu.memory_space<semaphore_mem>>) src(%dma_wait3A_157 : memref<8x128xi32, #tpu.memory_space<hbm>>) dst(%arg8 : memref<8x128xi32, #tpu.memory_space<vmem>>)
          } else {
          }
        } else {
        }
        %lt3A_129 = arith.constant 6 : i32
        %lt3A_130 = arith.cmpi slt, %add3A_116, %lt3A_129 : i32
        %convert_element_type3A_131 = arith.extui %lt3A_130 : i1 to i32
        %cond3A_132 = arith.constant 0 : i32
        %cond3A_133 = arith.cmpi ne, %convert_element_type3A_131, %cond3A_132 : i32
        scf.if %cond3A_133 {
          %add3A_139 = arith.constant 2 : i32
          %add3A_140 = arith.addi %add3A_116, %add3A_139 : i32
          %dma_start3A_141 = arith.constant 0 : i32
          %dma_start3A_142 = tpu.memref_slice %arg9[%add3A_140, %dma_start3A_141] : memref<8x128xi32, #tpu.memory_space<vmem>> -> memref<1x128xi32, #tpu.memory_space<vmem>>
          %dma_start3A_143 = tpu.memref_squeeze %dma_start3A_142 : memref<1x128xi32, #tpu.memory_space<vmem>> -> memref<128xi32, #tpu.memory_space<vmem>>
          %dma_start3A_144 = arith.constant 0 : i32
          %dma_start3A_145 = arith.constant 0 : i32
          %dma_start3A_146 = tpu.memref_slice %arg2[%dma_start3A_144, %dma_start3A_145] : memref<20224x128xf32, #tpu.memory_space<hbm>> -> memref<20224x128xf32, #tpu.memory_space<hbm>>
          tpu.enqueue_indirect_dma source(%dma_start3A_146 : memref<20224x128xf32, #tpu.memory_space<hbm>>) target(%arg12 : memref<128x128xf32, #tpu.memory_space<vmem>>) offsets(%dma_start3A_143 : memref<128xi32, #tpu.memory_space<vmem>>) semaphore(%arg15 : memref<!tpu.dma_semaphore, #tpu.memory_space<semaphore_mem>>)
        } else {
        }
        %ge3A_134 = arith.constant 6 : i32
        %ge3A_135 = arith.cmpi sge, %add3A_116, %ge3A_134 : i32
        %convert_element_type3A_136 = arith.extui %ge3A_135 : i1 to i32
        %cond3A_137 = arith.constant 0 : i32
        %cond3A_138 = arith.cmpi ne, %convert_element_type3A_136, %cond3A_137 : i32
        scf.if %cond3A_138 {
          %sub3A = arith.constant 6 : i32
          %sub3A_139 = arith.subi %add3A_116, %sub3A : i32
          %convert_element_type3A_140 = arith.extui %lt3A_73 : i1 to i32
          %cond3A_141 = arith.constant 0 : i32
          %cond3A_142 = arith.cmpi ne, %convert_element_type3A_140, %cond3A_141 : i32
          scf.if %cond3A_142 {
            %dma_start3A_143 = arith.constant 0 : i32
            %dma_start3A_144 = tpu.memref_slice %arg7[%sub3A_139, %dma_start3A_143] : memref<8x128xi32, #tpu.memory_space<vmem>> -> memref<1x128xi32, #tpu.memory_space<vmem>>
            %dma_start3A_145 = tpu.memref_squeeze %dma_start3A_144 : memref<1x128xi32, #tpu.memory_space<vmem>> -> memref<128xi32, #tpu.memory_space<vmem>>
            %dma_start3A_146 = arith.constant 0 : i32
            %dma_start3A_147 = arith.constant 0 : i32
            %dma_start3A_148 = tpu.memref_slice %arg2[%dma_start3A_146, %dma_start3A_147] : memref<20224x128xf32, #tpu.memory_space<hbm>> -> memref<20224x128xf32, #tpu.memory_space<hbm>>
            tpu.enqueue_indirect_dma source(%dma_start3A_148 : memref<20224x128xf32, #tpu.memory_space<hbm>>) target(%arg12 : memref<128x128xf32, #tpu.memory_space<vmem>>) offsets(%dma_start3A_145 : memref<128xi32, #tpu.memory_space<vmem>>) semaphore(%arg15 : memref<!tpu.dma_semaphore, #tpu.memory_space<semaphore_mem>>)
          } else {
          }
        } else {
        }
      }
      %scan3A_84 = arith.constant 4 : i32
      %convert_element_type3A_85 = arith.extui %lt3A_73 : i1 to i32
      %cond3A_86 = arith.constant 0 : i32
      %cond3A_87 = arith.cmpi ne, %convert_element_type3A_85, %cond3A_86 : i32
      scf.if %cond3A_87 {
        %mul3A_88 = arith.constant 2 : i32
        %mul3A_89 = arith.muli %mul3A_88, %add3A_70 : i32
        %add3A_90 = arith.constant 3 : i32
        %add3A_91 = arith.addi %mul3A_89, %add3A_90 : i32
        %mul3A_92 = arith.constant 8 : i32
        %mul3A_93 = arith.muli %add3A_91, %mul3A_92 : i32
        %add3A_94 = arith.addi %mul3A_2, %mul3A_93 : i32
        %multiple_of3A_95 = tpu.assume_multiple %add3A_94, 8 : i32
        %dma_start3A_96 = arith.constant 0 : i32
        %dma_start3A_97 = tpu.memref_slice %arg3[%arg0, %multiple_of3A_95, %dma_start3A_96] : memref<2x2560x128xi32, #tpu.memory_space<hbm>> -> memref<1x8x128xi32, #tpu.memory_space<hbm>>
        %dma_start3A_98 = tpu.memref_squeeze %dma_start3A_97 : memref<1x8x128xi32, #tpu.memory_space<hbm>> -> memref<8x128xi32, #tpu.memory_space<hbm>>
        %dma_start3A_99 = arith.constant 0 : i32
        %dma_start3A_100 = tpu.memref_slice %arg3[%arg0, %multiple_of3A_95, %dma_start3A_99] : memref<2x2560x128xi32, #tpu.memory_space<hbm>> -> memref<1x8x128xi32, #tpu.memory_space<hbm>>
        %dma_start3A_101 = tpu.memref_squeeze %dma_start3A_100 : memref<1x8x128xi32, #tpu.memory_space<hbm>> -> memref<8x128xi32, #tpu.memory_space<hbm>>
        tpu.enqueue_dma source(%dma_start3A_101 : memref<8x128xi32, #tpu.memory_space<hbm>>) target(%arg9 : memref<8x128xi32, #tpu.memory_space<vmem>>) target_semaphore(%arg17 : memref<!tpu.dma_semaphore, #tpu.memory_space<semaphore_mem>>)
        %dma_start3A_102 = arith.constant 0 : i32
        %dma_start3A_103 = tpu.memref_slice %arg4[%arg0, %multiple_of3A_95, %dma_start3A_102] : memref<2x2560x128xi32, #tpu.memory_space<hbm>> -> memref<1x8x128xi32, #tpu.memory_space<hbm>>
        %dma_start3A_104 = tpu.memref_squeeze %dma_start3A_103 : memref<1x8x128xi32, #tpu.memory_space<hbm>> -> memref<8x128xi32, #tpu.memory_space<hbm>>
        %dma_start3A_105 = arith.constant 0 : i32
        %dma_start3A_106 = tpu.memref_slice %arg4[%arg0, %multiple_of3A_95, %dma_start3A_105] : memref<2x2560x128xi32, #tpu.memory_space<hbm>> -> memref<1x8x128xi32, #tpu.memory_space<hbm>>
        %dma_start3A_107 = tpu.memref_squeeze %dma_start3A_106 : memref<1x8x128xi32, #tpu.memory_space<hbm>> -> memref<8x128xi32, #tpu.memory_space<hbm>>
        tpu.enqueue_dma source(%dma_start3A_107 : memref<8x128xi32, #tpu.memory_space<hbm>>) target(%arg10 : memref<8x128xi32, #tpu.memory_space<vmem>>) target_semaphore(%arg17 : memref<!tpu.dma_semaphore, #tpu.memory_space<semaphore_mem>>)
      } else {
      }
    }
    %scan3A_64 = arith.constant 10 : i32
    %barrier3A_65 = arith.constant 0 : index
    tpu.barrier barrier_id(%barrier3A_65)
    "tpu.region"() ({
      %run_scoped3A = tpu.sem_alloc : memref<!tpu.dma_semaphore, #tpu.memory_space<semaphore_mem>>
      %dma_start3A_66 = arith.constant 0 : i32
      %dma_start3A_67 = tpu.memref_slice %arg6[%arg0, %multiple_of3A, %dma_start3A_66] : memref<2x10112x128xf32, #tpu.memory_space<hbm>> -> memref<1x632x128xf32, #tpu.memory_space<hbm>>
      %dma_start3A_68 = tpu.memref_squeeze %dma_start3A_67 : memref<1x632x128xf32, #tpu.memory_space<hbm>> -> memref<632x128xf32, #tpu.memory_space<hbm>>
      %dma_start3A_69 = arith.constant 0 : i32
      %dma_start3A_70 = tpu.memref_slice %arg13[%multiple_of3A, %dma_start3A_69] : memref<10112x128xf32, #tpu.memory_space<vmem_shared>> -> memref<632x128xf32, #tpu.memory_space<vmem_shared>>
      tpu.enqueue_dma source(%dma_start3A_70 : memref<632x128xf32, #tpu.memory_space<vmem_shared>>) target(%dma_start3A_68 : memref<632x128xf32, #tpu.memory_space<hbm>>) target_semaphore(%run_scoped3A : memref<!tpu.dma_semaphore, #tpu.memory_space<semaphore_mem>>)
      %dma_wait3A_71 = arith.constant 0 : i32
      %dma_wait3A_72 = tpu.memref_slice %arg6[%arg0, %multiple_of3A, %dma_wait3A_71] : memref<2x10112x128xf32, #tpu.memory_space<hbm>> -> memref<1x632x128xf32, #tpu.memory_space<hbm>>
      %dma_wait3A_73 = tpu.memref_squeeze %dma_wait3A_72 : memref<1x632x128xf32, #tpu.memory_space<hbm>> -> memref<632x128xf32, #tpu.memory_space<hbm>>
      %dma_wait3A_74 = arith.constant 0 : i32
      %dma_wait3A_75 = tpu.memref_slice %arg13[%multiple_of3A, %dma_wait3A_74] : memref<10112x128xf32, #tpu.memory_space<vmem_shared>> -> memref<632x128xf32, #tpu.memory_space<vmem_shared>>
      tpu.wait_dma2 semaphore(%run_scoped3A : memref<!tpu.dma_semaphore, #tpu.memory_space<semaphore_mem>>) src(%dma_wait3A_75 : memref<632x128xf32, #tpu.memory_space<vmem_shared>>) dst(%dma_wait3A_73 : memref<632x128xf32, #tpu.memory_space<hbm>>)
      tpu.yield
    }) : () -> ()
    return
  }
}

#map = affine_map<(d0, d1) -> (0, 0)>
#map1 = affine_map<(d0, d1) -> (0, 0, 0)>
module attributes {stable_mosaic.version = 14 : i64} {
  func.func @body(%arg0: i32, %arg1: i32, %arg2: memref<20224x128xf32, #tpu.memory_space<hbm>>, %arg3: memref<2x2560x128xi32, #tpu.memory_space<hbm>>, %arg4: memref<2x2560x128xi32, #tpu.memory_space<hbm>>, %arg5: memref<10112x128xf32, #tpu.memory_space<hbm>>, %arg6: memref<2x10112x128xf32, #tpu.memory_space<hbm>>, %arg7: memref<2x16x10112xf32, #tpu.memory_space<hbm>>, %arg8: memref<8x128xi32, #tpu.memory_space<vmem>>, %arg9: memref<8x128xi32, #tpu.memory_space<vmem>>, %arg10: memref<8x128xi32, #tpu.memory_space<vmem>>, %arg11: memref<8x128xi32, #tpu.memory_space<vmem>>, %arg12: memref<128x128xf32, #tpu.memory_space<vmem>>, %arg13: memref<128x128xf32, #tpu.memory_space<vmem>>, %arg14: memref<10112x128xf32, #tpu.memory_space<vmem_shared>>, %arg15: memref<!tpu.dma_semaphore, #tpu.memory_space<semaphore_mem>>, %arg16: memref<!tpu.dma_semaphore, #tpu.memory_space<semaphore_mem>>, %arg17: memref<!tpu.dma_semaphore, #tpu.memory_space<semaphore_mem>>, %arg18: memref<!tpu.dma_semaphore, #tpu.memory_space<semaphore_mem>>, %arg19: memref<10112xf32, #tpu.memory_space<vmem>>) attributes {dimension_semantics = [#tpu.dimension_semantics<core_parallel>, #tpu.dimension_semantics<subcore_parallel>], iteration_bounds = array<i64: 2, 16>, scalar_prefetch = 0 : i64, scratch_operands = 12 : i64, tpu.core_type = #tpu.core_type<sc_vector_subcore>, window_params = [{transform_indices = #map}, {transform_indices = #map1}, {transform_indices = #map1}, {transform_indices = #map}, {transform_indices = #map1}, {transform_indices = #map1}]} {
    %mul3A = arith.constant 632 : i32
    %mul3A_0 = arith.muli %arg1, %mul3A : i32
    %multiple_of3A = tpu.assume_multiple %mul3A_0, 8 : i32
    "tpu.region"() ({
      %run_scoped3A = tpu.sem_alloc : memref<!tpu.dma_semaphore, #tpu.memory_space<semaphore_mem>>
      %dma_start3A_73 = arith.constant 0 : i32
      %dma_start3A_74 = tpu.memref_slice %arg14[%multiple_of3A, %dma_start3A_73] : memref<10112x128xf32, #tpu.memory_space<vmem_shared>> -> memref<632x128xf32, #tpu.memory_space<vmem_shared>>
      %dma_start3A_75 = arith.constant 0 : i32
      %dma_start3A_76 = tpu.memref_slice %arg5[%multiple_of3A, %dma_start3A_75] : memref<10112x128xf32, #tpu.memory_space<hbm>> -> memref<632x128xf32, #tpu.memory_space<hbm>>
      tpu.enqueue_dma source(%dma_start3A_76 : memref<632x128xf32, #tpu.memory_space<hbm>>) target(%dma_start3A_74 : memref<632x128xf32, #tpu.memory_space<vmem_shared>>) target_semaphore(%run_scoped3A : memref<!tpu.dma_semaphore, #tpu.memory_space<semaphore_mem>>)
      %dma_wait3A_77 = arith.constant 0 : i32
      %dma_wait3A_78 = tpu.memref_slice %arg14[%multiple_of3A, %dma_wait3A_77] : memref<10112x128xf32, #tpu.memory_space<vmem_shared>> -> memref<632x128xf32, #tpu.memory_space<vmem_shared>>
      %dma_wait3A_79 = arith.constant 0 : i32
      %dma_wait3A_80 = tpu.memref_slice %arg5[%multiple_of3A, %dma_wait3A_79] : memref<10112x128xf32, #tpu.memory_space<hbm>> -> memref<632x128xf32, #tpu.memory_space<hbm>>
      tpu.wait_dma2 semaphore(%run_scoped3A : memref<!tpu.dma_semaphore, #tpu.memory_space<semaphore_mem>>) src(%dma_wait3A_80 : memref<632x128xf32, #tpu.memory_space<hbm>>) dst(%dma_wait3A_78 : memref<632x128xf32, #tpu.memory_space<vmem_shared>>)
      tpu.yield
    }) : () -> ()
    %broadcast_in_dim3A = arith.constant 0.000000e+00 : f32
    %broadcast_in_dim3A_1 = vector.broadcast %broadcast_in_dim3A : f32 to vector<16xf32>
    %scan3A = arith.constant 0 : i32
    %scan3A_2 = arith.constant 632 : i32
    %scan3A_3 = arith.addi %scan3A, %scan3A_2 : i32
    %scan3A_4 = arith.constant 1 : i32
    scf.for %scan3A_73 = %scan3A to %scan3A_3 step %scan3A_4  : i32 {
      %mul3A_74 = arith.constant 1 : i32
      %mul3A_75 = arith.muli %scan3A_73, %mul3A_74 : i32
      %add3A_76 = arith.constant 0 : i32
      %add3A_77 = arith.addi %add3A_76, %mul3A_75 : i32
      %mul3A_78 = arith.constant 16 : i32
      %mul3A_79 = arith.muli %add3A_77, %mul3A_78 : i32
      %swap3A = arith.index_cast %mul3A_79 : i32 to index
      %swap3A_80 = tpu.vector_load %arg19[%swap3A] {strides = array<i32>} : memref<10112xf32, #tpu.memory_space<vmem>>, vector<16xf32>,
      tpu.vector_store %arg19[%swap3A], %broadcast_in_dim3A_1 {strides = array<i32>} : memref<10112xf32, #tpu.memory_space<vmem>>, vector<16xf32>,
    }
    %scan3A_5 = arith.constant 632 : i32
    %barrier3A = arith.constant 0 : index
    tpu.barrier barrier_id(%barrier3A)
    %mul3A_6 = arith.constant 160 : i32
    %mul3A_7 = arith.muli %arg1, %mul3A_6 : i32
    %broadcast_in_dim3A_8 = arith.constant 1.000000e+00 : f32
    %broadcast_in_dim3A_9 = vector.broadcast %broadcast_in_dim3A_8 : f32 to vector<16xf32>
    %add3A = arith.constant 0 : i32
    %add3A_10 = arith.addi %mul3A_7, %add3A : i32
    %multiple_of3A_11 = tpu.assume_multiple %add3A_10, 8 : i32
    %dma_start3A = arith.constant 0 : i32
    %dma_start3A_12 = tpu.memref_slice %arg3[%arg0, %multiple_of3A_11, %dma_start3A] : memref<2x2560x128xi32, #tpu.memory_space<hbm>> -> memref<1x8x128xi32, #tpu.memory_space<hbm>>
    %dma_start3A_13 = tpu.memref_squeeze %dma_start3A_12 : memref<1x8x128xi32, #tpu.memory_space<hbm>> -> memref<8x128xi32, #tpu.memory_space<hbm>>
    %dma_start3A_14 = arith.constant 0 : i32
    %dma_start3A_15 = tpu.memref_slice %arg3[%arg0, %multiple_of3A_11, %dma_start3A_14] : memref<2x2560x128xi32, #tpu.memory_space<hbm>> -> memref<1x8x128xi32, #tpu.memory_space<hbm>>
    %dma_start3A_16 = tpu.memref_squeeze %dma_start3A_15 : memref<1x8x128xi32, #tpu.memory_space<hbm>> -> memref<8x128xi32, #tpu.memory_space<hbm>>
    tpu.enqueue_dma source(%dma_start3A_16 : memref<8x128xi32, #tpu.memory_space<hbm>>) target(%arg8 : memref<8x128xi32, #tpu.memory_space<vmem>>) target_semaphore(%arg17 : memref<!tpu.dma_semaphore, #tpu.memory_space<semaphore_mem>>)
    %dma_start3A_17 = arith.constant 0 : i32
    %dma_start3A_18 = tpu.memref_slice %arg4[%arg0, %multiple_of3A_11, %dma_start3A_17] : memref<2x2560x128xi32, #tpu.memory_space<hbm>> -> memref<1x8x128xi32, #tpu.memory_space<hbm>>
    %dma_start3A_19 = tpu.memref_squeeze %dma_start3A_18 : memref<1x8x128xi32, #tpu.memory_space<hbm>> -> memref<8x128xi32, #tpu.memory_space<hbm>>
    %dma_start3A_20 = arith.constant 0 : i32
    %dma_start3A_21 = tpu.memref_slice %arg4[%arg0, %multiple_of3A_11, %dma_start3A_20] : memref<2x2560x128xi32, #tpu.memory_space<hbm>> -> memref<1x8x128xi32, #tpu.memory_space<hbm>>
    %dma_start3A_22 = tpu.memref_squeeze %dma_start3A_21 : memref<1x8x128xi32, #tpu.memory_space<hbm>> -> memref<8x128xi32, #tpu.memory_space<hbm>>
    tpu.enqueue_dma source(%dma_start3A_22 : memref<8x128xi32, #tpu.memory_space<hbm>>) target(%arg9 : memref<8x128xi32, #tpu.memory_space<vmem>>) target_semaphore(%arg17 : memref<!tpu.dma_semaphore, #tpu.memory_space<semaphore_mem>>)
    %add3A_23 = arith.constant 8 : i32
    %add3A_24 = arith.addi %mul3A_7, %add3A_23 : i32
    %multiple_of3A_25 = tpu.assume_multiple %add3A_24, 8 : i32
    %dma_start3A_26 = arith.constant 0 : i32
    %dma_start3A_27 = tpu.memref_slice %arg3[%arg0, %multiple_of3A_25, %dma_start3A_26] : memref<2x2560x128xi32, #tpu.memory_space<hbm>> -> memref<1x8x128xi32, #tpu.memory_space<hbm>>
    %dma_start3A_28 = tpu.memref_squeeze %dma_start3A_27 : memref<1x8x128xi32, #tpu.memory_space<hbm>> -> memref<8x128xi32, #tpu.memory_space<hbm>>
    %dma_start3A_29 = arith.constant 0 : i32
    %dma_start3A_30 = tpu.memref_slice %arg3[%arg0, %multiple_of3A_25, %dma_start3A_29] : memref<2x2560x128xi32, #tpu.memory_space<hbm>> -> memref<1x8x128xi32, #tpu.memory_space<hbm>>
    %dma_start3A_31 = tpu.memref_squeeze %dma_start3A_30 : memref<1x8x128xi32, #tpu.memory_space<hbm>> -> memref<8x128xi32, #tpu.memory_space<hbm>>
    tpu.enqueue_dma source(%dma_start3A_31 : memref<8x128xi32, #tpu.memory_space<hbm>>) target(%arg10 : memref<8x128xi32, #tpu.memory_space<vmem>>) target_semaphore(%arg18 : memref<!tpu.dma_semaphore, #tpu.memory_space<semaphore_mem>>)
    %dma_start3A_32 = arith.constant 0 : i32
    %dma_start3A_33 = tpu.memref_slice %arg4[%arg0, %multiple_of3A_25, %dma_start3A_32] : memref<2x2560x128xi32, #tpu.memory_space<hbm>> -> memref<1x8x128xi32, #tpu.memory_space<hbm>>
    %dma_start3A_34 = tpu.memref_squeeze %dma_start3A_33 : memref<1x8x128xi32, #tpu.memory_space<hbm>> -> memref<8x128xi32, #tpu.memory_space<hbm>>
    %dma_start3A_35 = arith.constant 0 : i32
    %dma_start3A_36 = tpu.memref_slice %arg4[%arg0, %multiple_of3A_25, %dma_start3A_35] : memref<2x2560x128xi32, #tpu.memory_space<hbm>> -> memref<1x8x128xi32, #tpu.memory_space<hbm>>
    %dma_start3A_37 = tpu.memref_squeeze %dma_start3A_36 : memref<1x8x128xi32, #tpu.memory_space<hbm>> -> memref<8x128xi32, #tpu.memory_space<hbm>>
    tpu.enqueue_dma source(%dma_start3A_37 : memref<8x128xi32, #tpu.memory_space<hbm>>) target(%arg11 : memref<8x128xi32, #tpu.memory_space<vmem>>) target_semaphore(%arg18 : memref<!tpu.dma_semaphore, #tpu.memory_space<semaphore_mem>>)
    %dma_wait3A = arith.constant 0 : i32
    %dma_wait3A_38 = arith.constant 0 : i32
    %dma_wait3A_39 = tpu.memref_slice %arg3[%arg0, %dma_wait3A, %dma_wait3A_38] : memref<2x2560x128xi32, #tpu.memory_space<hbm>> -> memref<1x8x128xi32, #tpu.memory_space<hbm>>
    %dma_wait3A_40 = tpu.memref_squeeze %dma_wait3A_39 : memref<1x8x128xi32, #tpu.memory_space<hbm>> -> memref<8x128xi32, #tpu.memory_space<hbm>>
    %dma_wait3A_41 = arith.constant 0 : i32
    %dma_wait3A_42 = arith.constant 0 : i32
    %dma_wait3A_43 = tpu.memref_slice %arg3[%arg0, %dma_wait3A_41, %dma_wait3A_42] : memref<2x2560x128xi32, #tpu.memory_space<hbm>> -> memref<1x8x128xi32, #tpu.memory_space<hbm>>
    %dma_wait3A_44 = tpu.memref_squeeze %dma_wait3A_43 : memref<1x8x128xi32, #tpu.memory_space<hbm>> -> memref<8x128xi32, #tpu.memory_space<hbm>>
    tpu.wait_dma2 semaphore(%arg17 : memref<!tpu.dma_semaphore, #tpu.memory_space<semaphore_mem>>) src(%dma_wait3A_44 : memref<8x128xi32, #tpu.memory_space<hbm>>) dst(%arg8 : memref<8x128xi32, #tpu.memory_space<vmem>>)
    %dma_wait3A_45 = arith.constant 0 : i32
    %dma_wait3A_46 = arith.constant 0 : i32
    %dma_wait3A_47 = tpu.memref_slice %arg3[%arg0, %dma_wait3A_45, %dma_wait3A_46] : memref<2x2560x128xi32, #tpu.memory_space<hbm>> -> memref<1x8x128xi32, #tpu.memory_space<hbm>>
    %dma_wait3A_48 = tpu.memref_squeeze %dma_wait3A_47 : memref<1x8x128xi32, #tpu.memory_space<hbm>> -> memref<8x128xi32, #tpu.memory_space<hbm>>
    %dma_wait3A_49 = arith.constant 0 : i32
    %dma_wait3A_50 = arith.constant 0 : i32
    %dma_wait3A_51 = tpu.memref_slice %arg3[%arg0, %dma_wait3A_49, %dma_wait3A_50] : memref<2x2560x128xi32, #tpu.memory_space<hbm>> -> memref<1x8x128xi32, #tpu.memory_space<hbm>>
    %dma_wait3A_52 = tpu.memref_squeeze %dma_wait3A_51 : memref<1x8x128xi32, #tpu.memory_space<hbm>> -> memref<8x128xi32, #tpu.memory_space<hbm>>
    tpu.wait_dma2 semaphore(%arg17 : memref<!tpu.dma_semaphore, #tpu.memory_space<semaphore_mem>>) src(%dma_wait3A_52 : memref<8x128xi32, #tpu.memory_space<hbm>>) dst(%arg9 : memref<8x128xi32, #tpu.memory_space<vmem>>)
    %dma_start3A_53 = arith.constant 0 : i32
    %dma_start3A_54 = arith.constant 0 : i32
    %dma_start3A_55 = tpu.memref_slice %arg8[%dma_start3A_53, %dma_start3A_54] : memref<8x128xi32, #tpu.memory_space<vmem>> -> memref<1x128xi32, #tpu.memory_space<vmem>>
    %dma_start3A_56 = tpu.memref_squeeze %dma_start3A_55 : memref<1x128xi32, #tpu.memory_space<vmem>> -> memref<128xi32, #tpu.memory_space<vmem>>
    %dma_start3A_57 = arith.constant 0 : i32
    %dma_start3A_58 = arith.constant 0 : i32
    %dma_start3A_59 = tpu.memref_slice %arg2[%dma_start3A_57, %dma_start3A_58] : memref<20224x128xf32, #tpu.memory_space<hbm>> -> memref<20224x128xf32, #tpu.memory_space<hbm>>
    tpu.enqueue_indirect_dma source(%dma_start3A_59 : memref<20224x128xf32, #tpu.memory_space<hbm>>) target(%arg12 : memref<128x128xf32, #tpu.memory_space<vmem>>) offsets(%dma_start3A_56 : memref<128xi32, #tpu.memory_space<vmem>>) semaphore(%arg15 : memref<!tpu.dma_semaphore, #tpu.memory_space<semaphore_mem>>)
    %dma_start3A_60 = arith.constant 1 : i32
    %dma_start3A_61 = arith.constant 0 : i32
    %dma_start3A_62 = tpu.memref_slice %arg8[%dma_start3A_60, %dma_start3A_61] : memref<8x128xi32, #tpu.memory_space<vmem>> -> memref<1x128xi32, #tpu.memory_space<vmem>>
    %dma_start3A_63 = tpu.memref_squeeze %dma_start3A_62 : memref<1x128xi32, #tpu.memory_space<vmem>> -> memref<128xi32, #tpu.memory_space<vmem>>
    %dma_start3A_64 = arith.constant 0 : i32
    %dma_start3A_65 = arith.constant 0 : i32
    %dma_start3A_66 = tpu.memref_slice %arg2[%dma_start3A_64, %dma_start3A_65] : memref<20224x128xf32, #tpu.memory_space<hbm>> -> memref<20224x128xf32, #tpu.memory_space<hbm>>
    tpu.enqueue_indirect_dma source(%dma_start3A_66 : memref<20224x128xf32, #tpu.memory_space<hbm>>) target(%arg13 : memref<128x128xf32, #tpu.memory_space<vmem>>) offsets(%dma_start3A_63 : memref<128xi32, #tpu.memory_space<vmem>>) semaphore(%arg16 : memref<!tpu.dma_semaphore, #tpu.memory_space<semaphore_mem>>)
    %scan3A_67 = arith.constant 0 : i32
    %scan3A_68 = arith.constant 10 : i32
    %scan3A_69 = arith.addi %scan3A_67, %scan3A_68 : i32
    %scan3A_70 = arith.constant 1 : i32
    scf.for %scan3A_73 = %scan3A_67 to %scan3A_69 step %scan3A_70  : i32 {
      %mul3A_74 = arith.constant 1 : i32
      %mul3A_75 = arith.muli %scan3A_73, %mul3A_74 : i32
      %add3A_76 = arith.constant 0 : i32
      %add3A_77 = arith.addi %add3A_76, %mul3A_75 : i32
      %add3A_78 = arith.constant 1 : i32
      %add3A_79 = arith.addi %add3A_77, %add3A_78 : i32
      %lt3A = arith.constant 10 : i32
      %lt3A_80 = arith.cmpi slt, %add3A_79, %lt3A : i32
      %scan3A_81 = arith.constant 0 : i32
      %scan3A_82 = arith.constant 4 : i32
      %scan3A_83 = arith.addi %scan3A_81, %scan3A_82 : i32
      %scan3A_84 = arith.constant 1 : i32
      scf.for %scan3A_95 = %scan3A_81 to %scan3A_83 step %scan3A_84  : i32 {
        %mul3A_96 = arith.constant 1 : i32
        %mul3A_97 = arith.muli %scan3A_95, %mul3A_96 : i32
        %add3A_98 = arith.constant 0 : i32
        %add3A_99 = arith.addi %add3A_98, %mul3A_97 : i32
        %mul3A_100 = arith.constant 2 : i32
        %mul3A_101 = arith.muli %add3A_99, %mul3A_100 : i32
        %dma_wait3A_102 = arith.constant 0 : i32
        %dma_wait3A_103 = arith.constant 0 : i32
        %dma_wait3A_104 = tpu.memref_slice %arg8[%dma_wait3A_102, %dma_wait3A_103] : memref<8x128xi32, #tpu.memory_space<vmem>> -> memref<1x128xi32, #tpu.memory_space<vmem>>
        %dma_wait3A_105 = tpu.memref_squeeze %dma_wait3A_104 : memref<1x128xi32, #tpu.memory_space<vmem>> -> memref<128xi32, #tpu.memory_space<vmem>>
        %dma_wait3A_106 = arith.constant 0 : i32
        %dma_wait3A_107 = arith.constant 0 : i32
        %dma_wait3A_108 = tpu.memref_slice %arg2[%dma_wait3A_106, %dma_wait3A_107] : memref<20224x128xf32, #tpu.memory_space<hbm>> -> memref<20224x128xf32, #tpu.memory_space<hbm>>
        tpu.wait_indirect_dma semaphore(%arg15 : memref<!tpu.dma_semaphore, #tpu.memory_space<semaphore_mem>>) src(%dma_wait3A_108 : memref<20224x128xf32, #tpu.memory_space<hbm>>) dst(%arg12 : memref<128x128xf32, #tpu.memory_space<vmem>>)
        "tpu.region"() ({
          %run_scoped3A = tpu.sem_alloc : memref<!tpu.dma_semaphore, #tpu.memory_space<semaphore_mem>>
          %dma_start3A_193 = arith.constant 0 : i32
          %dma_start3A_194 = tpu.memref_slice %arg9[%mul3A_101, %dma_start3A_193] : memref<8x128xi32, #tpu.memory_space<vmem>> -> memref<1x128xi32, #tpu.memory_space<vmem>>
          %dma_start3A_195 = tpu.memref_squeeze %dma_start3A_194 : memref<1x128xi32, #tpu.memory_space<vmem>> -> memref<128xi32, #tpu.memory_space<vmem>>
          %dma_start3A_196 = arith.constant 0 : i32
          %dma_start3A_197 = arith.constant 0 : i32
          %dma_start3A_198 = tpu.memref_slice %arg14[%dma_start3A_196, %dma_start3A_197] : memref<10112x128xf32, #tpu.memory_space<vmem_shared>> -> memref<10112x128xf32, #tpu.memory_space<vmem_shared>>
          tpu.enqueue_indirect_dma source(%arg12 : memref<128x128xf32, #tpu.memory_space<vmem>>) target(%dma_start3A_198 : memref<10112x128xf32, #tpu.memory_space<vmem_shared>>) offsets(%dma_start3A_195 : memref<128xi32, #tpu.memory_space<vmem>>) semaphore(%run_scoped3A : memref<!tpu.dma_semaphore, #tpu.memory_space<semaphore_mem>>) {add = true}
          %dma_wait3A_199 = arith.constant 0 : i32
          %dma_wait3A_200 = tpu.memref_slice %arg9[%mul3A_101, %dma_wait3A_199] : memref<8x128xi32, #tpu.memory_space<vmem>> -> memref<1x128xi32, #tpu.memory_space<vmem>>
          %dma_wait3A_201 = tpu.memref_squeeze %dma_wait3A_200 : memref<1x128xi32, #tpu.memory_space<vmem>> -> memref<128xi32, #tpu.memory_space<vmem>>
          %dma_wait3A_202 = arith.constant 0 : i32
          %dma_wait3A_203 = arith.constant 0 : i32
          %dma_wait3A_204 = tpu.memref_slice %arg14[%dma_wait3A_202, %dma_wait3A_203] : memref<10112x128xf32, #tpu.memory_space<vmem_shared>> -> memref<10112x128xf32, #tpu.memory_space<vmem_shared>>
          tpu.wait_indirect_dma semaphore(%run_scoped3A : memref<!tpu.dma_semaphore, #tpu.memory_space<semaphore_mem>>) src(%arg12 : memref<128x128xf32, #tpu.memory_space<vmem>>) dst(%dma_wait3A_204 : memref<10112x128xf32, #tpu.memory_space<vmem_shared>>)
          tpu.yield
        }) : () -> ()
        %get3A = arith.index_cast %mul3A_101 : i32 to index
        %get3A_109 = arith.constant 0 : index
        %get3A_110 = tpu.vector_load %arg9[%get3A, %get3A_109] {strides = array<i32>} : memref<8x128xi32, #tpu.memory_space<vmem>>, vector<16xi32>,
        tpu.vector_store_idx %arg19[%get3A_110], %broadcast_in_dim3A_9 {add = true} : memref<10112xf32, #tpu.memory_space<vmem>>[vector<16xi32>], vector<16xf32>,
        %get3A_111 = arith.index_cast %mul3A_101 : i32 to index
        %get3A_112 = arith.constant 16 : index
        %get3A_113 = tpu.vector_load %arg9[%get3A_111, %get3A_112] {strides = array<i32>} : memref<8x128xi32, #tpu.memory_space<vmem>>, vector<16xi32>,
        tpu.vector_store_idx %arg19[%get3A_113], %broadcast_in_dim3A_9 {add = true} : memref<10112xf32, #tpu.memory_space<vmem>>[vector<16xi32>], vector<16xf32>,
        %get3A_114 = arith.index_cast %mul3A_101 : i32 to index
        %get3A_115 = arith.constant 32 : index
        %get3A_116 = tpu.vector_load %arg9[%get3A_114, %get3A_115] {strides = array<i32>} : memref<8x128xi32, #tpu.memory_space<vmem>>, vector<16xi32>,
        tpu.vector_store_idx %arg19[%get3A_116], %broadcast_in_dim3A_9 {add = true} : memref<10112xf32, #tpu.memory_space<vmem>>[vector<16xi32>], vector<16xf32>,
        %get3A_117 = arith.index_cast %mul3A_101 : i32 to index
        %get3A_118 = arith.constant 48 : index
        %get3A_119 = tpu.vector_load %arg9[%get3A_117, %get3A_118] {strides = array<i32>} : memref<8x128xi32, #tpu.memory_space<vmem>>, vector<16xi32>,
        tpu.vector_store_idx %arg19[%get3A_119], %broadcast_in_dim3A_9 {add = true} : memref<10112xf32, #tpu.memory_space<vmem>>[vector<16xi32>], vector<16xf32>,
        %get3A_120 = arith.index_cast %mul3A_101 : i32 to index
        %get3A_121 = arith.constant 64 : index
        %get3A_122 = tpu.vector_load %arg9[%get3A_120, %get3A_121] {strides = array<i32>} : memref<8x128xi32, #tpu.memory_space<vmem>>, vector<16xi32>,
        tpu.vector_store_idx %arg19[%get3A_122], %broadcast_in_dim3A_9 {add = true} : memref<10112xf32, #tpu.memory_space<vmem>>[vector<16xi32>], vector<16xf32>,
        %get3A_123 = arith.index_cast %mul3A_101 : i32 to index
        %get3A_124 = arith.constant 80 : index
        %get3A_125 = tpu.vector_load %arg9[%get3A_123, %get3A_124] {strides = array<i32>} : memref<8x128xi32, #tpu.memory_space<vmem>>, vector<16xi32>,
        tpu.vector_store_idx %arg19[%get3A_125], %broadcast_in_dim3A_9 {add = true} : memref<10112xf32, #tpu.memory_space<vmem>>[vector<16xi32>], vector<16xf32>,
        %get3A_126 = arith.index_cast %mul3A_101 : i32 to index
        %get3A_127 = arith.constant 96 : index
        %get3A_128 = tpu.vector_load %arg9[%get3A_126, %get3A_127] {strides = array<i32>} : memref<8x128xi32, #tpu.memory_space<vmem>>, vector<16xi32>,
        tpu.vector_store_idx %arg19[%get3A_128], %broadcast_in_dim3A_9 {add = true} : memref<10112xf32, #tpu.memory_space<vmem>>[vector<16xi32>], vector<16xf32>,
        %get3A_129 = arith.index_cast %mul3A_101 : i32 to index
        %get3A_130 = arith.constant 112 : index
        %get3A_131 = tpu.vector_load %arg9[%get3A_129, %get3A_130] {strides = array<i32>} : memref<8x128xi32, #tpu.memory_space<vmem>>, vector<16xi32>,
        tpu.vector_store_idx %arg19[%get3A_131], %broadcast_in_dim3A_9 {add = true} : memref<10112xf32, #tpu.memory_space<vmem>>[vector<16xi32>], vector<16xf32>,
        %eq3A = arith.constant 6 : i32
        %eq3A_132 = arith.cmpi eq, %mul3A_101, %eq3A : i32
        %convert_element_type3A_133 = arith.extui %eq3A_132 : i1 to i32
        %cond3A_134 = arith.constant 0 : i32
        %cond3A_135 = arith.cmpi ne, %convert_element_type3A_133, %cond3A_134 : i32
        scf.if %cond3A_135 {
          %dma_wait3A_193 = arith.constant 0 : i32
          %dma_wait3A_194 = arith.constant 0 : i32
          %dma_wait3A_195 = tpu.memref_slice %arg3[%arg0, %dma_wait3A_193, %dma_wait3A_194] : memref<2x2560x128xi32, #tpu.memory_space<hbm>> -> memref<1x8x128xi32, #tpu.memory_space<hbm>>
          %dma_wait3A_196 = tpu.memref_squeeze %dma_wait3A_195 : memref<1x8x128xi32, #tpu.memory_space<hbm>> -> memref<8x128xi32, #tpu.memory_space<hbm>>
          %dma_wait3A_197 = arith.constant 0 : i32
          %dma_wait3A_198 = arith.constant 0 : i32
          %dma_wait3A_199 = tpu.memref_slice %arg3[%arg0, %dma_wait3A_197, %dma_wait3A_198] : memref<2x2560x128xi32, #tpu.memory_space<hbm>> -> memref<1x8x128xi32, #tpu.memory_space<hbm>>
          %dma_wait3A_200 = tpu.memref_squeeze %dma_wait3A_199 : memref<1x8x128xi32, #tpu.memory_space<hbm>> -> memref<8x128xi32, #tpu.memory_space<hbm>>
          tpu.wait_dma2 semaphore(%arg18 : memref<!tpu.dma_semaphore, #tpu.memory_space<semaphore_mem>>) src(%dma_wait3A_200 : memref<8x128xi32, #tpu.memory_space<hbm>>) dst(%arg10 : memref<8x128xi32, #tpu.memory_space<vmem>>)
          %dma_wait3A_201 = arith.constant 0 : i32
          %dma_wait3A_202 = arith.constant 0 : i32
          %dma_wait3A_203 = tpu.memref_slice %arg3[%arg0, %dma_wait3A_201, %dma_wait3A_202] : memref<2x2560x128xi32, #tpu.memory_space<hbm>> -> memref<1x8x128xi32, #tpu.memory_space<hbm>>
          %dma_wait3A_204 = tpu.memref_squeeze %dma_wait3A_203 : memref<1x8x128xi32, #tpu.memory_space<hbm>> -> memref<8x128xi32, #tpu.memory_space<hbm>>
          %dma_wait3A_205 = arith.constant 0 : i32
          %dma_wait3A_206 = arith.constant 0 : i32
          %dma_wait3A_207 = tpu.memref_slice %arg3[%arg0, %dma_wait3A_205, %dma_wait3A_206] : memref<2x2560x128xi32, #tpu.memory_space<hbm>> -> memref<1x8x128xi32, #tpu.memory_space<hbm>>
          %dma_wait3A_208 = tpu.memref_squeeze %dma_wait3A_207 : memref<1x8x128xi32, #tpu.memory_space<hbm>> -> memref<8x128xi32, #tpu.memory_space<hbm>>
          tpu.wait_dma2 semaphore(%arg18 : memref<!tpu.dma_semaphore, #tpu.memory_space<semaphore_mem>>) src(%dma_wait3A_208 : memref<8x128xi32, #tpu.memory_space<hbm>>) dst(%arg11 : memref<8x128xi32, #tpu.memory_space<vmem>>)
        } else {
        }
        %lt3A_136 = arith.constant 6 : i32
        %lt3A_137 = arith.cmpi slt, %mul3A_101, %lt3A_136 : i32
        %convert_element_type3A_138 = arith.extui %lt3A_137 : i1 to i32
        %cond3A_139 = arith.constant 0 : i32
        %cond3A_140 = arith.cmpi ne, %convert_element_type3A_138, %cond3A_139 : i32
        scf.if %cond3A_140 {
          %add3A_193 = arith.constant 2 : i32
          %add3A_194 = arith.addi %mul3A_101, %add3A_193 : i32
          %dma_start3A_195 = arith.constant 0 : i32
          %dma_start3A_196 = tpu.memref_slice %arg8[%add3A_194, %dma_start3A_195] : memref<8x128xi32, #tpu.memory_space<vmem>> -> memref<1x128xi32, #tpu.memory_space<vmem>>
          %dma_start3A_197 = tpu.memref_squeeze %dma_start3A_196 : memref<1x128xi32, #tpu.memory_space<vmem>> -> memref<128xi32, #tpu.memory_space<vmem>>
          %dma_start3A_198 = arith.constant 0 : i32
          %dma_start3A_199 = arith.constant 0 : i32
          %dma_start3A_200 = tpu.memref_slice %arg2[%dma_start3A_198, %dma_start3A_199] : memref<20224x128xf32, #tpu.memory_space<hbm>> -> memref<20224x128xf32, #tpu.memory_space<hbm>>
          tpu.enqueue_indirect_dma source(%dma_start3A_200 : memref<20224x128xf32, #tpu.memory_space<hbm>>) target(%arg12 : memref<128x128xf32, #tpu.memory_space<vmem>>) offsets(%dma_start3A_197 : memref<128xi32, #tpu.memory_space<vmem>>) semaphore(%arg15 : memref<!tpu.dma_semaphore, #tpu.memory_space<semaphore_mem>>)
        } else {
        }
        %ge3A = arith.constant 6 : i32
        %ge3A_141 = arith.cmpi sge, %mul3A_101, %ge3A : i32
        %convert_element_type3A_142 = arith.extui %ge3A_141 : i1 to i32
        %cond3A_143 = arith.constant 0 : i32
        %cond3A_144 = arith.cmpi ne, %convert_element_type3A_142, %cond3A_143 : i32
        scf.if %cond3A_144 {
          %sub3A = arith.constant 6 : i32
          %sub3A_193 = arith.subi %mul3A_101, %sub3A : i32
          %dma_start3A_194 = arith.constant 0 : i32
          %dma_start3A_195 = tpu.memref_slice %arg10[%sub3A_193, %dma_start3A_194] : memref<8x128xi32, #tpu.memory_space<vmem>> -> memref<1x128xi32, #tpu.memory_space<vmem>>
          %dma_start3A_196 = tpu.memref_squeeze %dma_start3A_195 : memref<1x128xi32, #tpu.memory_space<vmem>> -> memref<128xi32, #tpu.memory_space<vmem>>
          %dma_start3A_197 = arith.constant 0 : i32
          %dma_start3A_198 = arith.constant 0 : i32
          %dma_start3A_199 = tpu.memref_slice %arg2[%dma_start3A_197, %dma_start3A_198] : memref<20224x128xf32, #tpu.memory_space<hbm>> -> memref<20224x128xf32, #tpu.memory_space<hbm>>
          tpu.enqueue_indirect_dma source(%dma_start3A_199 : memref<20224x128xf32, #tpu.memory_space<hbm>>) target(%arg12 : memref<128x128xf32, #tpu.memory_space<vmem>>) offsets(%dma_start3A_196 : memref<128xi32, #tpu.memory_space<vmem>>) semaphore(%arg15 : memref<!tpu.dma_semaphore, #tpu.memory_space<semaphore_mem>>)
        } else {
        }
        %add3A_145 = arith.constant 1 : i32
        %add3A_146 = arith.addi %mul3A_101, %add3A_145 : i32
        %dma_wait3A_147 = arith.constant 0 : i32
        %dma_wait3A_148 = arith.constant 0 : i32
        %dma_wait3A_149 = tpu.memref_slice %arg8[%dma_wait3A_147, %dma_wait3A_148] : memref<8x128xi32, #tpu.memory_space<vmem>> -> memref<1x128xi32, #tpu.memory_space<vmem>>
        %dma_wait3A_150 = tpu.memref_squeeze %dma_wait3A_149 : memref<1x128xi32, #tpu.memory_space<vmem>> -> memref<128xi32, #tpu.memory_space<vmem>>
        %dma_wait3A_151 = arith.constant 0 : i32
        %dma_wait3A_152 = arith.constant 0 : i32
        %dma_wait3A_153 = tpu.memref_slice %arg2[%dma_wait3A_151, %dma_wait3A_152] : memref<20224x128xf32, #tpu.memory_space<hbm>> -> memref<20224x128xf32, #tpu.memory_space<hbm>>
        tpu.wait_indirect_dma semaphore(%arg16 : memref<!tpu.dma_semaphore, #tpu.memory_space<semaphore_mem>>) src(%dma_wait3A_153 : memref<20224x128xf32, #tpu.memory_space<hbm>>) dst(%arg13 : memref<128x128xf32, #tpu.memory_space<vmem>>)
        "tpu.region"() ({
          %run_scoped3A = tpu.sem_alloc : memref<!tpu.dma_semaphore, #tpu.memory_space<semaphore_mem>>
          %dma_start3A_193 = arith.constant 0 : i32
          %dma_start3A_194 = tpu.memref_slice %arg9[%add3A_146, %dma_start3A_193] : memref<8x128xi32, #tpu.memory_space<vmem>> -> memref<1x128xi32, #tpu.memory_space<vmem>>
          %dma_start3A_195 = tpu.memref_squeeze %dma_start3A_194 : memref<1x128xi32, #tpu.memory_space<vmem>> -> memref<128xi32, #tpu.memory_space<vmem>>
          %dma_start3A_196 = arith.constant 0 : i32
          %dma_start3A_197 = arith.constant 0 : i32
          %dma_start3A_198 = tpu.memref_slice %arg14[%dma_start3A_196, %dma_start3A_197] : memref<10112x128xf32, #tpu.memory_space<vmem_shared>> -> memref<10112x128xf32, #tpu.memory_space<vmem_shared>>
          tpu.enqueue_indirect_dma source(%arg13 : memref<128x128xf32, #tpu.memory_space<vmem>>) target(%dma_start3A_198 : memref<10112x128xf32, #tpu.memory_space<vmem_shared>>) offsets(%dma_start3A_195 : memref<128xi32, #tpu.memory_space<vmem>>) semaphore(%run_scoped3A : memref<!tpu.dma_semaphore, #tpu.memory_space<semaphore_mem>>) {add = true}
          %dma_wait3A_199 = arith.constant 0 : i32
          %dma_wait3A_200 = tpu.memref_slice %arg9[%add3A_146, %dma_wait3A_199] : memref<8x128xi32, #tpu.memory_space<vmem>> -> memref<1x128xi32, #tpu.memory_space<vmem>>
          %dma_wait3A_201 = tpu.memref_squeeze %dma_wait3A_200 : memref<1x128xi32, #tpu.memory_space<vmem>> -> memref<128xi32, #tpu.memory_space<vmem>>
          %dma_wait3A_202 = arith.constant 0 : i32
          %dma_wait3A_203 = arith.constant 0 : i32
          %dma_wait3A_204 = tpu.memref_slice %arg14[%dma_wait3A_202, %dma_wait3A_203] : memref<10112x128xf32, #tpu.memory_space<vmem_shared>> -> memref<10112x128xf32, #tpu.memory_space<vmem_shared>>
          tpu.wait_indirect_dma semaphore(%run_scoped3A : memref<!tpu.dma_semaphore, #tpu.memory_space<semaphore_mem>>) src(%arg13 : memref<128x128xf32, #tpu.memory_space<vmem>>) dst(%dma_wait3A_204 : memref<10112x128xf32, #tpu.memory_space<vmem_shared>>)
          tpu.yield
        }) : () -> ()
        %get3A_154 = arith.index_cast %add3A_146 : i32 to index
        %get3A_155 = arith.constant 0 : index
        %get3A_156 = tpu.vector_load %arg9[%get3A_154, %get3A_155] {strides = array<i32>} : memref<8x128xi32, #tpu.memory_space<vmem>>, vector<16xi32>,
        tpu.vector_store_idx %arg19[%get3A_156], %broadcast_in_dim3A_9 {add = true} : memref<10112xf32, #tpu.memory_space<vmem>>[vector<16xi32>], vector<16xf32>,
        %get3A_157 = arith.index_cast %add3A_146 : i32 to index
        %get3A_158 = arith.constant 16 : index
        %get3A_159 = tpu.vector_load %arg9[%get3A_157, %get3A_158] {strides = array<i32>} : memref<8x128xi32, #tpu.memory_space<vmem>>, vector<16xi32>,
        tpu.vector_store_idx %arg19[%get3A_159], %broadcast_in_dim3A_9 {add = true} : memref<10112xf32, #tpu.memory_space<vmem>>[vector<16xi32>], vector<16xf32>,
        %get3A_160 = arith.index_cast %add3A_146 : i32 to index
        %get3A_161 = arith.constant 32 : index
        %get3A_162 = tpu.vector_load %arg9[%get3A_160, %get3A_161] {strides = array<i32>} : memref<8x128xi32, #tpu.memory_space<vmem>>, vector<16xi32>,
        tpu.vector_store_idx %arg19[%get3A_162], %broadcast_in_dim3A_9 {add = true} : memref<10112xf32, #tpu.memory_space<vmem>>[vector<16xi32>], vector<16xf32>,
        %get3A_163 = arith.index_cast %add3A_146 : i32 to index
        %get3A_164 = arith.constant 48 : index
        %get3A_165 = tpu.vector_load %arg9[%get3A_163, %get3A_164] {strides = array<i32>} : memref<8x128xi32, #tpu.memory_space<vmem>>, vector<16xi32>,
        tpu.vector_store_idx %arg19[%get3A_165], %broadcast_in_dim3A_9 {add = true} : memref<10112xf32, #tpu.memory_space<vmem>>[vector<16xi32>], vector<16xf32>,
        %get3A_166 = arith.index_cast %add3A_146 : i32 to index
        %get3A_167 = arith.constant 64 : index
        %get3A_168 = tpu.vector_load %arg9[%get3A_166, %get3A_167] {strides = array<i32>} : memref<8x128xi32, #tpu.memory_space<vmem>>, vector<16xi32>,
        tpu.vector_store_idx %arg19[%get3A_168], %broadcast_in_dim3A_9 {add = true} : memref<10112xf32, #tpu.memory_space<vmem>>[vector<16xi32>], vector<16xf32>,
        %get3A_169 = arith.index_cast %add3A_146 : i32 to index
        %get3A_170 = arith.constant 80 : index
        %get3A_171 = tpu.vector_load %arg9[%get3A_169, %get3A_170] {strides = array<i32>} : memref<8x128xi32, #tpu.memory_space<vmem>>, vector<16xi32>,
        tpu.vector_store_idx %arg19[%get3A_171], %broadcast_in_dim3A_9 {add = true} : memref<10112xf32, #tpu.memory_space<vmem>>[vector<16xi32>], vector<16xf32>,
        %get3A_172 = arith.index_cast %add3A_146 : i32 to index
        %get3A_173 = arith.constant 96 : index
        %get3A_174 = tpu.vector_load %arg9[%get3A_172, %get3A_173] {strides = array<i32>} : memref<8x128xi32, #tpu.memory_space<vmem>>, vector<16xi32>,
        tpu.vector_store_idx %arg19[%get3A_174], %broadcast_in_dim3A_9 {add = true} : memref<10112xf32, #tpu.memory_space<vmem>>[vector<16xi32>], vector<16xf32>,
        %get3A_175 = arith.index_cast %add3A_146 : i32 to index
        %get3A_176 = arith.constant 112 : index
        %get3A_177 = tpu.vector_load %arg9[%get3A_175, %get3A_176] {strides = array<i32>} : memref<8x128xi32, #tpu.memory_space<vmem>>, vector<16xi32>,
        tpu.vector_store_idx %arg19[%get3A_177], %broadcast_in_dim3A_9 {add = true} : memref<10112xf32, #tpu.memory_space<vmem>>[vector<16xi32>], vector<16xf32>,
        %eq3A_178 = arith.constant 6 : i32
        %eq3A_179 = arith.cmpi eq, %add3A_146, %eq3A_178 : i32
        %convert_element_type3A_180 = arith.extui %eq3A_179 : i1 to i32
        %cond3A_181 = arith.constant 0 : i32
        %cond3A_182 = arith.cmpi ne, %convert_element_type3A_180, %cond3A_181 : i32
        scf.if %cond3A_182 {
          %dma_wait3A_193 = arith.constant 0 : i32
          %dma_wait3A_194 = arith.constant 0 : i32
          %dma_wait3A_195 = tpu.memref_slice %arg3[%arg0, %dma_wait3A_193, %dma_wait3A_194] : memref<2x2560x128xi32, #tpu.memory_space<hbm>> -> memref<1x8x128xi32, #tpu.memory_space<hbm>>
          %dma_wait3A_196 = tpu.memref_squeeze %dma_wait3A_195 : memref<1x8x128xi32, #tpu.memory_space<hbm>> -> memref<8x128xi32, #tpu.memory_space<hbm>>
          %dma_wait3A_197 = arith.constant 0 : i32
          %dma_wait3A_198 = arith.constant 0 : i32
          %dma_wait3A_199 = tpu.memref_slice %arg3[%arg0, %dma_wait3A_197, %dma_wait3A_198] : memref<2x2560x128xi32, #tpu.memory_space<hbm>> -> memref<1x8x128xi32, #tpu.memory_space<hbm>>
          %dma_wait3A_200 = tpu.memref_squeeze %dma_wait3A_199 : memref<1x8x128xi32, #tpu.memory_space<hbm>> -> memref<8x128xi32, #tpu.memory_space<hbm>>
          tpu.wait_dma2 semaphore(%arg18 : memref<!tpu.dma_semaphore, #tpu.memory_space<semaphore_mem>>) src(%dma_wait3A_200 : memref<8x128xi32, #tpu.memory_space<hbm>>) dst(%arg10 : memref<8x128xi32, #tpu.memory_space<vmem>>)
          %dma_wait3A_201 = arith.constant 0 : i32
          %dma_wait3A_202 = arith.constant 0 : i32
          %dma_wait3A_203 = tpu.memref_slice %arg3[%arg0, %dma_wait3A_201, %dma_wait3A_202] : memref<2x2560x128xi32, #tpu.memory_space<hbm>> -> memref<1x8x128xi32, #tpu.memory_space<hbm>>
          %dma_wait3A_204 = tpu.memref_squeeze %dma_wait3A_203 : memref<1x8x128xi32, #tpu.memory_space<hbm>> -> memref<8x128xi32, #tpu.memory_space<hbm>>
          %dma_wait3A_205 = arith.constant 0 : i32
          %dma_wait3A_206 = arith.constant 0 : i32
          %dma_wait3A_207 = tpu.memref_slice %arg3[%arg0, %dma_wait3A_205, %dma_wait3A_206] : memref<2x2560x128xi32, #tpu.memory_space<hbm>> -> memref<1x8x128xi32, #tpu.memory_space<hbm>>
          %dma_wait3A_208 = tpu.memref_squeeze %dma_wait3A_207 : memref<1x8x128xi32, #tpu.memory_space<hbm>> -> memref<8x128xi32, #tpu.memory_space<hbm>>
          tpu.wait_dma2 semaphore(%arg18 : memref<!tpu.dma_semaphore, #tpu.memory_space<semaphore_mem>>) src(%dma_wait3A_208 : memref<8x128xi32, #tpu.memory_space<hbm>>) dst(%arg11 : memref<8x128xi32, #tpu.memory_space<vmem>>)
        } else {
        }
        %lt3A_183 = arith.constant 6 : i32
        %lt3A_184 = arith.cmpi slt, %add3A_146, %lt3A_183 : i32
        %convert_element_type3A_185 = arith.extui %lt3A_184 : i1 to i32
        %cond3A_186 = arith.constant 0 : i32
        %cond3A_187 = arith.cmpi ne, %convert_element_type3A_185, %cond3A_186 : i32
        scf.if %cond3A_187 {
          %add3A_193 = arith.constant 2 : i32
          %add3A_194 = arith.addi %add3A_146, %add3A_193 : i32
          %dma_start3A_195 = arith.constant 0 : i32
          %dma_start3A_196 = tpu.memref_slice %arg8[%add3A_194, %dma_start3A_195] : memref<8x128xi32, #tpu.memory_space<vmem>> -> memref<1x128xi32, #tpu.memory_space<vmem>>
          %dma_start3A_197 = tpu.memref_squeeze %dma_start3A_196 : memref<1x128xi32, #tpu.memory_space<vmem>> -> memref<128xi32, #tpu.memory_space<vmem>>
          %dma_start3A_198 = arith.constant 0 : i32
          %dma_start3A_199 = arith.constant 0 : i32
          %dma_start3A_200 = tpu.memref_slice %arg2[%dma_start3A_198, %dma_start3A_199] : memref<20224x128xf32, #tpu.memory_space<hbm>> -> memref<20224x128xf32, #tpu.memory_space<hbm>>
          tpu.enqueue_indirect_dma source(%dma_start3A_200 : memref<20224x128xf32, #tpu.memory_space<hbm>>) target(%arg13 : memref<128x128xf32, #tpu.memory_space<vmem>>) offsets(%dma_start3A_197 : memref<128xi32, #tpu.memory_space<vmem>>) semaphore(%arg16 : memref<!tpu.dma_semaphore, #tpu.memory_space<semaphore_mem>>)
        } else {
        }
        %ge3A_188 = arith.constant 6 : i32
        %ge3A_189 = arith.cmpi sge, %add3A_146, %ge3A_188 : i32
        %convert_element_type3A_190 = arith.extui %ge3A_189 : i1 to i32
        %cond3A_191 = arith.constant 0 : i32
        %cond3A_192 = arith.cmpi ne, %convert_element_type3A_190, %cond3A_191 : i32
        scf.if %cond3A_192 {
          %sub3A = arith.constant 6 : i32
          %sub3A_193 = arith.subi %add3A_146, %sub3A : i32
          %dma_start3A_194 = arith.constant 0 : i32
          %dma_start3A_195 = tpu.memref_slice %arg10[%sub3A_193, %dma_start3A_194] : memref<8x128xi32, #tpu.memory_space<vmem>> -> memref<1x128xi32, #tpu.memory_space<vmem>>
          %dma_start3A_196 = tpu.memref_squeeze %dma_start3A_195 : memref<1x128xi32, #tpu.memory_space<vmem>> -> memref<128xi32, #tpu.memory_space<vmem>>
          %dma_start3A_197 = arith.constant 0 : i32
          %dma_start3A_198 = arith.constant 0 : i32
          %dma_start3A_199 = tpu.memref_slice %arg2[%dma_start3A_197, %dma_start3A_198] : memref<20224x128xf32, #tpu.memory_space<hbm>> -> memref<20224x128xf32, #tpu.memory_space<hbm>>
          tpu.enqueue_indirect_dma source(%dma_start3A_199 : memref<20224x128xf32, #tpu.memory_space<hbm>>) target(%arg13 : memref<128x128xf32, #tpu.memory_space<vmem>>) offsets(%dma_start3A_196 : memref<128xi32, #tpu.memory_space<vmem>>) semaphore(%arg16 : memref<!tpu.dma_semaphore, #tpu.memory_space<semaphore_mem>>)
        } else {
        }
      }
      %scan3A_85 = arith.constant 4 : i32
      %convert_element_type3A = arith.extui %lt3A_80 : i1 to i32
      %cond3A = arith.constant 0 : i32
      %cond3A_86 = arith.cmpi ne, %convert_element_type3A, %cond3A : i32
      scf.if %cond3A_86 {
        %mul3A_95 = arith.constant 2 : i32
        %mul3A_96 = arith.muli %mul3A_95, %add3A_77 : i32
        %add3A_97 = arith.constant 2 : i32
        %add3A_98 = arith.addi %mul3A_96, %add3A_97 : i32
        %mul3A_99 = arith.constant 8 : i32
        %mul3A_100 = arith.muli %add3A_98, %mul3A_99 : i32
        %add3A_101 = arith.addi %mul3A_7, %mul3A_100 : i32
        %multiple_of3A_102 = tpu.assume_multiple %add3A_101, 8 : i32
        %dma_start3A_103 = arith.constant 0 : i32
        %dma_start3A_104 = tpu.memref_slice %arg3[%arg0, %multiple_of3A_102, %dma_start3A_103] : memref<2x2560x128xi32, #tpu.memory_space<hbm>> -> memref<1x8x128xi32, #tpu.memory_space<hbm>>
        %dma_start3A_105 = tpu.memref_squeeze %dma_start3A_104 : memref<1x8x128xi32, #tpu.memory_space<hbm>> -> memref<8x128xi32, #tpu.memory_space<hbm>>
        %dma_start3A_106 = arith.constant 0 : i32
        %dma_start3A_107 = tpu.memref_slice %arg3[%arg0, %multiple_of3A_102, %dma_start3A_106] : memref<2x2560x128xi32, #tpu.memory_space<hbm>> -> memref<1x8x128xi32, #tpu.memory_space<hbm>>
        %dma_start3A_108 = tpu.memref_squeeze %dma_start3A_107 : memref<1x8x128xi32, #tpu.memory_space<hbm>> -> memref<8x128xi32, #tpu.memory_space<hbm>>
        tpu.enqueue_dma source(%dma_start3A_108 : memref<8x128xi32, #tpu.memory_space<hbm>>) target(%arg8 : memref<8x128xi32, #tpu.memory_space<vmem>>) target_semaphore(%arg17 : memref<!tpu.dma_semaphore, #tpu.memory_space<semaphore_mem>>)
        %dma_start3A_109 = arith.constant 0 : i32
        %dma_start3A_110 = tpu.memref_slice %arg4[%arg0, %multiple_of3A_102, %dma_start3A_109] : memref<2x2560x128xi32, #tpu.memory_space<hbm>> -> memref<1x8x128xi32, #tpu.memory_space<hbm>>
        %dma_start3A_111 = tpu.memref_squeeze %dma_start3A_110 : memref<1x8x128xi32, #tpu.memory_space<hbm>> -> memref<8x128xi32, #tpu.memory_space<hbm>>
        %dma_start3A_112 = arith.constant 0 : i32
        %dma_start3A_113 = tpu.memref_slice %arg4[%arg0, %multiple_of3A_102, %dma_start3A_112] : memref<2x2560x128xi32, #tpu.memory_space<hbm>> -> memref<1x8x128xi32, #tpu.memory_space<hbm>>
        %dma_start3A_114 = tpu.memref_squeeze %dma_start3A_113 : memref<1x8x128xi32, #tpu.memory_space<hbm>> -> memref<8x128xi32, #tpu.memory_space<hbm>>
        tpu.enqueue_dma source(%dma_start3A_114 : memref<8x128xi32, #tpu.memory_space<hbm>>) target(%arg9 : memref<8x128xi32, #tpu.memory_space<vmem>>) target_semaphore(%arg17 : memref<!tpu.dma_semaphore, #tpu.memory_space<semaphore_mem>>)
      } else {
      }
      %scan3A_87 = arith.constant 0 : i32
      %scan3A_88 = arith.constant 4 : i32
      %scan3A_89 = arith.addi %scan3A_87, %scan3A_88 : i32
      %scan3A_90 = arith.constant 1 : i32
      scf.for %scan3A_95 = %scan3A_87 to %scan3A_89 step %scan3A_90  : i32 {
        %mul3A_96 = arith.constant 1 : i32
        %mul3A_97 = arith.muli %scan3A_95, %mul3A_96 : i32
        %add3A_98 = arith.constant 0 : i32
        %add3A_99 = arith.addi %add3A_98, %mul3A_97 : i32
        %mul3A_100 = arith.constant 2 : i32
        %mul3A_101 = arith.muli %add3A_99, %mul3A_100 : i32
        %dma_wait3A_102 = arith.constant 0 : i32
        %dma_wait3A_103 = arith.constant 0 : i32
        %dma_wait3A_104 = tpu.memref_slice %arg8[%dma_wait3A_102, %dma_wait3A_103] : memref<8x128xi32, #tpu.memory_space<vmem>> -> memref<1x128xi32, #tpu.memory_space<vmem>>
        %dma_wait3A_105 = tpu.memref_squeeze %dma_wait3A_104 : memref<1x128xi32, #tpu.memory_space<vmem>> -> memref<128xi32, #tpu.memory_space<vmem>>
        %dma_wait3A_106 = arith.constant 0 : i32
        %dma_wait3A_107 = arith.constant 0 : i32
        %dma_wait3A_108 = tpu.memref_slice %arg2[%dma_wait3A_106, %dma_wait3A_107] : memref<20224x128xf32, #tpu.memory_space<hbm>> -> memref<20224x128xf32, #tpu.memory_space<hbm>>
        tpu.wait_indirect_dma semaphore(%arg15 : memref<!tpu.dma_semaphore, #tpu.memory_space<semaphore_mem>>) src(%dma_wait3A_108 : memref<20224x128xf32, #tpu.memory_space<hbm>>) dst(%arg12 : memref<128x128xf32, #tpu.memory_space<vmem>>)
        "tpu.region"() ({
          %run_scoped3A = tpu.sem_alloc : memref<!tpu.dma_semaphore, #tpu.memory_space<semaphore_mem>>
          %dma_start3A_193 = arith.constant 0 : i32
          %dma_start3A_194 = tpu.memref_slice %arg11[%mul3A_101, %dma_start3A_193] : memref<8x128xi32, #tpu.memory_space<vmem>> -> memref<1x128xi32, #tpu.memory_space<vmem>>
          %dma_start3A_195 = tpu.memref_squeeze %dma_start3A_194 : memref<1x128xi32, #tpu.memory_space<vmem>> -> memref<128xi32, #tpu.memory_space<vmem>>
          %dma_start3A_196 = arith.constant 0 : i32
          %dma_start3A_197 = arith.constant 0 : i32
          %dma_start3A_198 = tpu.memref_slice %arg14[%dma_start3A_196, %dma_start3A_197] : memref<10112x128xf32, #tpu.memory_space<vmem_shared>> -> memref<10112x128xf32, #tpu.memory_space<vmem_shared>>
          tpu.enqueue_indirect_dma source(%arg12 : memref<128x128xf32, #tpu.memory_space<vmem>>) target(%dma_start3A_198 : memref<10112x128xf32, #tpu.memory_space<vmem_shared>>) offsets(%dma_start3A_195 : memref<128xi32, #tpu.memory_space<vmem>>) semaphore(%run_scoped3A : memref<!tpu.dma_semaphore, #tpu.memory_space<semaphore_mem>>) {add = true}
          %dma_wait3A_199 = arith.constant 0 : i32
          %dma_wait3A_200 = tpu.memref_slice %arg11[%mul3A_101, %dma_wait3A_199] : memref<8x128xi32, #tpu.memory_space<vmem>> -> memref<1x128xi32, #tpu.memory_space<vmem>>
          %dma_wait3A_201 = tpu.memref_squeeze %dma_wait3A_200 : memref<1x128xi32, #tpu.memory_space<vmem>> -> memref<128xi32, #tpu.memory_space<vmem>>
          %dma_wait3A_202 = arith.constant 0 : i32
          %dma_wait3A_203 = arith.constant 0 : i32
          %dma_wait3A_204 = tpu.memref_slice %arg14[%dma_wait3A_202, %dma_wait3A_203] : memref<10112x128xf32, #tpu.memory_space<vmem_shared>> -> memref<10112x128xf32, #tpu.memory_space<vmem_shared>>
          tpu.wait_indirect_dma semaphore(%run_scoped3A : memref<!tpu.dma_semaphore, #tpu.memory_space<semaphore_mem>>) src(%arg12 : memref<128x128xf32, #tpu.memory_space<vmem>>) dst(%dma_wait3A_204 : memref<10112x128xf32, #tpu.memory_space<vmem_shared>>)
          tpu.yield
        }) : () -> ()
        %get3A = arith.index_cast %mul3A_101 : i32 to index
        %get3A_109 = arith.constant 0 : index
        %get3A_110 = tpu.vector_load %arg11[%get3A, %get3A_109] {strides = array<i32>} : memref<8x128xi32, #tpu.memory_space<vmem>>, vector<16xi32>,
        tpu.vector_store_idx %arg19[%get3A_110], %broadcast_in_dim3A_9 {add = true} : memref<10112xf32, #tpu.memory_space<vmem>>[vector<16xi32>], vector<16xf32>,
        %get3A_111 = arith.index_cast %mul3A_101 : i32 to index
        %get3A_112 = arith.constant 16 : index
        %get3A_113 = tpu.vector_load %arg11[%get3A_111, %get3A_112] {strides = array<i32>} : memref<8x128xi32, #tpu.memory_space<vmem>>, vector<16xi32>,
        tpu.vector_store_idx %arg19[%get3A_113], %broadcast_in_dim3A_9 {add = true} : memref<10112xf32, #tpu.memory_space<vmem>>[vector<16xi32>], vector<16xf32>,
        %get3A_114 = arith.index_cast %mul3A_101 : i32 to index
        %get3A_115 = arith.constant 32 : index
        %get3A_116 = tpu.vector_load %arg11[%get3A_114, %get3A_115] {strides = array<i32>} : memref<8x128xi32, #tpu.memory_space<vmem>>, vector<16xi32>,
        tpu.vector_store_idx %arg19[%get3A_116], %broadcast_in_dim3A_9 {add = true} : memref<10112xf32, #tpu.memory_space<vmem>>[vector<16xi32>], vector<16xf32>,
        %get3A_117 = arith.index_cast %mul3A_101 : i32 to index
        %get3A_118 = arith.constant 48 : index
        %get3A_119 = tpu.vector_load %arg11[%get3A_117, %get3A_118] {strides = array<i32>} : memref<8x128xi32, #tpu.memory_space<vmem>>, vector<16xi32>,
        tpu.vector_store_idx %arg19[%get3A_119], %broadcast_in_dim3A_9 {add = true} : memref<10112xf32, #tpu.memory_space<vmem>>[vector<16xi32>], vector<16xf32>,
        %get3A_120 = arith.index_cast %mul3A_101 : i32 to index
        %get3A_121 = arith.constant 64 : index
        %get3A_122 = tpu.vector_load %arg11[%get3A_120, %get3A_121] {strides = array<i32>} : memref<8x128xi32, #tpu.memory_space<vmem>>, vector<16xi32>,
        tpu.vector_store_idx %arg19[%get3A_122], %broadcast_in_dim3A_9 {add = true} : memref<10112xf32, #tpu.memory_space<vmem>>[vector<16xi32>], vector<16xf32>,
        %get3A_123 = arith.index_cast %mul3A_101 : i32 to index
        %get3A_124 = arith.constant 80 : index
        %get3A_125 = tpu.vector_load %arg11[%get3A_123, %get3A_124] {strides = array<i32>} : memref<8x128xi32, #tpu.memory_space<vmem>>, vector<16xi32>,
        tpu.vector_store_idx %arg19[%get3A_125], %broadcast_in_dim3A_9 {add = true} : memref<10112xf32, #tpu.memory_space<vmem>>[vector<16xi32>], vector<16xf32>,
        %get3A_126 = arith.index_cast %mul3A_101 : i32 to index
        %get3A_127 = arith.constant 96 : index
        %get3A_128 = tpu.vector_load %arg11[%get3A_126, %get3A_127] {strides = array<i32>} : memref<8x128xi32, #tpu.memory_space<vmem>>, vector<16xi32>,
        tpu.vector_store_idx %arg19[%get3A_128], %broadcast_in_dim3A_9 {add = true} : memref<10112xf32, #tpu.memory_space<vmem>>[vector<16xi32>], vector<16xf32>,
        %get3A_129 = arith.index_cast %mul3A_101 : i32 to index
        %get3A_130 = arith.constant 112 : index
        %get3A_131 = tpu.vector_load %arg11[%get3A_129, %get3A_130] {strides = array<i32>} : memref<8x128xi32, #tpu.memory_space<vmem>>, vector<16xi32>,
        tpu.vector_store_idx %arg19[%get3A_131], %broadcast_in_dim3A_9 {add = true} : memref<10112xf32, #tpu.memory_space<vmem>>[vector<16xi32>], vector<16xf32>,
        %eq3A = arith.constant 6 : i32
        %eq3A_132 = arith.cmpi eq, %mul3A_101, %eq3A : i32
        %convert_element_type3A_133 = arith.extui %eq3A_132 : i1 to i32
        %cond3A_134 = arith.constant 0 : i32
        %cond3A_135 = arith.cmpi ne, %convert_element_type3A_133, %cond3A_134 : i32
        scf.if %cond3A_135 {
          %convert_element_type3A_193 = arith.extui %lt3A_80 : i1 to i32
          %cond3A_194 = arith.constant 0 : i32
          %cond3A_195 = arith.cmpi ne, %convert_element_type3A_193, %cond3A_194 : i32
          scf.if %cond3A_195 {
            %dma_wait3A_196 = arith.constant 0 : i32
            %dma_wait3A_197 = arith.constant 0 : i32
            %dma_wait3A_198 = tpu.memref_slice %arg3[%arg0, %dma_wait3A_196, %dma_wait3A_197] : memref<2x2560x128xi32, #tpu.memory_space<hbm>> -> memref<1x8x128xi32, #tpu.memory_space<hbm>>
            %dma_wait3A_199 = tpu.memref_squeeze %dma_wait3A_198 : memref<1x8x128xi32, #tpu.memory_space<hbm>> -> memref<8x128xi32, #tpu.memory_space<hbm>>
            %dma_wait3A_200 = arith.constant 0 : i32
            %dma_wait3A_201 = arith.constant 0 : i32
            %dma_wait3A_202 = tpu.memref_slice %arg3[%arg0, %dma_wait3A_200, %dma_wait3A_201] : memref<2x2560x128xi32, #tpu.memory_space<hbm>> -> memref<1x8x128xi32, #tpu.memory_space<hbm>>
            %dma_wait3A_203 = tpu.memref_squeeze %dma_wait3A_202 : memref<1x8x128xi32, #tpu.memory_space<hbm>> -> memref<8x128xi32, #tpu.memory_space<hbm>>
            tpu.wait_dma2 semaphore(%arg17 : memref<!tpu.dma_semaphore, #tpu.memory_space<semaphore_mem>>) src(%dma_wait3A_203 : memref<8x128xi32, #tpu.memory_space<hbm>>) dst(%arg8 : memref<8x128xi32, #tpu.memory_space<vmem>>)
            %dma_wait3A_204 = arith.constant 0 : i32
            %dma_wait3A_205 = arith.constant 0 : i32
            %dma_wait3A_206 = tpu.memref_slice %arg3[%arg0, %dma_wait3A_204, %dma_wait3A_205] : memref<2x2560x128xi32, #tpu.memory_space<hbm>> -> memref<1x8x128xi32, #tpu.memory_space<hbm>>
            %dma_wait3A_207 = tpu.memref_squeeze %dma_wait3A_206 : memref<1x8x128xi32, #tpu.memory_space<hbm>> -> memref<8x128xi32, #tpu.memory_space<hbm>>
            %dma_wait3A_208 = arith.constant 0 : i32
            %dma_wait3A_209 = arith.constant 0 : i32
            %dma_wait3A_210 = tpu.memref_slice %arg3[%arg0, %dma_wait3A_208, %dma_wait3A_209] : memref<2x2560x128xi32, #tpu.memory_space<hbm>> -> memref<1x8x128xi32, #tpu.memory_space<hbm>>
            %dma_wait3A_211 = tpu.memref_squeeze %dma_wait3A_210 : memref<1x8x128xi32, #tpu.memory_space<hbm>> -> memref<8x128xi32, #tpu.memory_space<hbm>>
            tpu.wait_dma2 semaphore(%arg17 : memref<!tpu.dma_semaphore, #tpu.memory_space<semaphore_mem>>) src(%dma_wait3A_211 : memref<8x128xi32, #tpu.memory_space<hbm>>) dst(%arg9 : memref<8x128xi32, #tpu.memory_space<vmem>>)
          } else {
          }
        } else {
        }
        %lt3A_136 = arith.constant 6 : i32
        %lt3A_137 = arith.cmpi slt, %mul3A_101, %lt3A_136 : i32
        %convert_element_type3A_138 = arith.extui %lt3A_137 : i1 to i32
        %cond3A_139 = arith.constant 0 : i32
        %cond3A_140 = arith.cmpi ne, %convert_element_type3A_138, %cond3A_139 : i32
        scf.if %cond3A_140 {
          %add3A_193 = arith.constant 2 : i32
          %add3A_194 = arith.addi %mul3A_101, %add3A_193 : i32
          %dma_start3A_195 = arith.constant 0 : i32
          %dma_start3A_196 = tpu.memref_slice %arg10[%add3A_194, %dma_start3A_195] : memref<8x128xi32, #tpu.memory_space<vmem>> -> memref<1x128xi32, #tpu.memory_space<vmem>>
          %dma_start3A_197 = tpu.memref_squeeze %dma_start3A_196 : memref<1x128xi32, #tpu.memory_space<vmem>> -> memref<128xi32, #tpu.memory_space<vmem>>
          %dma_start3A_198 = arith.constant 0 : i32
          %dma_start3A_199 = arith.constant 0 : i32
          %dma_start3A_200 = tpu.memref_slice %arg2[%dma_start3A_198, %dma_start3A_199] : memref<20224x128xf32, #tpu.memory_space<hbm>> -> memref<20224x128xf32, #tpu.memory_space<hbm>>
          tpu.enqueue_indirect_dma source(%dma_start3A_200 : memref<20224x128xf32, #tpu.memory_space<hbm>>) target(%arg12 : memref<128x128xf32, #tpu.memory_space<vmem>>) offsets(%dma_start3A_197 : memref<128xi32, #tpu.memory_space<vmem>>) semaphore(%arg15 : memref<!tpu.dma_semaphore, #tpu.memory_space<semaphore_mem>>)
        } else {
        }
        %ge3A = arith.constant 6 : i32
        %ge3A_141 = arith.cmpi sge, %mul3A_101, %ge3A : i32
        %convert_element_type3A_142 = arith.extui %ge3A_141 : i1 to i32
        %cond3A_143 = arith.constant 0 : i32
        %cond3A_144 = arith.cmpi ne, %convert_element_type3A_142, %cond3A_143 : i32
        scf.if %cond3A_144 {
          %sub3A = arith.constant 6 : i32
          %sub3A_193 = arith.subi %mul3A_101, %sub3A : i32
          %convert_element_type3A_194 = arith.extui %lt3A_80 : i1 to i32
          %cond3A_195 = arith.constant 0 : i32
          %cond3A_196 = arith.cmpi ne, %convert_element_type3A_194, %cond3A_195 : i32
          scf.if %cond3A_196 {
            %dma_start3A_197 = arith.constant 0 : i32
            %dma_start3A_198 = tpu.memref_slice %arg8[%sub3A_193, %dma_start3A_197] : memref<8x128xi32, #tpu.memory_space<vmem>> -> memref<1x128xi32, #tpu.memory_space<vmem>>
            %dma_start3A_199 = tpu.memref_squeeze %dma_start3A_198 : memref<1x128xi32, #tpu.memory_space<vmem>> -> memref<128xi32, #tpu.memory_space<vmem>>
            %dma_start3A_200 = arith.constant 0 : i32
            %dma_start3A_201 = arith.constant 0 : i32
            %dma_start3A_202 = tpu.memref_slice %arg2[%dma_start3A_200, %dma_start3A_201] : memref<20224x128xf32, #tpu.memory_space<hbm>> -> memref<20224x128xf32, #tpu.memory_space<hbm>>
            tpu.enqueue_indirect_dma source(%dma_start3A_202 : memref<20224x128xf32, #tpu.memory_space<hbm>>) target(%arg12 : memref<128x128xf32, #tpu.memory_space<vmem>>) offsets(%dma_start3A_199 : memref<128xi32, #tpu.memory_space<vmem>>) semaphore(%arg15 : memref<!tpu.dma_semaphore, #tpu.memory_space<semaphore_mem>>)
          } else {
          }
        } else {
        }
        %add3A_145 = arith.constant 1 : i32
        %add3A_146 = arith.addi %mul3A_101, %add3A_145 : i32
        %dma_wait3A_147 = arith.constant 0 : i32
        %dma_wait3A_148 = arith.constant 0 : i32
        %dma_wait3A_149 = tpu.memref_slice %arg8[%dma_wait3A_147, %dma_wait3A_148] : memref<8x128xi32, #tpu.memory_space<vmem>> -> memref<1x128xi32, #tpu.memory_space<vmem>>
        %dma_wait3A_150 = tpu.memref_squeeze %dma_wait3A_149 : memref<1x128xi32, #tpu.memory_space<vmem>> -> memref<128xi32, #tpu.memory_space<vmem>>
        %dma_wait3A_151 = arith.constant 0 : i32
        %dma_wait3A_152 = arith.constant 0 : i32
        %dma_wait3A_153 = tpu.memref_slice %arg2[%dma_wait3A_151, %dma_wait3A_152] : memref<20224x128xf32, #tpu.memory_space<hbm>> -> memref<20224x128xf32, #tpu.memory_space<hbm>>
        tpu.wait_indirect_dma semaphore(%arg16 : memref<!tpu.dma_semaphore, #tpu.memory_space<semaphore_mem>>) src(%dma_wait3A_153 : memref<20224x128xf32, #tpu.memory_space<hbm>>) dst(%arg13 : memref<128x128xf32, #tpu.memory_space<vmem>>)
        "tpu.region"() ({
          %run_scoped3A = tpu.sem_alloc : memref<!tpu.dma_semaphore, #tpu.memory_space<semaphore_mem>>
          %dma_start3A_193 = arith.constant 0 : i32
          %dma_start3A_194 = tpu.memref_slice %arg11[%add3A_146, %dma_start3A_193] : memref<8x128xi32, #tpu.memory_space<vmem>> -> memref<1x128xi32, #tpu.memory_space<vmem>>
          %dma_start3A_195 = tpu.memref_squeeze %dma_start3A_194 : memref<1x128xi32, #tpu.memory_space<vmem>> -> memref<128xi32, #tpu.memory_space<vmem>>
          %dma_start3A_196 = arith.constant 0 : i32
          %dma_start3A_197 = arith.constant 0 : i32
          %dma_start3A_198 = tpu.memref_slice %arg14[%dma_start3A_196, %dma_start3A_197] : memref<10112x128xf32, #tpu.memory_space<vmem_shared>> -> memref<10112x128xf32, #tpu.memory_space<vmem_shared>>
          tpu.enqueue_indirect_dma source(%arg13 : memref<128x128xf32, #tpu.memory_space<vmem>>) target(%dma_start3A_198 : memref<10112x128xf32, #tpu.memory_space<vmem_shared>>) offsets(%dma_start3A_195 : memref<128xi32, #tpu.memory_space<vmem>>) semaphore(%run_scoped3A : memref<!tpu.dma_semaphore, #tpu.memory_space<semaphore_mem>>) {add = true}
          %dma_wait3A_199 = arith.constant 0 : i32
          %dma_wait3A_200 = tpu.memref_slice %arg11[%add3A_146, %dma_wait3A_199] : memref<8x128xi32, #tpu.memory_space<vmem>> -> memref<1x128xi32, #tpu.memory_space<vmem>>
          %dma_wait3A_201 = tpu.memref_squeeze %dma_wait3A_200 : memref<1x128xi32, #tpu.memory_space<vmem>> -> memref<128xi32, #tpu.memory_space<vmem>>
          %dma_wait3A_202 = arith.constant 0 : i32
          %dma_wait3A_203 = arith.constant 0 : i32
          %dma_wait3A_204 = tpu.memref_slice %arg14[%dma_wait3A_202, %dma_wait3A_203] : memref<10112x128xf32, #tpu.memory_space<vmem_shared>> -> memref<10112x128xf32, #tpu.memory_space<vmem_shared>>
          tpu.wait_indirect_dma semaphore(%run_scoped3A : memref<!tpu.dma_semaphore, #tpu.memory_space<semaphore_mem>>) src(%arg13 : memref<128x128xf32, #tpu.memory_space<vmem>>) dst(%dma_wait3A_204 : memref<10112x128xf32, #tpu.memory_space<vmem_shared>>)
          tpu.yield
        }) : () -> ()
        %get3A_154 = arith.index_cast %add3A_146 : i32 to index
        %get3A_155 = arith.constant 0 : index
        %get3A_156 = tpu.vector_load %arg11[%get3A_154, %get3A_155] {strides = array<i32>} : memref<8x128xi32, #tpu.memory_space<vmem>>, vector<16xi32>,
        tpu.vector_store_idx %arg19[%get3A_156], %broadcast_in_dim3A_9 {add = true} : memref<10112xf32, #tpu.memory_space<vmem>>[vector<16xi32>], vector<16xf32>,
        %get3A_157 = arith.index_cast %add3A_146 : i32 to index
        %get3A_158 = arith.constant 16 : index
        %get3A_159 = tpu.vector_load %arg11[%get3A_157, %get3A_158] {strides = array<i32>} : memref<8x128xi32, #tpu.memory_space<vmem>>, vector<16xi32>,
        tpu.vector_store_idx %arg19[%get3A_159], %broadcast_in_dim3A_9 {add = true} : memref<10112xf32, #tpu.memory_space<vmem>>[vector<16xi32>], vector<16xf32>,
        %get3A_160 = arith.index_cast %add3A_146 : i32 to index
        %get3A_161 = arith.constant 32 : index
        %get3A_162 = tpu.vector_load %arg11[%get3A_160, %get3A_161] {strides = array<i32>} : memref<8x128xi32, #tpu.memory_space<vmem>>, vector<16xi32>,
        tpu.vector_store_idx %arg19[%get3A_162], %broadcast_in_dim3A_9 {add = true} : memref<10112xf32, #tpu.memory_space<vmem>>[vector<16xi32>], vector<16xf32>,
        %get3A_163 = arith.index_cast %add3A_146 : i32 to index
        %get3A_164 = arith.constant 48 : index
        %get3A_165 = tpu.vector_load %arg11[%get3A_163, %get3A_164] {strides = array<i32>} : memref<8x128xi32, #tpu.memory_space<vmem>>, vector<16xi32>,
        tpu.vector_store_idx %arg19[%get3A_165], %broadcast_in_dim3A_9 {add = true} : memref<10112xf32, #tpu.memory_space<vmem>>[vector<16xi32>], vector<16xf32>,
        %get3A_166 = arith.index_cast %add3A_146 : i32 to index
        %get3A_167 = arith.constant 64 : index
        %get3A_168 = tpu.vector_load %arg11[%get3A_166, %get3A_167] {strides = array<i32>} : memref<8x128xi32, #tpu.memory_space<vmem>>, vector<16xi32>,
        tpu.vector_store_idx %arg19[%get3A_168], %broadcast_in_dim3A_9 {add = true} : memref<10112xf32, #tpu.memory_space<vmem>>[vector<16xi32>], vector<16xf32>,
        %get3A_169 = arith.index_cast %add3A_146 : i32 to index
        %get3A_170 = arith.constant 80 : index
        %get3A_171 = tpu.vector_load %arg11[%get3A_169, %get3A_170] {strides = array<i32>} : memref<8x128xi32, #tpu.memory_space<vmem>>, vector<16xi32>,
        tpu.vector_store_idx %arg19[%get3A_171], %broadcast_in_dim3A_9 {add = true} : memref<10112xf32, #tpu.memory_space<vmem>>[vector<16xi32>], vector<16xf32>,
        %get3A_172 = arith.index_cast %add3A_146 : i32 to index
        %get3A_173 = arith.constant 96 : index
        %get3A_174 = tpu.vector_load %arg11[%get3A_172, %get3A_173] {strides = array<i32>} : memref<8x128xi32, #tpu.memory_space<vmem>>, vector<16xi32>,
        tpu.vector_store_idx %arg19[%get3A_174], %broadcast_in_dim3A_9 {add = true} : memref<10112xf32, #tpu.memory_space<vmem>>[vector<16xi32>], vector<16xf32>,
        %get3A_175 = arith.index_cast %add3A_146 : i32 to index
        %get3A_176 = arith.constant 112 : index
        %get3A_177 = tpu.vector_load %arg11[%get3A_175, %get3A_176] {strides = array<i32>} : memref<8x128xi32, #tpu.memory_space<vmem>>, vector<16xi32>,
        tpu.vector_store_idx %arg19[%get3A_177], %broadcast_in_dim3A_9 {add = true} : memref<10112xf32, #tpu.memory_space<vmem>>[vector<16xi32>], vector<16xf32>,
        %eq3A_178 = arith.constant 6 : i32
        %eq3A_179 = arith.cmpi eq, %add3A_146, %eq3A_178 : i32
        %convert_element_type3A_180 = arith.extui %eq3A_179 : i1 to i32
        %cond3A_181 = arith.constant 0 : i32
        %cond3A_182 = arith.cmpi ne, %convert_element_type3A_180, %cond3A_181 : i32
        scf.if %cond3A_182 {
          %convert_element_type3A_193 = arith.extui %lt3A_80 : i1 to i32
          %cond3A_194 = arith.constant 0 : i32
          %cond3A_195 = arith.cmpi ne, %convert_element_type3A_193, %cond3A_194 : i32
          scf.if %cond3A_195 {
            %dma_wait3A_196 = arith.constant 0 : i32
            %dma_wait3A_197 = arith.constant 0 : i32
            %dma_wait3A_198 = tpu.memref_slice %arg3[%arg0, %dma_wait3A_196, %dma_wait3A_197] : memref<2x2560x128xi32, #tpu.memory_space<hbm>> -> memref<1x8x128xi32, #tpu.memory_space<hbm>>
            %dma_wait3A_199 = tpu.memref_squeeze %dma_wait3A_198 : memref<1x8x128xi32, #tpu.memory_space<hbm>> -> memref<8x128xi32, #tpu.memory_space<hbm>>
            %dma_wait3A_200 = arith.constant 0 : i32
            %dma_wait3A_201 = arith.constant 0 : i32
            %dma_wait3A_202 = tpu.memref_slice %arg3[%arg0, %dma_wait3A_200, %dma_wait3A_201] : memref<2x2560x128xi32, #tpu.memory_space<hbm>> -> memref<1x8x128xi32, #tpu.memory_space<hbm>>
            %dma_wait3A_203 = tpu.memref_squeeze %dma_wait3A_202 : memref<1x8x128xi32, #tpu.memory_space<hbm>> -> memref<8x128xi32, #tpu.memory_space<hbm>>
            tpu.wait_dma2 semaphore(%arg17 : memref<!tpu.dma_semaphore, #tpu.memory_space<semaphore_mem>>) src(%dma_wait3A_203 : memref<8x128xi32, #tpu.memory_space<hbm>>) dst(%arg8 : memref<8x128xi32, #tpu.memory_space<vmem>>)
            %dma_wait3A_204 = arith.constant 0 : i32
            %dma_wait3A_205 = arith.constant 0 : i32
            %dma_wait3A_206 = tpu.memref_slice %arg3[%arg0, %dma_wait3A_204, %dma_wait3A_205] : memref<2x2560x128xi32, #tpu.memory_space<hbm>> -> memref<1x8x128xi32, #tpu.memory_space<hbm>>
            %dma_wait3A_207 = tpu.memref_squeeze %dma_wait3A_206 : memref<1x8x128xi32, #tpu.memory_space<hbm>> -> memref<8x128xi32, #tpu.memory_space<hbm>>
            %dma_wait3A_208 = arith.constant 0 : i32
            %dma_wait3A_209 = arith.constant 0 : i32
            %dma_wait3A_210 = tpu.memref_slice %arg3[%arg0, %dma_wait3A_208, %dma_wait3A_209] : memref<2x2560x128xi32, #tpu.memory_space<hbm>> -> memref<1x8x128xi32, #tpu.memory_space<hbm>>
            %dma_wait3A_211 = tpu.memref_squeeze %dma_wait3A_210 : memref<1x8x128xi32, #tpu.memory_space<hbm>> -> memref<8x128xi32, #tpu.memory_space<hbm>>
            tpu.wait_dma2 semaphore(%arg17 : memref<!tpu.dma_semaphore, #tpu.memory_space<semaphore_mem>>) src(%dma_wait3A_211 : memref<8x128xi32, #tpu.memory_space<hbm>>) dst(%arg9 : memref<8x128xi32, #tpu.memory_space<vmem>>)
          } else {
          }
        } else {
        }
        %lt3A_183 = arith.constant 6 : i32
        %lt3A_184 = arith.cmpi slt, %add3A_146, %lt3A_183 : i32
        %convert_element_type3A_185 = arith.extui %lt3A_184 : i1 to i32
        %cond3A_186 = arith.constant 0 : i32
        %cond3A_187 = arith.cmpi ne, %convert_element_type3A_185, %cond3A_186 : i32
        scf.if %cond3A_187 {
          %add3A_193 = arith.constant 2 : i32
          %add3A_194 = arith.addi %add3A_146, %add3A_193 : i32
          %dma_start3A_195 = arith.constant 0 : i32
          %dma_start3A_196 = tpu.memref_slice %arg10[%add3A_194, %dma_start3A_195] : memref<8x128xi32, #tpu.memory_space<vmem>> -> memref<1x128xi32, #tpu.memory_space<vmem>>
          %dma_start3A_197 = tpu.memref_squeeze %dma_start3A_196 : memref<1x128xi32, #tpu.memory_space<vmem>> -> memref<128xi32, #tpu.memory_space<vmem>>
          %dma_start3A_198 = arith.constant 0 : i32
          %dma_start3A_199 = arith.constant 0 : i32
          %dma_start3A_200 = tpu.memref_slice %arg2[%dma_start3A_198, %dma_start3A_199] : memref<20224x128xf32, #tpu.memory_space<hbm>> -> memref<20224x128xf32, #tpu.memory_space<hbm>>
          tpu.enqueue_indirect_dma source(%dma_start3A_200 : memref<20224x128xf32, #tpu.memory_space<hbm>>) target(%arg13 : memref<128x128xf32, #tpu.memory_space<vmem>>) offsets(%dma_start3A_197 : memref<128xi32, #tpu.memory_space<vmem>>) semaphore(%arg16 : memref<!tpu.dma_semaphore, #tpu.memory_space<semaphore_mem>>)
        } else {
        }
        %ge3A_188 = arith.constant 6 : i32
        %ge3A_189 = arith.cmpi sge, %add3A_146, %ge3A_188 : i32
        %convert_element_type3A_190 = arith.extui %ge3A_189 : i1 to i32
        %cond3A_191 = arith.constant 0 : i32
        %cond3A_192 = arith.cmpi ne, %convert_element_type3A_190, %cond3A_191 : i32
        scf.if %cond3A_192 {
          %sub3A = arith.constant 6 : i32
          %sub3A_193 = arith.subi %add3A_146, %sub3A : i32
          %convert_element_type3A_194 = arith.extui %lt3A_80 : i1 to i32
          %cond3A_195 = arith.constant 0 : i32
          %cond3A_196 = arith.cmpi ne, %convert_element_type3A_194, %cond3A_195 : i32
          scf.if %cond3A_196 {
            %dma_start3A_197 = arith.constant 0 : i32
            %dma_start3A_198 = tpu.memref_slice %arg8[%sub3A_193, %dma_start3A_197] : memref<8x128xi32, #tpu.memory_space<vmem>> -> memref<1x128xi32, #tpu.memory_space<vmem>>
            %dma_start3A_199 = tpu.memref_squeeze %dma_start3A_198 : memref<1x128xi32, #tpu.memory_space<vmem>> -> memref<128xi32, #tpu.memory_space<vmem>>
            %dma_start3A_200 = arith.constant 0 : i32
            %dma_start3A_201 = arith.constant 0 : i32
            %dma_start3A_202 = tpu.memref_slice %arg2[%dma_start3A_200, %dma_start3A_201] : memref<20224x128xf32, #tpu.memory_space<hbm>> -> memref<20224x128xf32, #tpu.memory_space<hbm>>
            tpu.enqueue_indirect_dma source(%dma_start3A_202 : memref<20224x128xf32, #tpu.memory_space<hbm>>) target(%arg13 : memref<128x128xf32, #tpu.memory_space<vmem>>) offsets(%dma_start3A_199 : memref<128xi32, #tpu.memory_space<vmem>>) semaphore(%arg16 : memref<!tpu.dma_semaphore, #tpu.memory_space<semaphore_mem>>)
          } else {
          }
        } else {
        }
      }
      %scan3A_91 = arith.constant 4 : i32
      %convert_element_type3A_92 = arith.extui %lt3A_80 : i1 to i32
      %cond3A_93 = arith.constant 0 : i32
      %cond3A_94 = arith.cmpi ne, %convert_element_type3A_92, %cond3A_93 : i32
      scf.if %cond3A_94 {
        %mul3A_95 = arith.constant 2 : i32
        %mul3A_96 = arith.muli %mul3A_95, %add3A_77 : i32
        %add3A_97 = arith.constant 3 : i32
        %add3A_98 = arith.addi %mul3A_96, %add3A_97 : i32
        %mul3A_99 = arith.constant 8 : i32
        %mul3A_100 = arith.muli %add3A_98, %mul3A_99 : i32
        %add3A_101 = arith.addi %mul3A_7, %mul3A_100 : i32
        %multiple_of3A_102 = tpu.assume_multiple %add3A_101, 8 : i32
        %dma_start3A_103 = arith.constant 0 : i32
        %dma_start3A_104 = tpu.memref_slice %arg3[%arg0, %multiple_of3A_102, %dma_start3A_103] : memref<2x2560x128xi32, #tpu.memory_space<hbm>> -> memref<1x8x128xi32, #tpu.memory_space<hbm>>
        %dma_start3A_105 = tpu.memref_squeeze %dma_start3A_104 : memref<1x8x128xi32, #tpu.memory_space<hbm>> -> memref<8x128xi32, #tpu.memory_space<hbm>>
        %dma_start3A_106 = arith.constant 0 : i32
        %dma_start3A_107 = tpu.memref_slice %arg3[%arg0, %multiple_of3A_102, %dma_start3A_106] : memref<2x2560x128xi32, #tpu.memory_space<hbm>> -> memref<1x8x128xi32, #tpu.memory_space<hbm>>
        %dma_start3A_108 = tpu.memref_squeeze %dma_start3A_107 : memref<1x8x128xi32, #tpu.memory_space<hbm>> -> memref<8x128xi32, #tpu.memory_space<hbm>>
        tpu.enqueue_dma source(%dma_start3A_108 : memref<8x128xi32, #tpu.memory_space<hbm>>) target(%arg10 : memref<8x128xi32, #tpu.memory_space<vmem>>) target_semaphore(%arg18 : memref<!tpu.dma_semaphore, #tpu.memory_space<semaphore_mem>>)
        %dma_start3A_109 = arith.constant 0 : i32
        %dma_start3A_110 = tpu.memref_slice %arg4[%arg0, %multiple_of3A_102, %dma_start3A_109] : memref<2x2560x128xi32, #tpu.memory_space<hbm>> -> memref<1x8x128xi32, #tpu.memory_space<hbm>>
        %dma_start3A_111 = tpu.memref_squeeze %dma_start3A_110 : memref<1x8x128xi32, #tpu.memory_space<hbm>> -> memref<8x128xi32, #tpu.memory_space<hbm>>
        %dma_start3A_112 = arith.constant 0 : i32
        %dma_start3A_113 = tpu.memref_slice %arg4[%arg0, %multiple_of3A_102, %dma_start3A_112] : memref<2x2560x128xi32, #tpu.memory_space<hbm>> -> memref<1x8x128xi32, #tpu.memory_space<hbm>>
        %dma_start3A_114 = tpu.memref_squeeze %dma_start3A_113 : memref<1x8x128xi32, #tpu.memory_space<hbm>> -> memref<8x128xi32, #tpu.memory_space<hbm>>
        tpu.enqueue_dma source(%dma_start3A_114 : memref<8x128xi32, #tpu.memory_space<hbm>>) target(%arg11 : memref<8x128xi32, #tpu.memory_space<vmem>>) target_semaphore(%arg18 : memref<!tpu.dma_semaphore, #tpu.memory_space<semaphore_mem>>)
      } else {
      }
    }
    %scan3A_71 = arith.constant 10 : i32
    %barrier3A_72 = arith.constant 0 : index
    tpu.barrier barrier_id(%barrier3A_72)
    "tpu.region"() ({
      %run_scoped3A = tpu.sem_alloc : memref<!tpu.dma_semaphore, #tpu.memory_space<semaphore_mem>>
      %dma_start3A_73 = arith.constant 0 : i32
      %dma_start3A_74 = tpu.memref_slice %arg6[%arg0, %multiple_of3A, %dma_start3A_73] : memref<2x10112x128xf32, #tpu.memory_space<hbm>> -> memref<1x632x128xf32, #tpu.memory_space<hbm>>
      %dma_start3A_75 = tpu.memref_squeeze %dma_start3A_74 : memref<1x632x128xf32, #tpu.memory_space<hbm>> -> memref<632x128xf32, #tpu.memory_space<hbm>>
      %dma_start3A_76 = arith.constant 0 : i32
      %dma_start3A_77 = tpu.memref_slice %arg14[%multiple_of3A, %dma_start3A_76] : memref<10112x128xf32, #tpu.memory_space<vmem_shared>> -> memref<632x128xf32, #tpu.memory_space<vmem_shared>>
      tpu.enqueue_dma source(%dma_start3A_77 : memref<632x128xf32, #tpu.memory_space<vmem_shared>>) target(%dma_start3A_75 : memref<632x128xf32, #tpu.memory_space<hbm>>) target_semaphore(%run_scoped3A : memref<!tpu.dma_semaphore, #tpu.memory_space<semaphore_mem>>)
      %dma_wait3A_78 = arith.constant 0 : i32
      %dma_wait3A_79 = tpu.memref_slice %arg6[%arg0, %multiple_of3A, %dma_wait3A_78] : memref<2x10112x128xf32, #tpu.memory_space<hbm>> -> memref<1x632x128xf32, #tpu.memory_space<hbm>>
      %dma_wait3A_80 = tpu.memref_squeeze %dma_wait3A_79 : memref<1x632x128xf32, #tpu.memory_space<hbm>> -> memref<632x128xf32, #tpu.memory_space<hbm>>
      %dma_wait3A_81 = arith.constant 0 : i32
      %dma_wait3A_82 = tpu.memref_slice %arg14[%multiple_of3A, %dma_wait3A_81] : memref<10112x128xf32, #tpu.memory_space<vmem_shared>> -> memref<632x128xf32, #tpu.memory_space<vmem_shared>>
      tpu.wait_dma2 semaphore(%run_scoped3A : memref<!tpu.dma_semaphore, #tpu.memory_space<semaphore_mem>>) src(%dma_wait3A_82 : memref<632x128xf32, #tpu.memory_space<vmem_shared>>) dst(%dma_wait3A_80 : memref<632x128xf32, #tpu.memory_space<hbm>>)
      tpu.yield
    }) : () -> ()
    "tpu.region"() ({
      %run_scoped3A = tpu.sem_alloc : memref<!tpu.dma_semaphore, #tpu.memory_space<semaphore_mem>>
      %dma_start3A_73 = arith.constant 0 : i32
      %dma_start3A_74 = tpu.memref_slice %arg7[%arg0, %arg1, %dma_start3A_73] : memref<2x16x10112xf32, #tpu.memory_space<hbm>> -> memref<1x1x10112xf32, #tpu.memory_space<hbm>>
      %dma_start3A_75 = tpu.memref_squeeze %dma_start3A_74 : memref<1x1x10112xf32, #tpu.memory_space<hbm>> -> memref<10112xf32, #tpu.memory_space<hbm>>
      %dma_start3A_76 = arith.constant 0 : i32
      %dma_start3A_77 = tpu.memref_slice %arg7[%arg0, %arg1, %dma_start3A_76] : memref<2x16x10112xf32, #tpu.memory_space<hbm>> -> memref<1x1x10112xf32, #tpu.memory_space<hbm>>
      %dma_start3A_78 = tpu.memref_squeeze %dma_start3A_77 : memref<1x1x10112xf32, #tpu.memory_space<hbm>> -> memref<10112xf32, #tpu.memory_space<hbm>>
      tpu.enqueue_dma source(%arg19 : memref<10112xf32, #tpu.memory_space<vmem>>) target(%dma_start3A_78 : memref<10112xf32, #tpu.memory_space<hbm>>) target_semaphore(%run_scoped3A : memref<!tpu.dma_semaphore, #tpu.memory_space<semaphore_mem>>)
      %dma_wait3A_79 = arith.constant 0 : i32
      %dma_wait3A_80 = tpu.memref_slice %arg7[%arg0, %arg1, %dma_wait3A_79] : memref<2x16x10112xf32, #tpu.memory_space<hbm>> -> memref<1x1x10112xf32, #tpu.memory_space<hbm>>
      %dma_wait3A_81 = tpu.memref_squeeze %dma_wait3A_80 : memref<1x1x10112xf32, #tpu.memory_space<hbm>> -> memref<10112xf32, #tpu.memory_space<hbm>>
      %dma_wait3A_82 = arith.constant 0 : i32
      %dma_wait3A_83 = tpu.memref_slice %arg7[%arg0, %arg1, %dma_wait3A_82] : memref<2x16x10112xf32, #tpu.memory_space<hbm>> -> memref<1x1x10112xf32, #tpu.memory_space<hbm>>
      %dma_wait3A_84 = tpu.memref_squeeze %dma_wait3A_83 : memref<1x1x10112xf32, #tpu.memory_space<hbm>> -> memref<10112xf32, #tpu.memory_space<hbm>>
      tpu.wait_dma2 semaphore(%run_scoped3A : memref<!tpu.dma_semaphore, #tpu.memory_space<semaphore_mem>>) src(%arg19 : memref<10112xf32, #tpu.memory_space<vmem>>) dst(%dma_wait3A_84 : memref<10112xf32, #tpu.memory_space<hbm>>)
      tpu.yield
    }) : () -> ()
    return
  }
}

module attributes {stable_mosaic.version = 14 : i64} {
  func.func @_sage_update_body(%arg0: i32, %arg1: memref<1x10112x128xf32, #tpu.memory_space<vmem>>, %arg2: memref<1x16x10112xf32, #tpu.memory_space<vmem>>, %arg3: memref<1x10112x128xf32, #tpu.memory_space<vmem>>, %arg4: memref<1x128x128xf32, #tpu.memory_space<vmem>>, %arg5: memref<1x128x128xf32, #tpu.memory_space<vmem>>, %arg6: memref<1x1x128xf32, #tpu.memory_space<vmem>>, %arg7: memref<1x10112x128xf32, #tpu.memory_space<vmem>>) attributes {dimension_semantics = [#tpu.dimension_semantics<arbitrary>], iteration_bounds = array<i64: 2>, scalar_prefetch = 0 : i64, scratch_operands = 0 : i64, tpu.core_type = #tpu.core_type<tc>, window_params = [{transform_indices = @transform_0, window_bounds = array<i64: 1, 10112, 128>}, {transform_indices = @transform_1, window_bounds = array<i64: 1, 16, 10112>}, {transform_indices = @transform_2, window_bounds = array<i64: 1, 10112, 128>}, {transform_indices = @transform_3, window_bounds = array<i64: 1, 128, 128>}, {transform_indices = @transform_4, window_bounds = array<i64: 1, 128, 128>}, {transform_indices = @transform_5, window_bounds = array<i64: 1, 1, 128>}, {transform_indices = @transform_6, window_bounds = array<i64: 1, 10112, 128>}]} {
    %get3A = arith.constant 0 : index
    %get3A_0 = arith.constant 0 : index
    %get3A_1 = arith.constant 0 : index
    %get3A_2 = vector.load %arg2[%get3A, %get3A_0, %get3A_1] : memref<1x16x10112xf32, #tpu.memory_space<vmem>>, vector<1x16x10112xf32>
    %get3A_3 = vector.shape_cast %get3A_2 : vector<1x16x10112xf32> to vector<16x10112xf32>
    %reduce_sum3A = arith.constant dense<0.000000e+00> : vector<10112xf32>
    %reduce_sum3A_4 = vector.multi_reduction <add>, %get3A_3, %reduce_sum3A [0] : vector<16x10112xf32> to vector<10112xf32>
    %max3A = arith.constant 1.000000e+00 : f32
    %max3A_5 = vector.broadcast %max3A : f32 to vector<10112xf32>
    %max3A_6 = arith.maximumf %reduce_sum3A_4, %max3A_5 : vector<10112xf32>
    %broadcast_in_dim3A = vector.shape_cast %max3A_6 : vector<10112xf32> to vector<10112x1xf32>
    %get3A_7 = arith.constant 0 : index
    %get3A_8 = arith.constant 0 : index
    %get3A_9 = arith.constant 0 : index
    %get3A_10 = vector.load %arg1[%get3A_7, %get3A_8, %get3A_9] : memref<1x10112x128xf32, #tpu.memory_space<vmem>>, vector<1x10112x128xf32>
    %get3A_11 = vector.shape_cast %get3A_10 : vector<1x10112x128xf32> to vector<10112x128xf32>
    %div3A = vector.broadcast %broadcast_in_dim3A : vector<10112x1xf32> to vector<10112x128xf32>
    %div3A_12 = arith.divf %get3A_11, %div3A : vector<10112x128xf32>
    %get3A_13 = arith.constant 0 : index
    %get3A_14 = arith.constant 0 : index
    %get3A_15 = arith.constant 0 : index
    %get3A_16 = vector.load %arg4[%get3A_13, %get3A_14, %get3A_15] : memref<1x128x128xf32, #tpu.memory_space<vmem>>, vector<1x128x128xf32>
    %get3A_17 = vector.shape_cast %get3A_16 : vector<1x128x128xf32> to vector<128x128xf32>
    %dot_general3A = arith.constant dense<0.000000e+00> : vector<10112x128xf32>
    %dot_general3A_18 = tpu.matmul %div3A_12, %get3A_17, %dot_general3A {dimension_numbers = #tpu.dot_dimension_numbers<[1], [0], [0], [1], [0, 0, 1, 1], [], []>, transpose_lhs_hint = false} : vector<10112x128xf32>, vector<128x128xf32>, vector<10112x128xf32> -> vector<10112x128xf32>
    %get3A_19 = arith.constant 0 : index
    %get3A_20 = arith.constant 0 : index
    %get3A_21 = arith.constant 0 : index
    %get3A_22 = vector.load %arg6[%get3A_19, %get3A_20, %get3A_21] : memref<1x1x128xf32, #tpu.memory_space<vmem>>, vector<1x1x128xf32>
    %get3A_23 = vector.shape_cast %get3A_22 : vector<1x1x128xf32> to vector<1x128xf32>
    %add3A = vector.broadcast %get3A_23 : vector<1x128xf32> to vector<10112x128xf32>
    %add3A_24 = arith.addf %dot_general3A_18, %add3A : vector<10112x128xf32>
    %get3A_25 = arith.constant 0 : index
    %get3A_26 = arith.constant 0 : index
    %get3A_27 = arith.constant 0 : index
    %get3A_28 = vector.load %arg3[%get3A_25, %get3A_26, %get3A_27] : memref<1x10112x128xf32, #tpu.memory_space<vmem>>, vector<1x10112x128xf32>
    %get3A_29 = vector.shape_cast %get3A_28 : vector<1x10112x128xf32> to vector<10112x128xf32>
    %get3A_30 = arith.constant 0 : index
    %get3A_31 = arith.constant 0 : index
    %get3A_32 = arith.constant 0 : index
    %get3A_33 = vector.load %arg5[%get3A_30, %get3A_31, %get3A_32] : memref<1x128x128xf32, #tpu.memory_space<vmem>>, vector<1x128x128xf32>
    %get3A_34 = vector.shape_cast %get3A_33 : vector<1x128x128xf32> to vector<128x128xf32>
    %dot_general3A_35 = arith.constant dense<0.000000e+00> : vector<10112x128xf32>
    %dot_general3A_36 = tpu.matmul %get3A_29, %get3A_34, %dot_general3A_35 {dimension_numbers = #tpu.dot_dimension_numbers<[1], [0], [0], [1], [0, 0, 1, 1], [], []>, transpose_lhs_hint = false} : vector<10112x128xf32>, vector<128x128xf32>, vector<10112x128xf32> -> vector<10112x128xf32>
    %add3A_37 = arith.addf %add3A_24, %dot_general3A_36 : vector<10112x128xf32>
    %max3A_38 = arith.constant 0.000000e+00 : f32
    %max3A_39 = vector.broadcast %max3A_38 : f32 to vector<10112x128xf32>
    %max3A_40 = arith.maximumf %add3A_37, %max3A_39 : vector<10112x128xf32>
    %swap3A = arith.constant 0 : index
    %swap3A_41 = arith.constant 0 : index
    %swap3A_42 = arith.constant 0 : index
    %swap3A_43 = vector.load %arg7[%swap3A, %swap3A_41, %swap3A_42] : memref<1x10112x128xf32, #tpu.memory_space<vmem>>, vector<1x10112x128xf32>
    %swap3A_44 = vector.shape_cast %swap3A_43 : vector<1x10112x128xf32> to vector<10112x128xf32>
    %swap3A_45 = vector.shape_cast %max3A_40 : vector<10112x128xf32> to vector<1x10112x128xf32>
    tpu.vector_store %arg7[%swap3A, %swap3A_41, %swap3A_42], %swap3A_45 {strides = array<i32>} : memref<1x10112x128xf32, #tpu.memory_space<vmem>>, vector<1x10112x128xf32>,
    return
  }
  func.func @transform_0(%arg0: i32) -> (i32, i32, i32) {
    %c0_i32 = arith.constant 0 : i32
    %c0_i32_0 = arith.constant 0 : i32
    %c0_i32_1 = arith.constant 0 : i32
    return %arg0, %c0_i32, %c0_i32_0 : i32, i32, i32
  }
  func.func @transform_1(%arg0: i32) -> (i32, i32, i32) {
    %c0_i32 = arith.constant 0 : i32
    %c0_i32_0 = arith.constant 0 : i32
    %c0_i32_1 = arith.constant 0 : i32
    return %arg0, %c0_i32, %c0_i32_0 : i32, i32, i32
  }
  func.func @transform_2(%arg0: i32) -> (i32, i32, i32) {
    %c0_i32 = arith.constant 0 : i32
    %c0_i32_0 = arith.constant 0 : i32
    %c0_i32_1 = arith.constant 0 : i32
    return %arg0, %c0_i32, %c0_i32_0 : i32, i32, i32
  }
  func.func @transform_3(%arg0: i32) -> (i32, i32, i32) {
    %c0_i32 = arith.constant 0 : i32
    %c0_i32_0 = arith.constant 0 : i32
    %c0_i32_1 = arith.constant 0 : i32
    return %arg0, %c0_i32, %c0_i32_0 : i32, i32, i32
  }
  func.func @transform_4(%arg0: i32) -> (i32, i32, i32) {
    %c0_i32 = arith.constant 0 : i32
    %c0_i32_0 = arith.constant 0 : i32
    %c0_i32_1 = arith.constant 0 : i32
    return %arg0, %c0_i32, %c0_i32_0 : i32, i32, i32
  }
  func.func @transform_5(%arg0: i32) -> (i32, i32, i32) {
    %c0_i32 = arith.constant 0 : i32
    %c0_i32_0 = arith.constant 0 : i32
    %c0_i32_1 = arith.constant 0 : i32
    return %arg0, %c0_i32, %c0_i32_0 : i32, i32, i32
  }
  func.func @transform_6(%arg0: i32) -> (i32, i32, i32) {
    %c0_i32 = arith.constant 0 : i32
    %c0_i32_0 = arith.constant 0 : i32
    %c0_i32_1 = arith.constant 0 : i32
    return %arg0, %c0_i32, %c0_i32_0 : i32, i32, i32
  }
}

module attributes {stable_mosaic.version = 14 : i64} {
  func.func @_sage_update_body(%arg0: i32, %arg1: memref<1x10112x128xf32, #tpu.memory_space<vmem>>, %arg2: memref<1x16x10112xf32, #tpu.memory_space<vmem>>, %arg3: memref<1x10112x128xf32, #tpu.memory_space<vmem>>, %arg4: memref<1x128x128xf32, #tpu.memory_space<vmem>>, %arg5: memref<1x128x128xf32, #tpu.memory_space<vmem>>, %arg6: memref<1x1x128xf32, #tpu.memory_space<vmem>>, %arg7: memref<1x10112x128xf32, #tpu.memory_space<vmem>>) attributes {dimension_semantics = [#tpu.dimension_semantics<arbitrary>], iteration_bounds = array<i64: 2>, scalar_prefetch = 0 : i64, scratch_operands = 0 : i64, tpu.core_type = #tpu.core_type<tc>, window_params = [{transform_indices = @transform_0, window_bounds = array<i64: 1, 10112, 128>}, {transform_indices = @transform_1, window_bounds = array<i64: 1, 16, 10112>}, {transform_indices = @transform_2, window_bounds = array<i64: 1, 10112, 128>}, {transform_indices = @transform_3, window_bounds = array<i64: 1, 128, 128>}, {transform_indices = @transform_4, window_bounds = array<i64: 1, 128, 128>}, {transform_indices = @transform_5, window_bounds = array<i64: 1, 1, 128>}, {transform_indices = @transform_6, window_bounds = array<i64: 1, 10112, 128>}]} {
    %get3A = arith.constant 0 : index
    %get3A_0 = arith.constant 0 : index
    %get3A_1 = arith.constant 0 : index
    %get3A_2 = vector.load %arg2[%get3A, %get3A_0, %get3A_1] : memref<1x16x10112xf32, #tpu.memory_space<vmem>>, vector<1x16x10112xf32>
    %get3A_3 = vector.shape_cast %get3A_2 : vector<1x16x10112xf32> to vector<16x10112xf32>
    %reduce_sum3A = arith.constant dense<0.000000e+00> : vector<10112xf32>
    %reduce_sum3A_4 = vector.multi_reduction <add>, %get3A_3, %reduce_sum3A [0] : vector<16x10112xf32> to vector<10112xf32>
    %max3A = arith.constant 1.000000e+00 : f32
    %max3A_5 = vector.broadcast %max3A : f32 to vector<10112xf32>
    %max3A_6 = arith.maximumf %reduce_sum3A_4, %max3A_5 : vector<10112xf32>
    %broadcast_in_dim3A = vector.shape_cast %max3A_6 : vector<10112xf32> to vector<10112x1xf32>
    %get3A_7 = arith.constant 0 : index
    %get3A_8 = arith.constant 0 : index
    %get3A_9 = arith.constant 0 : index
    %get3A_10 = vector.load %arg1[%get3A_7, %get3A_8, %get3A_9] : memref<1x10112x128xf32, #tpu.memory_space<vmem>>, vector<1x10112x128xf32>
    %get3A_11 = vector.shape_cast %get3A_10 : vector<1x10112x128xf32> to vector<10112x128xf32>
    %div3A = vector.broadcast %broadcast_in_dim3A : vector<10112x1xf32> to vector<10112x128xf32>
    %div3A_12 = arith.divf %get3A_11, %div3A : vector<10112x128xf32>
    %get3A_13 = arith.constant 0 : index
    %get3A_14 = arith.constant 0 : index
    %get3A_15 = arith.constant 0 : index
    %get3A_16 = vector.load %arg4[%get3A_13, %get3A_14, %get3A_15] : memref<1x128x128xf32, #tpu.memory_space<vmem>>, vector<1x128x128xf32>
    %get3A_17 = vector.shape_cast %get3A_16 : vector<1x128x128xf32> to vector<128x128xf32>
    %dot_general3A = arith.constant dense<0.000000e+00> : vector<10112x128xf32>
    %dot_general3A_18 = tpu.matmul %div3A_12, %get3A_17, %dot_general3A {dimension_numbers = #tpu.dot_dimension_numbers<[1], [0], [0], [1], [0, 0, 1, 1], [], []>, transpose_lhs_hint = false} : vector<10112x128xf32>, vector<128x128xf32>, vector<10112x128xf32> -> vector<10112x128xf32>
    %get3A_19 = arith.constant 0 : index
    %get3A_20 = arith.constant 0 : index
    %get3A_21 = arith.constant 0 : index
    %get3A_22 = vector.load %arg6[%get3A_19, %get3A_20, %get3A_21] : memref<1x1x128xf32, #tpu.memory_space<vmem>>, vector<1x1x128xf32>
    %get3A_23 = vector.shape_cast %get3A_22 : vector<1x1x128xf32> to vector<1x128xf32>
    %add3A = vector.broadcast %get3A_23 : vector<1x128xf32> to vector<10112x128xf32>
    %add3A_24 = arith.addf %dot_general3A_18, %add3A : vector<10112x128xf32>
    %get3A_25 = arith.constant 0 : index
    %get3A_26 = arith.constant 0 : index
    %get3A_27 = arith.constant 0 : index
    %get3A_28 = vector.load %arg3[%get3A_25, %get3A_26, %get3A_27] : memref<1x10112x128xf32, #tpu.memory_space<vmem>>, vector<1x10112x128xf32>
    %get3A_29 = vector.shape_cast %get3A_28 : vector<1x10112x128xf32> to vector<10112x128xf32>
    %get3A_30 = arith.constant 0 : index
    %get3A_31 = arith.constant 0 : index
    %get3A_32 = arith.constant 0 : index
    %get3A_33 = vector.load %arg5[%get3A_30, %get3A_31, %get3A_32] : memref<1x128x128xf32, #tpu.memory_space<vmem>>, vector<1x128x128xf32>
    %get3A_34 = vector.shape_cast %get3A_33 : vector<1x128x128xf32> to vector<128x128xf32>
    %dot_general3A_35 = arith.constant dense<0.000000e+00> : vector<10112x128xf32>
    %dot_general3A_36 = tpu.matmul %get3A_29, %get3A_34, %dot_general3A_35 {dimension_numbers = #tpu.dot_dimension_numbers<[1], [0], [0], [1], [0, 0, 1, 1], [], []>, transpose_lhs_hint = false} : vector<10112x128xf32>, vector<128x128xf32>, vector<10112x128xf32> -> vector<10112x128xf32>
    %add3A_37 = arith.addf %add3A_24, %dot_general3A_36 : vector<10112x128xf32>
    %swap3A = arith.constant 0 : index
    %swap3A_38 = arith.constant 0 : index
    %swap3A_39 = arith.constant 0 : index
    %swap3A_40 = vector.load %arg7[%swap3A, %swap3A_38, %swap3A_39] : memref<1x10112x128xf32, #tpu.memory_space<vmem>>, vector<1x10112x128xf32>
    %swap3A_41 = vector.shape_cast %swap3A_40 : vector<1x10112x128xf32> to vector<10112x128xf32>
    %swap3A_42 = vector.shape_cast %add3A_37 : vector<10112x128xf32> to vector<1x10112x128xf32>
    tpu.vector_store %arg7[%swap3A, %swap3A_38, %swap3A_39], %swap3A_42 {strides = array<i32>} : memref<1x10112x128xf32, #tpu.memory_space<vmem>>, vector<1x10112x128xf32>,
    return
  }
  func.func @transform_0(%arg0: i32) -> (i32, i32, i32) {
    %c0_i32 = arith.constant 0 : i32
    %c0_i32_0 = arith.constant 0 : i32
    %c0_i32_1 = arith.constant 0 : i32
    return %arg0, %c0_i32, %c0_i32_0 : i32, i32, i32
  }
  func.func @transform_1(%arg0: i32) -> (i32, i32, i32) {
    %c0_i32 = arith.constant 0 : i32
    %c0_i32_0 = arith.constant 0 : i32
    %c0_i32_1 = arith.constant 0 : i32
    return %arg0, %c0_i32, %c0_i32_0 : i32, i32, i32
  }
  func.func @transform_2(%arg0: i32) -> (i32, i32, i32) {
    %c0_i32 = arith.constant 0 : i32
    %c0_i32_0 = arith.constant 0 : i32
    %c0_i32_1 = arith.constant 0 : i32
    return %arg0, %c0_i32, %c0_i32_0 : i32, i32, i32
  }
  func.func @transform_3(%arg0: i32) -> (i32, i32, i32) {
    %c0_i32 = arith.constant 0 : i32
    %c0_i32_0 = arith.constant 0 : i32
    %c0_i32_1 = arith.constant 0 : i32
    return %arg0, %c0_i32, %c0_i32_0 : i32, i32, i32
  }
  func.func @transform_4(%arg0: i32) -> (i32, i32, i32) {
    %c0_i32 = arith.constant 0 : i32
    %c0_i32_0 = arith.constant 0 : i32
    %c0_i32_1 = arith.constant 0 : i32
    return %arg0, %c0_i32, %c0_i32_0 : i32, i32, i32
  }
  func.func @transform_5(%arg0: i32) -> (i32, i32, i32) {
    %c0_i32 = arith.constant 0 : i32
    %c0_i32_0 = arith.constant 0 : i32
    %c0_i32_1 = arith.constant 0 : i32
    return %arg0, %c0_i32, %c0_i32_0 : i32, i32, i32
  }
  func.func @transform_6(%arg0: i32) -> (i32, i32, i32) {
    %c0_i32 = arith.constant 0 : i32
    %c0_i32_0 = arith.constant 0 : i32
    %c0_i32_1 = arith.constant 0 : i32
    return %arg0, %c0_i32, %c0_i32_0 : i32, i32, i32
  }
}

module attributes {stable_mosaic.version = 14 : i64} {
  func.func @_decoder_body(%arg0: i32, %arg1: memref<2000x256xf32, #tpu.memory_space<vmem>>, %arg2: memref<256x128xf32, #tpu.memory_space<vmem>>, %arg3: memref<1x128xf32, #tpu.memory_space<vmem>>, %arg4: memref<1x128xf32, #tpu.memory_space<vmem>>, %arg5: memref<1x1xf32, #tpu.memory_space<vmem>>, %arg6: memref<2000x128xf32, #tpu.memory_space<vmem>>, %arg7: memref<2000x1xf32, #tpu.memory_space<vmem>>) attributes {dimension_semantics = [#tpu.dimension_semantics<arbitrary>], iteration_bounds = array<i64: 50>, scalar_prefetch = 0 : i64, scratch_operands = 0 : i64, tpu.core_type = #tpu.core_type<tc>, window_params = [{transform_indices = @transform_0, window_bounds = array<i64: 2000, 256>}, {pipeline_mode = #tpu.pipeline_mode<synchronous>, transform_indices = @transform_1, window_bounds = array<i64: 256, 128>}, {pipeline_mode = #tpu.pipeline_mode<synchronous>, transform_indices = @transform_2, window_bounds = array<i64: 1, 128>}, {pipeline_mode = #tpu.pipeline_mode<synchronous>, transform_indices = @transform_3, window_bounds = array<i64: 1, 128>}, {pipeline_mode = #tpu.pipeline_mode<synchronous>, transform_indices = @transform_4, window_bounds = array<i64: 1, 1>}, {transform_indices = @transform_5, window_bounds = array<i64: 2000, 128>}, {transform_indices = @transform_6, window_bounds = array<i64: 2000, 1>}]} {
    %get3A = arith.constant 0 : index
    %get3A_0 = arith.constant 0 : index
    %get3A_1 = vector.load %arg1[%get3A, %get3A_0] : memref<2000x256xf32, #tpu.memory_space<vmem>>, vector<2000x256xf32>
    %get3A_2 = arith.constant 0 : index
    %get3A_3 = arith.constant 0 : index
    %get3A_4 = vector.load %arg2[%get3A_2, %get3A_3] : memref<256x128xf32, #tpu.memory_space<vmem>>, vector<256x128xf32>
    %dot_general3A = arith.constant dense<0.000000e+00> : vector<2000x128xf32>
    %dot_general3A_5 = tpu.matmul %get3A_1, %get3A_4, %dot_general3A {dimension_numbers = #tpu.dot_dimension_numbers<[1], [0], [0], [1], [0, 0, 1, 1], [], []>, transpose_lhs_hint = false} : vector<2000x256xf32>, vector<256x128xf32>, vector<2000x128xf32> -> vector<2000x128xf32>
    %get3A_6 = arith.constant 0 : index
    %get3A_7 = arith.constant 0 : index
    %get3A_8 = vector.load %arg3[%get3A_6, %get3A_7] : memref<1x128xf32, #tpu.memory_space<vmem>>, vector<1x128xf32>
    %add3A = vector.broadcast %get3A_8 : vector<1x128xf32> to vector<2000x128xf32>
    %add3A_9 = arith.addf %dot_general3A_5, %add3A : vector<2000x128xf32>
    %max3A = arith.constant 0.000000e+00 : f32
    %max3A_10 = vector.broadcast %max3A : f32 to vector<2000x128xf32>
    %max3A_11 = arith.maximumf %add3A_9, %max3A_10 : vector<2000x128xf32>
    %swap3A = arith.constant 0 : index
    %swap3A_12 = arith.constant 0 : index
    %swap3A_13 = vector.load %arg6[%swap3A, %swap3A_12] : memref<2000x128xf32, #tpu.memory_space<vmem>>, vector<2000x128xf32>
    tpu.vector_store %arg6[%swap3A, %swap3A_12], %max3A_11 {strides = array<i32>} : memref<2000x128xf32, #tpu.memory_space<vmem>>, vector<2000x128xf32>,
    %get3A_14 = arith.constant 0 : index
    %get3A_15 = arith.constant 0 : index
    %get3A_16 = vector.load %arg4[%get3A_14, %get3A_15] : memref<1x128xf32, #tpu.memory_space<vmem>>, vector<1x128xf32>
    %mul3A = vector.broadcast %get3A_16 : vector<1x128xf32> to vector<2000x128xf32>
    %mul3A_17 = arith.mulf %max3A_11, %mul3A : vector<2000x128xf32>
    %reduce_sum3A = arith.constant dense<0.000000e+00> : vector<2000xf32>
    %reduce_sum3A_18 = vector.multi_reduction <add>, %mul3A_17, %reduce_sum3A [1] : vector<2000x128xf32> to vector<2000xf32>
    %broadcast_in_dim3A = vector.shape_cast %reduce_sum3A_18 : vector<2000xf32> to vector<2000x1xf32>
    %get3A_19 = arith.constant 0 : index
    %get3A_20 = arith.constant 0 : index
    %get3A_21 = vector.load %arg5[%get3A_19, %get3A_20] : memref<1x1xf32, #tpu.memory_space<vmem>>, vector<1x1xf32>
    %add3A_22 = vector.broadcast %get3A_21 : vector<1x1xf32> to vector<2000x1xf32>
    %add3A_23 = arith.addf %broadcast_in_dim3A, %add3A_22 : vector<2000x1xf32>
    %swap3A_24 = arith.constant 0 : index
    %swap3A_25 = arith.constant 0 : index
    %swap3A_26 = vector.load %arg7[%swap3A_24, %swap3A_25] : memref<2000x1xf32, #tpu.memory_space<vmem>>, vector<2000x1xf32>
    tpu.vector_store %arg7[%swap3A_24, %swap3A_25], %add3A_23 {strides = array<i32>} : memref<2000x1xf32, #tpu.memory_space<vmem>>, vector<2000x1xf32>,
    return
  }
  func.func @transform_0(%arg0: i32) -> (i32, i32) {
    %c0_i32 = arith.constant 0 : i32
    %c0_i32_0 = arith.constant 0 : i32
    return %arg0, %c0_i32 : i32, i32
  }
  func.func @transform_1(%arg0: i32) -> (i32, i32) {
    %c0_i32 = arith.constant 0 : i32
    %c0_i32_0 = arith.constant 0 : i32
    %c0_i32_1 = arith.constant 0 : i32
    return %c0_i32, %c0_i32_0 : i32, i32
  }
  func.func @transform_2(%arg0: i32) -> (i32, i32) {
    %c0_i32 = arith.constant 0 : i32
    %c0_i32_0 = arith.constant 0 : i32
    %c0_i32_1 = arith.constant 0 : i32
    return %c0_i32, %c0_i32_0 : i32, i32
  }
  func.func @transform_3(%arg0: i32) -> (i32, i32) {
    %c0_i32 = arith.constant 0 : i32
    %c0_i32_0 = arith.constant 0 : i32
    %c0_i32_1 = arith.constant 0 : i32
    return %c0_i32, %c0_i32_0 : i32, i32
  }
  func.func @transform_4(%arg0: i32) -> (i32, i32) {
    %c0_i32 = arith.constant 0 : i32
    %c0_i32_0 = arith.constant 0 : i32
    %c0_i32_1 = arith.constant 0 : i32
    return %c0_i32, %c0_i32_0 : i32, i32
  }
  func.func @transform_5(%arg0: i32) -> (i32, i32) {
    %c0_i32 = arith.constant 0 : i32
    %c0_i32_0 = arith.constant 0 : i32
    return %arg0, %c0_i32 : i32, i32
  }
  func.func @transform_6(%arg0: i32) -> (i32, i32) {
    %c0_i32 = arith.constant 0 : i32
    %c0_i32_0 = arith.constant 0 : i32
    return %arg0, %c0_i32 : i32, i32
  }
}

</mosaic_0001>

<sc_bundles>
// kernel: kernel.11.cloned.1.call-start
scs
__scs_entry_jumppad:
0x0: {  	(pc) =	sbr.rel $0x88, $3  }
0x1: {  	(tag) =	ssettag $0x0;
	lr =	simm.s32 $0x1  }
0x2: {  	[smem:$0x3F8C] =	sst lr;
	_ =	strace $0xD0000000  }
0x3: {  	_ = 	snop  }
0x4: {  	_ = 	snop  }
0x5: {  	_ = 	snop  }
0x6: {  	_ = 	snop  }
0x7: {  	_ = 	snop  }
__scs_overlays_trampoline_lowered:
0x8: {  	[smem:$0x3F9B] =	sst s0  }
0x9: {  	[smem:$0x3F9C] =	sst s1  }
0xa: {  	[smem:$0x3F9D] =	sst s2  }
0xb: {  	[smem:$0x3F9E] =	sst s3  }
0xc: {  	[smem:$0x3F9F] =	sst s4  }
0xd: {  	[smem:$0x3FA0] =	sst s5  }
0xe: {  	[smem:$0x3FA1] =	sst s6  }
0xf: {  	[smem:$0x3FA2] =	sst s7  }
0x10: {  	[smem:$0x3FA3] =	sst s8  }
0x11: {  	[smem:$0x3FA4] =	sst s9;
	s0 =	simm.s32 @!p0 $0x0  }
0x12: {  	s1 =	sld [smem:$0x3F8A];
	s0 =	simm.s32 @p0 $0x1  }
0x13: {  	[smem:$0x3FA5] =	sst s0;
	s0 =	simm.s32 @!p1 $0x0  }
0x14: {  	s2 =	sld [smem:$0x3F89];
	s0 =	simm.s32 @p1 $0x1  }
0x15: {  	[smem:$0x3FA6] =	sst s0;
	s0 =	simm.s32 @!p2 $0x0  }
0x16: {  	s3 =	sld [smem:$0x3FDB];
	s0 =	simm.s32 @p2 $0x1  }
0x17: {  	s4 =	simm.s32 $0x1BF5;
	[smem:$0x3FA8] =	sst s0  }
0x18: {  	s0 =	sld [smem:$0x3F8B];
	_ =	swait.ge [sflag:s4], $0x0  }
0x19: {  	s7 =	sld [smem:$0x3F8C]  }
0x1a: {  	s8 =	sadd.s32 $0xFFFFE003, lr  }
0x1b: {  	s9 =	sadd.s32 $0xFFFFFEF7, lr;
	s5 =	simm.s32 $0xFFFFFFFF;
	p2 =	slt.u32 s8, $0xFFFFF086  }
0x1c: {  	p1 =	slt.u32 s9, $0xF7A;
	s5 =	simm.s32 @!p2 $0x0  }
0x1d: {  	s5 =	simm.s32 @p1 $0x1;
	p0 =	seq.s32 s7, s2  }
0x1e: {  	s7 =	smul.u32 @!p0 $0xF7A, s2;
	p2 =	seq.s32 @!p0 s5, $0x0  }
0x1f: {  	s9 =	smul.u32 $0xF7A, s1;
	s8 =	simm.s32 @!p0 $0x1BF5;
	p2 =	por !p2, p0  }
0x20: {  	[sflag:s8] =	ssyncset.s32 @!p0 $0xFFFFF086;
	s6 =	sadd.s32 @!p0 s3, s7;
	s7 =	simm.s32 @!p0 $0x108  }
0x21: {  	s3 =	sadd.s32 s3, s9;
	s6 =	sadd.s32 @!p0 $0x88, s6;
	s7 =	simm.s32 @p2 $0x1082  }
0x22: {  	[simem:s7], [sflag:s8] =	dma.local @!p0 [hbm:s6], $0xF7A  }
0x23: {  	s9 =	sor.u32 $0xD0000000, s2;
	s6 =	simm.s32 $0x108;
	_ =	swait.ge @!p0 [sflag:s8], $0x0  }
0x24: {  	s3 =	sadd.s32 $0x88, s3;
	s6 =	simm.s32 @!p1 $0x1082;
	[sflag:s4] =	ssyncset.s32 $0xFFFFF086  }
0x25: {  	[simem:s6], [sflag:s4] =	dma.local [hbm:s3], $0xF7A  }
0x26: {  	[smem:$0x3F8C] =	sst s1;
	(tag) =	ssettag s2;
	_ =	strace s9  }
0x27: {  	s1 =	sld [smem:$0x3F9C]  }
0x28: {  	s2 =	sld [smem:$0x3F9D]  }
0x29: {  	s4 =	sld [smem:$0x3F9F]  }
0x2a: {  	p0 =	seq.s32 s5, $0x0;
	s5 =	sld [smem:$0x3FA0]  }
0x2b: {  	s6 =	sld [smem:$0x3FA1]  }
0x2c: {  	s7 =	sld [smem:$0x3FA2]  }
0x2d: {  	s3 =	simm.s32 $0x108;
	s8 =	sld [smem:$0x3FA3]  }
0x2e: {  	s3 =	simm.s32 @!p0 $0x1082;
	s9 =	sld [smem:$0x3FA4]  }
0x2f: {  	lr =	sadd.s32 s0, s3;
	s0 =	sld [smem:$0x3F9B]  }
0x30: {  	s3 =	sld [smem:$0x3F9E]  }
0x31: {  	[smem:$0x3FA7] =	sst s10  }
0x32: {  	s10 =	sld [smem:$0x3FA5];
	_ =	sdelay $0x3  }
0x33: {  	p0 =	seq.s32 s10, $0x1;
	s10 =	sld [smem:$0x3FA7];
	_ =	sdelay $0x3  }
0x34: {  	[smem:$0x3FA7] =	sst s10  }
0x35: {  	s10 =	sld [smem:$0x3FA6];
	_ =	sdelay $0x3  }
0x36: {  	p1 =	seq.s32 s10, $0x1;
	s10 =	sld [smem:$0x3FA7];
	_ =	sdelay $0x3  }
0x37: {  	[smem:$0x3FA7] =	sst s10  }
0x38: {  	s10 =	sld [smem:$0x3FA8]  }
0x39: {  	_ = 	snop;
	(pc) =	sbr.ind lr, $3  }
0x3a: {  	_ = 	snop  }
0x3b: {  	_ = 	snop  }
0x3c: {  	p2 =	seq.s32 s10, $0x1;
	s10 =	sld [smem:$0x3FA7]  }
0x3d: {  	_ =	shalt  }
0x3e: {  	_ =	shalt  }
0x3f: {  	_ =	shalt  }
0x40: {  	_ =	shalt  }
0x41: {  	_ =	shalt  }
0x42: {  	_ =	shalt  }
0x43: {  	_ =	shalt  }
0x44: {  	_ =	shalt  }
0x45: {  	_ =	shalt  }
0x46: {  	_ =	shalt  }
0x47: {  	_ =	shalt  }
0x48: {  	_ =	shalt  }
0x49: {  	_ =	shalt  }
0x4a: {  	_ =	shalt  }
0x4b: {  	_ =	shalt  }
0x4c: {  	_ =	shalt  }
0x4d: {  	_ =	shalt  }
0x4e: {  	_ =	shalt  }
0x4f: {  	_ =	shalt  }
0x50: {  	_ =	shalt  }
0x51: {  	_ =	shalt  }
0x52: {  	_ =	shalt  }
0x53: {  	_ =	shalt  }
0x54: {  	_ =	shalt  }
0x55: {  	_ =	shalt  }
0x56: {  	_ =	shalt  }
0x57: {  	_ =	shalt  }
0x58: {  	_ =	shalt  }
0x59: {  	_ =	shalt  }
0x5a: {  	_ =	shalt  }
0x5b: {  	_ =	shalt  }
0x5c: {  	_ =	shalt  }
0x5d: {  	_ =	shalt  }
0x5e: {  	_ =	shalt  }
0x5f: {  	_ =	shalt  }
0x60: {  	_ =	shalt  }
0x61: {  	_ =	shalt  }
0x62: {  	_ =	shalt  }
0x63: {  	_ =	shalt  }
0x64: {  	_ =	shalt  }
0x65: {  	_ =	shalt  }
0x66: {  	_ =	shalt  }
0x67: {  	_ =	shalt  }
0x68: {  	_ =	shalt  }
0x69: {  	_ =	shalt  }
0x6a: {  	_ =	shalt  }
0x6b: {  	_ =	shalt  }
0x6c: {  	_ =	shalt  }
0x6d: {  	_ =	shalt  }
0x6e: {  	_ =	shalt  }
0x6f: {  	_ =	shalt  }
0x70: {  	_ =	shalt  }
0x71: {  	_ =	shalt  }
0x72: {  	_ =	shalt  }
0x73: {  	_ =	shalt  }
0x74: {  	_ =	shalt  }
0x75: {  	_ =	shalt  }
0x76: {  	_ =	shalt  }
0x77: {  	_ =	shalt  }
0x78: {  	_ =	shalt  }
0x79: {  	_ =	shalt  }
0x7a: {  	_ =	shalt  }
0x7b: {  	_ =	shalt  }
0x7c: {  	_ =	shalt  }
0x7d: {  	_ =	shalt  }
0x7e: {  	_ =	shalt  }
0x7f: {  	_ =	shalt  }
0x80: {  	_ =	shalt  }
0x81: {  	_ =	shalt  }
0x82: {  	_ =	shalt  }
0x83: {  	_ =	shalt  }
0x84: {  	_ =	shalt  }
0x85: {  	_ =	shalt  }
0x86: {  	_ =	shalt  }
0x87: {  	_ =	shalt  }
.Lfunc_end0:
.L_simem_size_0:
called_computation.1_lowered:
.L_overlay_start_0:
0x88: {  	s2 =	sld [smem:$0x3FD9]  }
0x89: {  	s3 =	sld [smem:$0x3FFE];
	_ =	sdelay $0x1  }
0x8a: {  	s1 =	srdreg.scid  }
0x8b: {  	s0 =	sand.u32 $0x1, s1  }
0x8c: {  	s14 =	sshll.u32 s0, $0xA;
	s2 =	sadd.s32 s3, s2  }
0x8d: {  	s2 =	sadd.s32 s2, s14  }
0x8e: {  	[smem:$0x3FB3] =	sst s2  }
0x8f: {  	_ = 	snop  }
0x90: {  	s2 =	sld [smem:$0x3FD0];
	_ =	sdelay $0x2  }
0x91: {  	s15 =	simm.s32 $0xA;
	s4 =	simm.s32 $0x10  }
0x92: {  	[smem:s4], [sflag:s15] =	dma.local [hbm:s2], $0x1  }
0x93: {  	_ =	swait.eq [sflag:s15], $0x1  }
0x94: {  	[sflag:s15] =	ssyncset.done $0x0  }
0x95: {  	s16 =	sld [smem:$0x11];
	[sflag:s15] =	ssyncadd.s32 $0xFFFFFFFF  }
0x96: {  	s17 =	sld [smem:$0x12];
	(tm) =	ssettm $0x1  }
0x97: {  	s18 =	sld [smem:$0x3FFB];
	_ =	sdelay $0x3  }
0x98: {  	_ =	strace s18  }
0x99: {  	s4 =	sld [smem:$0x3FFC];
	_ =	sdelay $0x3  }
0x9a: {  	_ =	strace s4  }
0x9b: {  	s4 =	sld [smem:$0x3FFD];
	_ =	sdelay $0x3  }
0x9c: {  	_ =	strace s4  }
0x9d: {  	_ =	strace $0x8FFFFFFF  }
0x9e: {  	s19 =	sld [smem:$0x3FDB];
	_ =	sdelay $0x1  }
0x9f: {  	s5 =	simm.s32 $_scs_section_size  }
0xa0: {  	s6 =	simm.s32 $_size__tile_overlayer_lowered;
	s7 =	simm.s32 $_tile_overlayer_lowered  }
0xa1: {  	s22 =	simm.s32 $0x1BFF;
	s21 =	sshll.u32 s7, $0x1;
	s4 =	sadd.s32 s5, s19  }
0xa2: {  	s8 =	simm.s32 $0x0;
	s20 =	sshll.u32 s6, $0x1;
	s6 =	sadd.s32 s21, s4  }
0xa3: {  	[timem:s8], [sflag:s22] =	dma.local [hbm:s6], s20  }
0xa4: {  	_ =	swait.ge [sflag:s22], s20  }
0xa5: {  	s5 =	ssub.s32 $0x0, s20;
	[sflag:s22] =	ssyncset.done $0x0  }
0xa6: {  	[sflag:s22] =	ssyncadd.s32 s5;
	_ =	sdelay $0x1  }
0xa7: {  	s23 =	simm.s32 $0x1B8B  }
0xa8: {  	_ =	swait.ge [sflag:s23], $0x1  }
0xa9: {  	[sflag:s23] =	ssyncset.done $0x0  }
0xaa: {  	s25 =	simm.s32 $0x1B8E;
	s24 =	sld [smem:$0x3FFE];
	[sflag:s23] =	ssyncadd.s32 $0xFFFFFFFF  }
0xab: {  	s26 =	simm.s32 $execute0_lowered;
	[smem:$0x3FD2] =	sst s25  }
0xac: {  	s6 =	sshll.u32 s26, $0x1;
	_ =	strace $0x80000049;
	[dreg:$0x1] =	wrdreg $0xFFFFFFFF  }
0xad: {  	s28 =	simm.s32 $_size_execute0_lowered;
	s4 =	sadd.s32 s4, s6;
	[dreg:$0x0] =	wrdreg $0x0  }
0xae: {  	s6 =	sshll.u32 s28, $0x1;
	[dreg:$0x2] =	wrdreg s4  }
0xaf: {  	[dreg:$0x3] =	wrdreg s6  }
0xb0: {  	[dreg:$0x4] =	wrdreg $0xC0  }
0xb1: {  	_ =	task [dreg:s8], $0x5FFFF  }
0xb2: {  	[dreg:$0x1] =	wrdreg $0xFFFFFFFF  }
0xb3: {  	[dreg:$0x0] =	wrdreg $0x60  }
0xb4: {  	[dreg:$0x2] =	wrdreg s17  }
0xb5: {  	[dreg:$0x3] =	wrdreg s24  }
0xb6: {  	[dreg:$0x4] =	wrdreg s16  }
0xb7: {  	[dreg:$0x5] =	wrdreg $0x90000  }
0xb8: {  	[dreg:$0x6] =	wrdreg $0x9  }
0xb9: {  	_ =	task.clear_ibuf [dreg:s8], $0x7FFFF;
	_ =	strace $0x90000049  }
0xba: {  	s29 =	simm.s32 $0x9;
	_ =	strace $0x8000004B  }
0xbb: {  	_ =	swait.ge [sflag:s29], $0x1  }
0xbc: {  	[sflag:s29] =	ssyncadd.s32 $0xFFFFFFFF  }
0xbd: {  	_ =	strace $0x9000004B  }
0xbe: {  	_ =	sfence  }
0xbf: {  	s30 =	sld [smem:$0x0];
	_ =	sdelay $0x2  }
0xc0: {  	s31 =	sshll.u32 s1, $0xD;
	s1 =	sshrl.u32 s1, $0x2  }
0xc1: {  	s3 =	sand.u32 $0x4000, s31;
	s1 =	sadd.s32 s1, s30  }
0xc2: {  	s0 =	sor.u32 s3, s0;
	s1 =	sshll.u32 s1, $0x11  }
0xc3: {  	s0 =	sor.u32 s1, s0  }
0xc4: {  	s0 =	sadd.s32 $0x8F2B, s0  }
0xc5: {  	[sflag:s0] =	ssyncadd.remote.s32 $0x1  }
0xc6: {  	_ =	sfence.sel $0xFFFF  }
0xc7: {  	[dreg:$0x0] =	wrdreg $0xFFFFFFFF;
	(pc) =	sbr.abs _section_cstart, $3  }
0xc8: {  	[dreg:$0x1] =	wrdreg $0xFFFFFFFF  }
0xc9: {  	_ =	task.clear_ibuf [dreg:s8], $0x2FFFF;
	_ =	strace $0x9FFFFFFF  }
0xca: {  	(tm) =	ssettm $0x7FFFFFFF  }
0xcb: {  	_ =	shalt  }
tec
execute0_lowered:
.L_overlay_start_1:
0x0: {  	(tag) =	ssettag $0x1  }
0x1: {  	s1 =	rddreg [dreg:$0x0]  }
0x2: {  	s0 =	rddreg [dreg:$0x1]  }
0x3: {  	s2 =	rddreg [dreg:$0x2]  }
0x4: {  	s3 =	rddreg [dreg:$0x3]  }
0x5: {  	s4 =	simm.s32 $0x0;
	s14 =	stileid.u32;
	s8 =	srdreg.scid  }
0x6: {  	s29 =	simm.s32 $0x2;
	s31 =	simm.s32 $0x0;
	s5 =	smul.u32 $0x13C00, s14  }
0x7: {  	[smem:$0x7FF] =	sst s4;
	s6 =	sadd.s32 $0x17600, s0;
	s10 =	smul.u32 $0x4F000, s14  }
0x8: {  	s7 =	sadd.s32 $0x3600, s0;
	s8 =	sand.u32 $0x1, s8;
	s13 =	smul.u32 $0x5000, s14  }
0x9: {  	s16 =	sshll.u32 s14, $0x6;
	_ =	strace $0x8000004A;
	s11 =	smul.u32 $0x50000, s8  }
0xa: {  	s15 =	ssub.s32 $0x2, s8;
	s8 =	smul.u32 $0x13C000, s8;
	s28 =	sor.u32 $0x1C05, s16  }
0xb: {  	s9 =	sshrl.u32 s5, $0x3;
	s12 =	sshrl.u32 s15, $0x1;
	s10 =	sshrl.u32 s10, $0x2  }
0xc: {  	[dreg:$0x6] =	wrdreg s28;
	s0 =	sadd.s32 s9, s0;
	s9 =	ssub.s32 s15, s12  }
0xd: {  	s10 =	sadd.s32 s10, s3;
	s11 =	sadd.s32 s13, s11;
	s5 =	sadd.s32 s5, s8  }
0xe: {  	s8 =	simm.s32 $0xE00;
	s0 =	sadd.s32 $0x2B600, s0;
	s17 =	sshrl.u32 s11, $0x3  }
0xf: {  	s18 =	sor.u32 $0x400, s11;
	s21 =	sshrl.u32 s5, $0x3;
	s23 =	sor.u32 $0xC00, s11  }
0x10: {  	s24 =	smax.u32 s9, $0x1;
	s25 =	sor.u32 $0x800, s11;
	s30 =	sshrl.u32 s10, $0x3  }
0x11: {  	s5 =	simm.s32 $0xA00;
	s9 =	simm.s32 $0xB00;
	s10 =	simm.s32 $0xE80  }
0x12: {  	s11 =	simm.s32 $0xB80;
	[dreg:$0x5] =	wrdreg s0;
	s19 =	sadd.s32 s6, s17  }
0x13: {  	s12 =	sshrl.u32 s18, $0x3;
	s0 =	sadd.s32 s7, s17;
	[dreg:$0xc] =	wrdreg s24  }
0x14: {  	s26 =	sshrl.u32 s25, $0x3;
	s18 =	simm.s32 $0x5;
	[dreg:$0xd] =	wrdreg s30  }
0x15: {  	s24 =	simm.s32 $0x1000;
	s25 =	simm.s32 $0x5000;
	[dreg:$0x7] =	wrdreg s19  }
0x16: {  	s17 =	simm.s32 $0xF80;
	[dreg:$0x8] =	wrdreg s0;
	s20 =	sadd.s32 s6, s12  }
0x17: {  	s22 =	sadd.s32 s7, s12;
	s0 =	sadd.s32 s2, s21;
	s15 =	sadd.s32 s26, s7  }
0x18: {  	s16 =	sadd.s32 s26, s6;
	s21 =	simm.s32 $0xC00;
	s26 =	simm.s32 $0x1  }
.Ltmp0:
0x19: {  	s2 =	simm.s32 $0xD00;
	[dreg:$0x9] =	wrdreg s20;
	(pc) =	sbr.rel .LBB2_1-.Ltmp0, $4  }
0x1a: {  	s19 =	simm.s32 $0xD80;
	s12 =	simm.s32 $0xF00;
	[dreg:$0xa] =	wrdreg s22  }
0x1b: {  	[dreg:$0xb] =	wrdreg s0;
	s0 =	sshrl.u32 s23, $0x3;
	s20 =	simm.s32 $0x800  }
0x1c: {  	s22 =	simm.s32 $0x3;
	s23 =	simm.s32 $0x80;
	s13 =	sadd.s32 s0, s7  }
0x1d: {  	s14 =	sadd.s32 s0, s6;
	s6 =	simm.s32 $0x4;
	s7 =	simm.s32 $0xA80  }
.LBB2_4:
0x1e: {  	_ =	swait.ge [sflag:s29], $0x4000  }
0x1f: {  	[sflag:s29] =	ssyncset.done $0x0  }
0x20: {  	[sflag:s29] =	ssyncadd.s32 $0xFFFFC000  }
0x21: {  	[spmem:s3] =	stream.indirect.scatter.add.f32 [tilespmem:s25], [sflag:$0x5], $0x80, s17, s23, $0xb8;
	[tilespmem:$0x1CC00] =	vst v63  }
0x22: {  	_ =	swait.ge [sflag:s18], $0x4000  }
0x23: {  	[sflag:s18] =	ssyncset.done $0x0  }
0x24: {  	[sflag:s18] =	ssyncadd.s32 $0xFFFFC000  }
.LBB2_5:
0x25: {  	[bflag:$0x0] =	sbarrier.arrive $0xFFFF  }
0x26: {  	s28 =	rddreg [dreg:$0x6]  }
0x27: {  	s0 =	rddreg [dreg:$0xb]  }
0x28: {  	s30 =	rddreg [dreg:$0xd]  }
0x29: {  	[hbm:s0], [sflag:s28] =	dma.local [spmem:s30], $0x2780  }
0x2a: {  	_ =	swait.ge [sflag:s18], $0x2780  }
0x2b: {  	s31 =	rddreg [dreg:$0xe]  }
0x2c: {  	s0 =	rddreg [dreg:$0xc];
	s31 =	sadd.s32 $0x1, s31  }
0x2d: {  	p0 =	sne.s32 s31, s0  }
.Ltmp1:
0x2e: {  	_ = 	snop;
	(pc) =	sbr.rel @!p0 .LBB2_6-.Ltmp1, $3  }
0x2f: {  	_ =	sdelay $0x1  }
0x30: {  	[sflag:s18] =	ssyncset.done $0x0  }
0x31: {  	[sflag:s18] =	ssyncadd.s32 $0xFFFFD880  }
.LBB2_1:
0x32: {  	[dreg:$0xe] =	wrdreg s31  }
0x33: {  	s0 =	rddreg [dreg:$0x5]  }
0x34: {  	[spmem:s30], [sflag:s28] =	dma.local [hbm:s0], $0x2780  }
0x35: {  	_ =	swait.ge [sflag:s18], $0x2780  }
0x36: {  	[sflag:s18] =	ssyncset.done $0x0  }
0x37: {  	[sflag:s18] =	ssyncadd.s32 $0xFFFFD880  }
0x38: {  	[bflag:$0x0] =	sbarrier.arrive $0xFFFF  }
0x39: {  	s30 =	rddreg [dreg:$0x7]  }
0x3a: {  	[tilespmem:s4], [sflag:$0x3] =	stream.linear.gather [hbm4b:s30+s4], $0x400, $0x38;
	[tilespmem:$0x1CC00] =	vst v63  }
0x3b: {  	s28 =	simm.s32 $0x400;
	s31 =	rddreg [dreg:$0x8]  }
0x3c: {  	[tilespmem:s28], [sflag:$0x3] =	stream.linear.gather [hbm4b:s31+s4], $0x400, $0x38;
	[tilespmem:$0x1CC00] =	vst v63  }
0x3d: {  	s30 =	rddreg [dreg:$0x9]  }
0x3e: {  	[tilespmem:s20], [sflag:$0x4] =	stream.linear.gather [hbm4b:s30+s4], $0x400, $0x38;
	[tilespmem:$0x1CC00] =	vst v63  }
0x3f: {  	s31 =	rddreg [dreg:$0xa]  }
0x40: {  	[tilespmem:s21], [sflag:$0x4] =	stream.linear.gather [hbm4b:s31+s4], $0x400, $0x38;
	[tilespmem:$0x1CC00] =	vst v63  }
0x41: {  	_ =	swait.ge [sflag:s22], $0x400  }
0x42: {  	[sflag:s22] =	ssyncset.done $0x0  }
0x43: {  	[sflag:s22] =	ssyncadd.s32 $0xFFFFFC00  }
0x44: {  	_ =	swait.ge [sflag:s22], $0x400  }
0x45: {  	[sflag:s22] =	ssyncset.done $0x0  }
0x46: {  	[sflag:s22] =	ssyncadd.s32 $0xFFFFFC00  }
0x47: {  	[tilespmem:s24], [sflag:$0x1] =	stream.indirect.gather [hbm4b:s1+s23], $0x80, s4, s23, $0xb8;
	[tilespmem:$0x1CC00] =	vst v63  }
0x48: {  	s28 =	simm.s32 $0x0  }
0x49: {  	[tilespmem:s25], [sflag:$0x2] =	stream.indirect.gather [hbm4b:s1+s23], $0x80, s23, s23, $0xb8;
	[tilespmem:$0x1CC00] =	vst v63  }
.LBB2_2:
0x4a: {  	_ =	swait.ge [sflag:s26], $0x4000  }
0x4b: {  	[sflag:s26] =	ssyncset.done $0x0  }
0x4c: {  	s0 =	simm.s32 $0x400;
	[sflag:s26] =	ssyncadd.s32 $0xFFFFC000  }
0x4d: {  	[spmem:s3] =	stream.indirect.scatter.add.f32 [tilespmem:s24], [sflag:$0x5], $0x80, s0, s23, $0xb8;
	[tilespmem:$0x1CC00] =	vst v63  }
0x4e: {  	_ =	swait.ge [sflag:s18], $0x4000  }
0x4f: {  	[sflag:s18] =	ssyncset.done $0x0  }
0x50: {  	s31 =	simm.s32 $0x100;
	[sflag:s18] =	ssyncadd.s32 $0xFFFFC000  }
0x51: {  	[tilespmem:s24], [sflag:$0x1] =	stream.indirect.gather [hbm4b:s1+s23], $0x80, s31, s23, $0xb8;
	[tilespmem:$0x1CC00] =	vst v63  }
0x52: {  	_ =	swait.ge [sflag:s29], $0x4000  }
0x53: {  	[sflag:s29] =	ssyncset.done $0x0  }
0x54: {  	s30 =	simm.s32 $0x480;
	[sflag:s29] =	ssyncadd.s32 $0xFFFFC000  }
0x55: {  	[spmem:s3] =	stream.indirect.scatter.add.f32 [tilespmem:s25], [sflag:$0x5], $0x80, s30, s23, $0xb8;
	[tilespmem:$0x1CC00] =	vst v63  }
0x56: {  	_ =	swait.ge [sflag:s18], $0x4000  }
0x57: {  	[sflag:s18] =	ssyncset.done $0x0  }
0x58: {  	s31 =	simm.s32 $0x180;
	[sflag:s18] =	ssyncadd.s32 $0xFFFFC000  }
0x59: {  	[tilespmem:s25], [sflag:$0x2] =	stream.indirect.gather [hbm4b:s1+s23], $0x80, s31, s23, $0xb8;
	[tilespmem:$0x1CC00] =	vst v63  }
0x5a: {  	_ =	swait.ge [sflag:s26], $0x4000  }
0x5b: {  	[sflag:s26] =	ssyncset.done $0x0  }
0x5c: {  	s30 =	simm.s32 $0x500;
	[sflag:s26] =	ssyncadd.s32 $0xFFFFC000  }
0x5d: {  	[spmem:s3] =	stream.indirect.scatter.add.f32 [tilespmem:s24], [sflag:$0x5], $0x80, s30, s23, $0xb8;
	[tilespmem:$0x1CC00] =	vst v63  }
0x5e: {  	_ =	swait.ge [sflag:s18], $0x4000  }
0x5f: {  	[sflag:s18] =	ssyncset.done $0x0  }
0x60: {  	s31 =	simm.s32 $0x200;
	[sflag:s18] =	ssyncadd.s32 $0xFFFFC000  }
0x61: {  	[tilespmem:s24], [sflag:$0x1] =	stream.indirect.gather [hbm4b:s1+s23], $0x80, s31, s23, $0xb8;
	[tilespmem:$0x1CC00] =	vst v63  }
0x62: {  	_ =	swait.ge [sflag:s29], $0x4000  }
0x63: {  	[sflag:s29] =	ssyncset.done $0x0  }
0x64: {  	s30 =	simm.s32 $0x580;
	[sflag:s29] =	ssyncadd.s32 $0xFFFFC000  }
0x65: {  	[spmem:s3] =	stream.indirect.scatter.add.f32 [tilespmem:s25], [sflag:$0x5], $0x80, s30, s23, $0xb8;
	[tilespmem:$0x1CC00] =	vst v63  }
0x66: {  	_ =	swait.ge [sflag:s18], $0x4000  }
0x67: {  	[sflag:s18] =	ssyncset.done $0x0  }
0x68: {  	s31 =	simm.s32 $0x280;
	[sflag:s18] =	ssyncadd.s32 $0xFFFFC000  }
0x69: {  	[tilespmem:s25], [sflag:$0x2] =	stream.indirect.gather [hbm4b:s1+s23], $0x80, s31, s23, $0xb8;
	[tilespmem:$0x1CC00] =	vst v63  }
0x6a: {  	_ =	swait.ge [sflag:s26], $0x4000  }
0x6b: {  	[sflag:s26] =	ssyncset.done $0x0  }
0x6c: {  	s30 =	simm.s32 $0x600;
	[sflag:s26] =	ssyncadd.s32 $0xFFFFC000  }
0x6d: {  	[spmem:s3] =	stream.indirect.scatter.add.f32 [tilespmem:s24], [sflag:$0x5], $0x80, s30, s23, $0xb8;
	[tilespmem:$0x1CC00] =	vst v63  }
0x6e: {  	_ =	swait.ge [sflag:s18], $0x4000  }
0x6f: {  	[sflag:s18] =	ssyncset.done $0x0  }
0x70: {  	s31 =	simm.s32 $0x300;
	[sflag:s18] =	ssyncadd.s32 $0xFFFFC000  }
0x71: {  	[tilespmem:s24], [sflag:$0x1] =	stream.indirect.gather [hbm4b:s1+s23], $0x80, s31, s23, $0xb8;
	[tilespmem:$0x1CC00] =	vst v63  }
0x72: {  	_ =	swait.ge [sflag:s29], $0x4000  }
0x73: {  	[sflag:s29] =	ssyncset.done $0x0  }
0x74: {  	s30 =	simm.s32 $0x680;
	[sflag:s29] =	ssyncadd.s32 $0xFFFFC000  }
0x75: {  	[spmem:s3] =	stream.indirect.scatter.add.f32 [tilespmem:s25], [sflag:$0x5], $0x80, s30, s23, $0xb8;
	[tilespmem:$0x1CC00] =	vst v63  }
0x76: {  	_ =	swait.ge [sflag:s18], $0x4000  }
0x77: {  	[sflag:s18] =	ssyncset.done $0x0  }
0x78: {  	s31 =	simm.s32 $0x380;
	[sflag:s18] =	ssyncadd.s32 $0xFFFFC000  }
0x79: {  	[tilespmem:s25], [sflag:$0x2] =	stream.indirect.gather [hbm4b:s1+s23], $0x80, s31, s23, $0xb8;
	[tilespmem:$0x1CC00] =	vst v63  }
0x7a: {  	_ =	swait.ge [sflag:s26], $0x4000  }
0x7b: {  	[sflag:s26] =	ssyncset.done $0x0  }
0x7c: {  	s30 =	simm.s32 $0x700;
	[sflag:s26] =	ssyncadd.s32 $0xFFFFC000  }
0x7d: {  	[spmem:s3] =	stream.indirect.scatter.add.f32 [tilespmem:s24], [sflag:$0x5], $0x80, s30, s23, $0xb8;
	[tilespmem:$0x1CC00] =	vst v63  }
0x7e: {  	_ =	swait.ge [sflag:s18], $0x4000  }
0x7f: {  	[sflag:s18] =	ssyncset.done $0x0  }
0x80: {  	[sflag:s18] =	ssyncadd.s32 $0xFFFFC000  }
0x81: {  	_ =	swait.ge [sflag:s6], $0x400  }
0x82: {  	[sflag:s6] =	ssyncset.done $0x0  }
0x83: {  	[sflag:s6] =	ssyncadd.s32 $0xFFFFFC00  }
0x84: {  	_ =	swait.ge [sflag:s6], $0x400  }
0x85: {  	[sflag:s6] =	ssyncset.done $0x0  }
0x86: {  	[sflag:s6] =	ssyncadd.s32 $0xFFFFFC00  }
0x87: {  	[tilespmem:s24], [sflag:$0x1] =	stream.indirect.gather [hbm4b:s1+s23], $0x80, s20, s23, $0xb8;
	[tilespmem:$0x1CC00] =	vst v63  }
0x88: {  	_ =	swait.ge [sflag:s29], $0x4000  }
0x89: {  	[sflag:s29] =	ssyncset.done $0x0  }
0x8a: {  	s31 =	simm.s32 $0x780;
	[sflag:s29] =	ssyncadd.s32 $0xFFFFC000  }
0x8b: {  	[spmem:s3] =	stream.indirect.scatter.add.f32 [tilespmem:s25], [sflag:$0x5], $0x80, s31, s23, $0xb8;
	[tilespmem:$0x1CC00] =	vst v63  }
0x8c: {  	_ =	swait.ge [sflag:s18], $0x4000  }
0x8d: {  	[sflag:s18] =	ssyncset.done $0x0  }
0x8e: {  	p0 =	seq.s32 s28, $0x900;
	s30 =	simm.s32 $0x880;
	[sflag:s18] =	ssyncadd.s32 $0xFFFFC000  }
0x8f: {  	[tilespmem:s25], [sflag:$0x2] =	stream.indirect.gather [hbm4b:s1+s23], $0x80, s30, s23, $0xb8;
	[tilespmem:$0x1CC00] =	vst v63  }
0x90: {  	s31 =	simm.s32 @!p0 $0x0;
	s30 =	sadd.s32 @!p0 s28, s16  }
0x91: {  	[tilespmem:s31], [sflag:$0x3] =	stream.linear.gather @!p0 [hbm4b:s30+s31], $0x400, $0x38;
	[tilespmem:$0x1CC00] =	vst v63  }
0x92: {  	s0 =	simm.s32 @!p0 $0x400;
	s30 =	sadd.s32 @!p0 s28, s15  }
0x93: {  	[tilespmem:s0], [sflag:$0x3] =	stream.linear.gather @!p0 [hbm4b:s30+s31], $0x400, $0x38;
	[tilespmem:$0x1CC00] =	vst v63  }
0x94: {  	_ =	swait.ge [sflag:s26], $0x4000  }
0x95: {  	[sflag:s26] =	ssyncset.done $0x0  }
0x96: {  	[sflag:s26] =	ssyncadd.s32 $0xFFFFC000  }
0x97: {  	[spmem:s3] =	stream.indirect.scatter.add.f32 [tilespmem:s24], [sflag:$0x5], $0x80, s21, s23, $0xb8;
	[tilespmem:$0x1CC00] =	vst v63  }
0x98: {  	_ =	swait.ge [sflag:s18], $0x4000  }
0x99: {  	[sflag:s18] =	ssyncset.done $0x0  }
0x9a: {  	s31 =	simm.s32 $0x900;
	[sflag:s18] =	ssyncadd.s32 $0xFFFFC000  }
0x9b: {  	[tilespmem:s24], [sflag:$0x1] =	stream.indirect.gather [hbm4b:s1+s23], $0x80, s31, s23, $0xb8;
	[tilespmem:$0x1CC00] =	vst v63  }
0x9c: {  	_ =	swait.ge [sflag:s29], $0x4000  }
0x9d: {  	[sflag:s29] =	ssyncset.done $0x0  }
0x9e: {  	s30 =	simm.s32 $0xC80;
	[sflag:s29] =	ssyncadd.s32 $0xFFFFC000  }
0x9f: {  	[spmem:s3] =	stream.indirect.scatter.add.f32 [tilespmem:s25], [sflag:$0x5], $0x80, s30, s23, $0xb8;
	[tilespmem:$0x1CC00] =	vst v63  }
0xa0: {  	_ =	swait.ge [sflag:s18], $0x4000  }
0xa1: {  	[sflag:s18] =	ssyncset.done $0x0  }
0xa2: {  	s31 =	simm.s32 $0x980;
	[sflag:s18] =	ssyncadd.s32 $0xFFFFC000  }
0xa3: {  	[tilespmem:s25], [sflag:$0x2] =	stream.indirect.gather [hbm4b:s1+s23], $0x80, s31, s23, $0xb8;
	[tilespmem:$0x1CC00] =	vst v63  }
0xa4: {  	_ =	swait.ge [sflag:s26], $0x4000  }
0xa5: {  	[sflag:s26] =	ssyncset.done $0x0  }
0xa6: {  	[sflag:s26] =	ssyncadd.s32 $0xFFFFC000  }
0xa7: {  	[spmem:s3] =	stream.indirect.scatter.add.f32 [tilespmem:s24], [sflag:$0x5], $0x80, s2, s23, $0xb8;
	[tilespmem:$0x1CC00] =	vst v63  }
0xa8: {  	_ =	swait.ge [sflag:s18], $0x4000  }
0xa9: {  	[sflag:s18] =	ssyncset.done $0x0  }
0xaa: {  	[sflag:s18] =	ssyncadd.s32 $0xFFFFC000  }
0xab: {  	[tilespmem:s24], [sflag:$0x1] =	stream.indirect.gather [hbm4b:s1+s23], $0x80, s5, s23, $0xb8;
	[tilespmem:$0x1CC00] =	vst v63  }
0xac: {  	_ =	swait.ge [sflag:s29], $0x4000  }
0xad: {  	[sflag:s29] =	ssyncset.done $0x0  }
0xae: {  	[sflag:s29] =	ssyncadd.s32 $0xFFFFC000  }
0xaf: {  	[spmem:s3] =	stream.indirect.scatter.add.f32 [tilespmem:s25], [sflag:$0x5], $0x80, s19, s23, $0xb8;
	[tilespmem:$0x1CC00] =	vst v63  }
0xb0: {  	_ =	swait.ge [sflag:s18], $0x4000  }
0xb1: {  	[sflag:s18] =	ssyncset.done $0x0  }
0xb2: {  	[sflag:s18] =	ssyncadd.s32 $0xFFFFC000  }
0xb3: {  	[tilespmem:s25], [sflag:$0x2] =	stream.indirect.gather [hbm4b:s1+s23], $0x80, s7, s23, $0xb8;
	[tilespmem:$0x1CC00] =	vst v63  }
0xb4: {  	_ =	swait.ge [sflag:s26], $0x4000  }
0xb5: {  	[sflag:s26] =	ssyncset.done $0x0  }
0xb6: {  	[sflag:s26] =	ssyncadd.s32 $0xFFFFC000  }
0xb7: {  	[spmem:s3] =	stream.indirect.scatter.add.f32 [tilespmem:s24], [sflag:$0x5], $0x80, s8, s23, $0xb8;
	[tilespmem:$0x1CC00] =	vst v63  }
0xb8: {  	_ =	swait.ge [sflag:s18], $0x4000  }
0xb9: {  	[sflag:s18] =	ssyncset.done $0x0  }
0xba: {  	[sflag:s18] =	ssyncadd.s32 $0xFFFFC000  }
0xbb: {  	[tilespmem:s24], [sflag:$0x1] =	stream.indirect.gather [hbm4b:s1+s23], $0x80, s9, s23, $0xb8;
	[tilespmem:$0x1CC00] =	vst v63  }
0xbc: {  	_ =	swait.ge [sflag:s29], $0x4000  }
0xbd: {  	[sflag:s29] =	ssyncset.done $0x0  }
0xbe: {  	[sflag:s29] =	ssyncadd.s32 $0xFFFFC000  }
0xbf: {  	[spmem:s3] =	stream.indirect.scatter.add.f32 [tilespmem:s25], [sflag:$0x5], $0x80, s10, s23, $0xb8;
	[tilespmem:$0x1CC00] =	vst v63  }
0xc0: {  	_ =	swait.ge [sflag:s18], $0x4000  }
0xc1: {  	[sflag:s18] =	ssyncset.done $0x0  }
0xc2: {  	[sflag:s18] =	ssyncadd.s32 $0xFFFFC000  }
0xc3: {  	[tilespmem:s25], [sflag:$0x2] =	stream.indirect.gather [hbm4b:s1+s23], $0x80, s11, s23, $0xb8;
	[tilespmem:$0x1CC00] =	vst v63  }
0xc4: {  	_ =	swait.ge [sflag:s26], $0x4000  }
0xc5: {  	[sflag:s26] =	ssyncset.done $0x0  }
.Ltmp2:
0xc6: {  	[sflag:s26] =	ssyncadd.s32 $0xFFFFC000;
	(pc) =	sbr.rel @p0 .LBB2_4-.Ltmp2, $4  }
0xc7: {  	[spmem:s3] =	stream.indirect.scatter.add.f32 [tilespmem:s24], [sflag:$0x5], $0x80, s12, s23, $0xb8;
	[tilespmem:$0x1CC00] =	vst v63  }
0xc8: {  	_ =	swait.ge [sflag:s18], $0x4000  }
0xc9: {  	[sflag:s18] =	ssyncset.done $0x0  }
0xca: {  	[sflag:s18] =	ssyncadd.s32 $0xFFFFC000  }
0xcb: {  	_ =	swait.ge [sflag:s22], $0x400  }
0xcc: {  	[sflag:s22] =	ssyncset.done $0x0  }
0xcd: {  	[sflag:s22] =	ssyncadd.s32 $0xFFFFFC00  }
0xce: {  	_ =	swait.ge [sflag:s22], $0x400  }
0xcf: {  	[sflag:s22] =	ssyncset.done $0x0  }
0xd0: {  	[sflag:s22] =	ssyncadd.s32 $0xFFFFFC00  }
0xd1: {  	[tilespmem:s24], [sflag:$0x1] =	stream.indirect.gather [hbm4b:s1+s23], $0x80, s4, s23, $0xb8;
	[tilespmem:$0x1CC00] =	vst v63  }
0xd2: {  	_ =	swait.ge [sflag:s29], $0x4000  }
0xd3: {  	[sflag:s29] =	ssyncset.done $0x0  }
0xd4: {  	[sflag:s29] =	ssyncadd.s32 $0xFFFFC000  }
0xd5: {  	[spmem:s3] =	stream.indirect.scatter.add.f32 [tilespmem:s25], [sflag:$0x5], $0x80, s17, s23, $0xb8;
	[tilespmem:$0x1CC00] =	vst v63  }
0xd6: {  	s0 =	sadd.s32 s28, s14;
	_ =	swait.ge [sflag:s18], $0x4000  }
0xd7: {  	s31 =	sadd.s32 s28, s13;
	s28 =	sadd.s32 $0x100, s28;
	[sflag:s18] =	ssyncset.done $0x0  }
0xd8: {  	p0 =	seq.s32 s28, $0xA00;
	[sflag:s18] =	ssyncadd.s32 $0xFFFFC000  }
0xd9: {  	[tilespmem:s25], [sflag:$0x2] =	stream.indirect.gather [hbm4b:s1+s23], $0x80, s23, s23, $0xb8;
	[tilespmem:$0x1CC00] =	vst v63  }
.Ltmp3:
0xda: {  	_ = 	snop;
	(pc) =	sbr.rel @!p0 .LBB2_2-.Ltmp3, $4  }
.Ltmp4:
0xdb: {  	_ = 	snop;
	(pc) =	sbr.rel @p0 .LBB2_5-.Ltmp4, $4  }
0xdc: {  	[tilespmem:s20], [sflag:$0x4] =	stream.linear.gather [hbm4b:s0+s4], $0x400, $0x38;
	[tilespmem:$0x1CC00] =	vst v63  }
0xdd: {  	_ = 	snop  }
0xde: {  	[tilespmem:s21], [sflag:$0x4] =	stream.linear.gather [hbm4b:s31+s4], $0x400, $0x38;
	[tilespmem:$0x1CC00] =	vst v63  }
0xdf: {  	_ = 	snop  }
.LBB2_6:
0xe0: {  	_ =	sfence.sel $0x180000  }
0xe1: {  	[bflag:$0x0] =	sbarrier.arrive $0xFFFF  }
0xe2: {  	_ =	strace $0x9000004A  }
0xe3: {  	s0 =	stileid.u32;
	[bflag:$0x2] =	sbarrier.arrive $0xFFFF  }
0xe4: {  	p0 =	sne.s32 s0, $0x0;
	s0 =	rddreg [dreg:$0x4]  }
0xe5: {  	s0 =	sadd.s32 @!p0 $0x100000, s0  }
0xe6: {  	[sflag:s0] =	ssyncadd.tile.s32 @!p0 $0x1;
	_ =	shalt  }
.Lfunc_end2:
_tile_overlayer_lowered:
.L_overlay_start_2:
0xe7: {  	(tag) =	ssettag $0x2  }
0xe8: {  	s0 =	rddreg [dreg:$0x0];
	s2 =	stileid.u32  }
0xe9: {  	s1 =	rddreg [dreg:$0x1];
	p0 =	sne.s32 s2, $0x0  }
0xea: {  	s3 =	rddreg [dreg:$0x2];
	[bflag:$0x3] =	sbarrier.arrive $0xFFFF;
	s2 =	simm.s32 @!p0 $0x1C05  }
0xeb: {  	[timem:s3], [sflag:s2] =	dma.local @!p0 [hbm:s0], s1  }
0xec: {  	s0 =	simm.s32 @!p0 $0x5  }
0xed: {  	_ =	swait.ge @!p0 [sflag:s0], s1  }
0xee: {  	s1 =	ssub.s32 @!p0 $0x0, s1;
	[sflag:s0] =	ssyncset.done @!p0 $0x0  }
0xef: {  	[sflag:s0] =	ssyncadd.s32 @!p0 s1  }
0xf0: {  	[bflag:$0x3] =	sbarrier.arrive $0xFFFF  }
0xf1: {  	_ =	shalt  }

// kernel: kernel.14.cloned.1.call-start
scs
__scs_entry_jumppad:
0x0: {  	(pc) =	sbr.rel $0x88, $3  }
0x1: {  	(tag) =	ssettag $0x0;
	lr =	simm.s32 $0x1  }
0x2: {  	[smem:$0x3F8C] =	sst lr;
	_ =	strace $0xD0000000  }
0x3: {  	_ = 	snop  }
0x4: {  	_ = 	snop  }
0x5: {  	_ = 	snop  }
0x6: {  	_ = 	snop  }
0x7: {  	_ = 	snop  }
__scs_overlays_trampoline_lowered:
0x8: {  	[smem:$0x3F9B] =	sst s0  }
0x9: {  	[smem:$0x3F9C] =	sst s1  }
0xa: {  	[smem:$0x3F9D] =	sst s2  }
0xb: {  	[smem:$0x3F9E] =	sst s3  }
0xc: {  	[smem:$0x3F9F] =	sst s4  }
0xd: {  	[smem:$0x3FA0] =	sst s5  }
0xe: {  	[smem:$0x3FA1] =	sst s6  }
0xf: {  	[smem:$0x3FA2] =	sst s7  }
0x10: {  	[smem:$0x3FA3] =	sst s8  }
0x11: {  	[smem:$0x3FA4] =	sst s9;
	s0 =	simm.s32 @!p0 $0x0  }
0x12: {  	s1 =	sld [smem:$0x3F8A];
	s0 =	simm.s32 @p0 $0x1  }
0x13: {  	[smem:$0x3FA5] =	sst s0;
	s0 =	simm.s32 @!p1 $0x0  }
0x14: {  	s2 =	sld [smem:$0x3F89];
	s0 =	simm.s32 @p1 $0x1  }
0x15: {  	[smem:$0x3FA6] =	sst s0;
	s0 =	simm.s32 @!p2 $0x0  }
0x16: {  	s3 =	sld [smem:$0x3FDB];
	s0 =	simm.s32 @p2 $0x1  }
0x17: {  	s4 =	simm.s32 $0x1BF5;
	[smem:$0x3FA8] =	sst s0  }
0x18: {  	s0 =	sld [smem:$0x3F8B];
	_ =	swait.ge [sflag:s4], $0x0  }
0x19: {  	s7 =	sld [smem:$0x3F8C]  }
0x1a: {  	s8 =	sadd.s32 $0xFFFFE003, lr  }
0x1b: {  	s9 =	sadd.s32 $0xFFFFFEF7, lr;
	s5 =	simm.s32 $0xFFFFFFFF;
	p2 =	slt.u32 s8, $0xFFFFF086  }
0x1c: {  	p1 =	slt.u32 s9, $0xF7A;
	s5 =	simm.s32 @!p2 $0x0  }
0x1d: {  	s5 =	simm.s32 @p1 $0x1;
	p0 =	seq.s32 s7, s2  }
0x1e: {  	s7 =	smul.u32 @!p0 $0xF7A, s2;
	p2 =	seq.s32 @!p0 s5, $0x0  }
0x1f: {  	s9 =	smul.u32 $0xF7A, s1;
	s8 =	simm.s32 @!p0 $0x1BF5;
	p2 =	por !p2, p0  }
0x20: {  	[sflag:s8] =	ssyncset.s32 @!p0 $0xFFFFF086;
	s6 =	sadd.s32 @!p0 s3, s7;
	s7 =	simm.s32 @!p0 $0x108  }
0x21: {  	s3 =	sadd.s32 s3, s9;
	s6 =	sadd.s32 @!p0 $0x88, s6;
	s7 =	simm.s32 @p2 $0x1082  }
0x22: {  	[simem:s7], [sflag:s8] =	dma.local @!p0 [hbm:s6], $0xF7A  }
0x23: {  	s9 =	sor.u32 $0xD0000000, s2;
	s6 =	simm.s32 $0x108;
	_ =	swait.ge @!p0 [sflag:s8], $0x0  }
0x24: {  	s3 =	sadd.s32 $0x88, s3;
	s6 =	simm.s32 @!p1 $0x1082;
	[sflag:s4] =	ssyncset.s32 $0xFFFFF086  }
0x25: {  	[simem:s6], [sflag:s4] =	dma.local [hbm:s3], $0xF7A  }
0x26: {  	[smem:$0x3F8C] =	sst s1;
	(tag) =	ssettag s2;
	_ =	strace s9  }
0x27: {  	s1 =	sld [smem:$0x3F9C]  }
0x28: {  	s2 =	sld [smem:$0x3F9D]  }
0x29: {  	s4 =	sld [smem:$0x3F9F]  }
0x2a: {  	p0 =	seq.s32 s5, $0x0;
	s5 =	sld [smem:$0x3FA0]  }
0x2b: {  	s6 =	sld [smem:$0x3FA1]  }
0x2c: {  	s7 =	sld [smem:$0x3FA2]  }
0x2d: {  	s3 =	simm.s32 $0x108;
	s8 =	sld [smem:$0x3FA3]  }
0x2e: {  	s3 =	simm.s32 @!p0 $0x1082;
	s9 =	sld [smem:$0x3FA4]  }
0x2f: {  	lr =	sadd.s32 s0, s3;
	s0 =	sld [smem:$0x3F9B]  }
0x30: {  	s3 =	sld [smem:$0x3F9E]  }
0x31: {  	[smem:$0x3FA7] =	sst s10  }
0x32: {  	s10 =	sld [smem:$0x3FA5];
	_ =	sdelay $0x3  }
0x33: {  	p0 =	seq.s32 s10, $0x1;
	s10 =	sld [smem:$0x3FA7];
	_ =	sdelay $0x3  }
0x34: {  	[smem:$0x3FA7] =	sst s10  }
0x35: {  	s10 =	sld [smem:$0x3FA6];
	_ =	sdelay $0x3  }
0x36: {  	p1 =	seq.s32 s10, $0x1;
	s10 =	sld [smem:$0x3FA7];
	_ =	sdelay $0x3  }
0x37: {  	[smem:$0x3FA7] =	sst s10  }
0x38: {  	s10 =	sld [smem:$0x3FA8]  }
0x39: {  	_ = 	snop;
	(pc) =	sbr.ind lr, $3  }
0x3a: {  	_ = 	snop  }
0x3b: {  	_ = 	snop  }
0x3c: {  	p2 =	seq.s32 s10, $0x1;
	s10 =	sld [smem:$0x3FA7]  }
0x3d: {  	_ =	shalt  }
0x3e: {  	_ =	shalt  }
0x3f: {  	_ =	shalt  }
0x40: {  	_ =	shalt  }
0x41: {  	_ =	shalt  }
0x42: {  	_ =	shalt  }
0x43: {  	_ =	shalt  }
0x44: {  	_ =	shalt  }
0x45: {  	_ =	shalt  }
0x46: {  	_ =	shalt  }
0x47: {  	_ =	shalt  }
0x48: {  	_ =	shalt  }
0x49: {  	_ =	shalt  }
0x4a: {  	_ =	shalt  }
0x4b: {  	_ =	shalt  }
0x4c: {  	_ =	shalt  }
0x4d: {  	_ =	shalt  }
0x4e: {  	_ =	shalt  }
0x4f: {  	_ =	shalt  }
0x50: {  	_ =	shalt  }
0x51: {  	_ =	shalt  }
0x52: {  	_ =	shalt  }
0x53: {  	_ =	shalt  }
0x54: {  	_ =	shalt  }
0x55: {  	_ =	shalt  }
0x56: {  	_ =	shalt  }
0x57: {  	_ =	shalt  }
0x58: {  	_ =	shalt  }
0x59: {  	_ =	shalt  }
0x5a: {  	_ =	shalt  }
0x5b: {  	_ =	shalt  }
0x5c: {  	_ =	shalt  }
0x5d: {  	_ =	shalt  }
0x5e: {  	_ =	shalt  }
0x5f: {  	_ =	shalt  }
0x60: {  	_ =	shalt  }
0x61: {  	_ =	shalt  }
0x62: {  	_ =	shalt  }
0x63: {  	_ =	shalt  }
0x64: {  	_ =	shalt  }
0x65: {  	_ =	shalt  }
0x66: {  	_ =	shalt  }
0x67: {  	_ =	shalt  }
0x68: {  	_ =	shalt  }
0x69: {  	_ =	shalt  }
0x6a: {  	_ =	shalt  }
0x6b: {  	_ =	shalt  }
0x6c: {  	_ =	shalt  }
0x6d: {  	_ =	shalt  }
0x6e: {  	_ =	shalt  }
0x6f: {  	_ =	shalt  }
0x70: {  	_ =	shalt  }
0x71: {  	_ =	shalt  }
0x72: {  	_ =	shalt  }
0x73: {  	_ =	shalt  }
0x74: {  	_ =	shalt  }
0x75: {  	_ =	shalt  }
0x76: {  	_ =	shalt  }
0x77: {  	_ =	shalt  }
0x78: {  	_ =	shalt  }
0x79: {  	_ =	shalt  }
0x7a: {  	_ =	shalt  }
0x7b: {  	_ =	shalt  }
0x7c: {  	_ =	shalt  }
0x7d: {  	_ =	shalt  }
0x7e: {  	_ =	shalt  }
0x7f: {  	_ =	shalt  }
0x80: {  	_ =	shalt  }
0x81: {  	_ =	shalt  }
0x82: {  	_ =	shalt  }
0x83: {  	_ =	shalt  }
0x84: {  	_ =	shalt  }
0x85: {  	_ =	shalt  }
0x86: {  	_ =	shalt  }
0x87: {  	_ =	shalt  }
.Lfunc_end0:
.L_simem_size_0:
called_computation.2_lowered:
.L_overlay_start_0:
0x88: {  	s2 =	sld [smem:$0x3FD9]  }
0x89: {  	s3 =	sld [smem:$0x3FFE];
	_ =	sdelay $0x1  }
0x8a: {  	s1 =	srdreg.scid  }
0x8b: {  	s0 =	sand.u32 $0x1, s1  }
0x8c: {  	s14 =	sshll.u32 s0, $0xA;
	s2 =	sadd.s32 s3, s2  }
0x8d: {  	s2 =	sadd.s32 s2, s14  }
0x8e: {  	[smem:$0x3FB3] =	sst s2  }
0x8f: {  	_ = 	snop  }
0x90: {  	s2 =	sld [smem:$0x3FD0];
	_ =	sdelay $0x2  }
0x91: {  	s15 =	simm.s32 $0xA;
	s4 =	simm.s32 $0x10  }
0x92: {  	[smem:s4], [sflag:s15] =	dma.local [hbm:s2], $0x1  }
0x93: {  	_ =	swait.eq [sflag:s15], $0x1  }
0x94: {  	[sflag:s15] =	ssyncset.done $0x0  }
0x95: {  	s16 =	sld [smem:$0x11];
	[sflag:s15] =	ssyncadd.s32 $0xFFFFFFFF  }
0x96: {  	s17 =	sld [smem:$0x12];
	(tm) =	ssettm $0x1  }
0x97: {  	s18 =	sld [smem:$0x3FFB];
	_ =	sdelay $0x3  }
0x98: {  	_ =	strace s18  }
0x99: {  	s4 =	sld [smem:$0x3FFC];
	_ =	sdelay $0x3  }
0x9a: {  	_ =	strace s4  }
0x9b: {  	s4 =	sld [smem:$0x3FFD];
	_ =	sdelay $0x3  }
0x9c: {  	_ =	strace s4  }
0x9d: {  	_ =	strace $0x8FFFFFFF  }
0x9e: {  	s19 =	sld [smem:$0x3FDB];
	_ =	sdelay $0x1  }
0x9f: {  	s5 =	simm.s32 $_scs_section_size  }
0xa0: {  	s6 =	simm.s32 $_size__tile_overlayer_lowered;
	s7 =	simm.s32 $_tile_overlayer_lowered  }
0xa1: {  	s22 =	simm.s32 $0x1BFF;
	s21 =	sshll.u32 s7, $0x1;
	s4 =	sadd.s32 s5, s19  }
0xa2: {  	s8 =	simm.s32 $0x0;
	s20 =	sshll.u32 s6, $0x1;
	s6 =	sadd.s32 s21, s4  }
0xa3: {  	[timem:s8], [sflag:s22] =	dma.local [hbm:s6], s20  }
0xa4: {  	_ =	swait.ge [sflag:s22], s20  }
0xa5: {  	s5 =	ssub.s32 $0x0, s20;
	[sflag:s22] =	ssyncset.done $0x0  }
0xa6: {  	[sflag:s22] =	ssyncadd.s32 s5;
	_ =	sdelay $0x1  }
0xa7: {  	s23 =	simm.s32 $0x1B8B  }
0xa8: {  	_ =	swait.ge [sflag:s23], $0x1  }
0xa9: {  	[sflag:s23] =	ssyncset.done $0x0  }
0xaa: {  	s25 =	simm.s32 $0x1B8E;
	s24 =	sld [smem:$0x3FFE];
	[sflag:s23] =	ssyncadd.s32 $0xFFFFFFFF  }
0xab: {  	s26 =	simm.s32 $execute0_lowered;
	[smem:$0x3FD2] =	sst s25  }
0xac: {  	s6 =	sshll.u32 s26, $0x1;
	_ =	strace $0x8000004C;
	[dreg:$0x1] =	wrdreg $0xFFFFFFFF  }
0xad: {  	s28 =	simm.s32 $_size_execute0_lowered;
	s4 =	sadd.s32 s4, s6;
	[dreg:$0x0] =	wrdreg $0x0  }
0xae: {  	s6 =	sshll.u32 s28, $0x1;
	[dreg:$0x2] =	wrdreg s4  }
0xaf: {  	[dreg:$0x3] =	wrdreg s6  }
0xb0: {  	[dreg:$0x4] =	wrdreg $0xC0  }
0xb1: {  	_ =	task [dreg:s8], $0x5FFFF  }
0xb2: {  	[dreg:$0x1] =	wrdreg $0xFFFFFFFF  }
0xb3: {  	[dreg:$0x0] =	wrdreg $0x60  }
0xb4: {  	[dreg:$0x2] =	wrdreg s17  }
0xb5: {  	[dreg:$0x3] =	wrdreg s24  }
0xb6: {  	[dreg:$0x4] =	wrdreg s16  }
0xb7: {  	[dreg:$0x5] =	wrdreg $0x9  }
0xb8: {  	_ =	task.clear_ibuf [dreg:s8], $0x6FFFF;
	_ =	strace $0x9000004C  }
0xb9: {  	s29 =	simm.s32 $0x9;
	_ =	strace $0x8000004E  }
0xba: {  	_ =	swait.ge [sflag:s29], $0x1  }
0xbb: {  	[sflag:s29] =	ssyncadd.s32 $0xFFFFFFFF  }
0xbc: {  	_ =	strace $0x9000004E  }
0xbd: {  	_ =	sfence  }
0xbe: {  	s30 =	sld [smem:$0x0];
	_ =	sdelay $0x2  }
0xbf: {  	s31 =	sshll.u32 s1, $0xD;
	s1 =	sshrl.u32 s1, $0x2  }
0xc0: {  	s3 =	sand.u32 $0x4000, s31;
	s1 =	sadd.s32 s1, s30  }
0xc1: {  	s0 =	sor.u32 s3, s0;
	s1 =	sshll.u32 s1, $0x11  }
0xc2: {  	s0 =	sor.u32 s1, s0  }
0xc3: {  	s0 =	sadd.s32 $0x8F2B, s0  }
0xc4: {  	[sflag:s0] =	ssyncadd.remote.s32 $0x1  }
0xc5: {  	_ =	sfence.sel $0xFFFF  }
0xc6: {  	[dreg:$0x0] =	wrdreg $0xFFFFFFFF;
	(pc) =	sbr.abs _section_cstart, $3  }
0xc7: {  	[dreg:$0x1] =	wrdreg $0xFFFFFFFF  }
0xc8: {  	_ =	task.clear_ibuf [dreg:s8], $0x2FFFF;
	_ =	strace $0x9FFFFFFF  }
0xc9: {  	(tm) =	ssettm $0x7FFFFFFF  }
tec
execute0_lowered:
.L_overlay_start_1:
0x0: {  	(tag) =	ssettag $0x1  }
0x1: {  	s1 =	rddreg [dreg:$0x0]  }
0x2: {  	s4 =	rddreg [dreg:$0x1];
	s2 =	srdreg.scid  }
0x3: {  	s0 =	stileid.u32;
	s10 =	rddreg [dreg:$0x2];
	s3 =	simm.s32 $0x0  }
0x4: {  	s13 =	simm.s32 $0x3;
	s14 =	simm.s32 $0x1880;
	s15 =	simm.s32 $0x5880  }
0x5: {  	s16 =	simm.s32 $0x1;
	s17 =	simm.s32 $0x400;
	s18 =	simm.s32 $0x800  }
0x6: {  	s19 =	simm.s32 $0x2;
	s21 =	simm.s32 $0x0;
	s6 =	smul.u32 $0x3100, s0  }
0x7: {  	s5 =	sand.u32 $0x1, s2;
	s2 =	rddreg [dreg:$0x3];
	s12 =	smul.u32 $0x31000, s0  }
0x8: {  	[smem:$0x7FF] =	sst s3;
	s7 =	smul.u32 $0x1880, s0;
	p0 =	sne.s32 s0, $0xF  }
0x9: {  	s11 =	sshll.u32 s5, $0x7;
	_ =	strace $0x8000004D;
	s5 =	ssub.s32 $0x2, s5  }
0xa: {  	s6 =	sor.u32 s11, s6;
	s8 =	sadd.s32 s10, s11;
	s31 =	sshrl.u32 s5, $0x1  }
0xb: {  	s20 =	sadd.s32 $0xFFFE91DF, s7;
	s10 =	sadd.s32 s12, s10;
	s6 =	sshrl.u32 s6, $0x3  }
0xc: {  	s9 =	sadd.s32 s8, s12;
	s8 =	sadd.s32 $0x30D000, s8;
	s10 =	sadd.s32 s11, s10  }
0xd: {  	s11 =	simm.s32 $0x80;
	s12 =	simm.s32 $0x100;
	p1 =	sgt.u32 @p0 s20, $0x7E  }
0xe: {  	s20 =	simm.s32 $0x1800;
	s4 =	sadd.s32 s6, s4;
	s6 =	ssub.s32 s5, s31  }
0xf: {  	s5 =	sadd.s32 $0x30000, s9;
	s7 =	sadd.s32 $0x2E000, s9;
	s9 =	sadd.s32 $0x2F000, s9  }
0x10: {  	p1 =	por p1, !p0;
	s4 =	sadd.s32 $0x5CC00, s4;
	s6 =	smax.u32 s6, $0x1  }
.LBB2_1:
0x11: {  	[tilespmem:s3], [sflag:$0x3] =	stream.strided.gather [hbm4b:s4+s11], $0x1880, s12, s11, $0x38;
	[tilespmem:$0x9880] =	vst v63  }
0x12: {  	_ =	swait.ge [sflag:s13], $0x1880  }
0x13: {  	[sflag:s13] =	ssyncset.done $0x0  }
0x14: {  	[sflag:s13] =	ssyncadd.s32 $0xFFFFE780  }
0x15: {  	[tilespmem:s14], [sflag:$0x1] =	stream.indirect.gather [hbm4b:s1+s11], $0x80, s3, s11, $0xb8;
	[tilespmem:$0x9880] =	vst v63  }
0x16: {  	_ = 	snop  }
0x17: {  	[tilespmem:s15], [sflag:$0x2] =	stream.indirect.gather [hbm4b:s1+s11], $0x80, s11, s11, $0xb8;
	[tilespmem:$0x9880] =	vst v63  }
0x18: {  	_ =	swait.ge [sflag:s16], $0x4000  }
0x19: {  	[sflag:s16] =	ssyncset.done $0x0  }
0x1a: {  	s22 =	sadd.s32 $0x0, s10;
	[sflag:s16] =	ssyncadd.s32 $0xFFFFC000  }
0x1b: {  	[hbm4b:s22+s17] =	stream.strided.scatter [tilespmem:s14], [sflag:$0x3], $0x4000, s18, s17, $0x38;
	[tilespmem:$0x9880] =	vst v63  }
0x1c: {  	_ =	swait.ge [sflag:s13], $0x4000  }
0x1d: {  	[sflag:s13] =	ssyncset.done $0x0  }
0x1e: {  	s23 =	simm.s32 $0x100;
	[sflag:s13] =	ssyncadd.s32 $0xFFFFC000  }
0x1f: {  	[tilespmem:s14], [sflag:$0x1] =	stream.indirect.gather [hbm4b:s1+s11], $0x80, s23, s11, $0xb8;
	[tilespmem:$0x9880] =	vst v63  }
0x20: {  	_ =	swait.ge [sflag:s19], $0x4000  }
0x21: {  	[sflag:s19] =	ssyncset.done $0x0  }
0x22: {  	s22 =	sadd.s32 $0x1000, s22;
	[sflag:s19] =	ssyncadd.s32 $0xFFFFC000  }
0x23: {  	[hbm4b:s22+s17] =	stream.strided.scatter [tilespmem:s15], [sflag:$0x3], $0x4000, s18, s17, $0x38;
	[tilespmem:$0x9880] =	vst v63  }
0x24: {  	_ =	swait.ge [sflag:s13], $0x4000  }
0x25: {  	s24 =	simm.s32 $0x280;
	[sflag:s13] =	ssyncset.done $0x0  }
0x26: {  	s23 =	simm.s32 $0x2000;
	s22 =	simm.s32 $0x180;
	[sflag:s13] =	ssyncadd.s32 $0xFFFFC000  }
.LBB2_2:
0x27: {  	[tilespmem:s15], [sflag:$0x2] =	stream.indirect.gather [hbm4b:s1+s11], $0x80, s22, s11, $0xb8;
	[tilespmem:$0x9880] =	vst v63  }
0x28: {  	s25 =	smov.u32 s23;
	s22 =	smov.u32 s24  }
0x29: {  	p2 =	sne.s32 s23, $0x2C000;
	s23 =	sadd.s32 $0x2000, s23;
	_ =	swait.ge [sflag:s16], $0x4000  }
0x2a: {  	[sflag:s16] =	ssyncset.done $0x0  }
0x2b: {  	s25 =	sadd.s32 s25, s10;
	[sflag:s16] =	ssyncadd.s32 $0xFFFFC000  }
0x2c: {  	[hbm4b:s25+s17] =	stream.strided.scatter [tilespmem:s14], [sflag:$0x3], $0x4000, s18, s17, $0x38;
	[tilespmem:$0x9880] =	vst v63  }
0x2d: {  	_ =	swait.ge [sflag:s13], $0x4000  }
0x2e: {  	[sflag:s13] =	ssyncset.done $0x0  }
0x2f: {  	s26 =	sadd.s32 $0xFFFFFF80, s24;
	[sflag:s13] =	ssyncadd.s32 $0xFFFFC000  }
0x30: {  	[tilespmem:s14], [sflag:$0x1] =	stream.indirect.gather [hbm4b:s1+s11], $0x80, s26, s11, $0xb8;
	[tilespmem:$0x9880] =	vst v63  }
0x31: {  	_ =	swait.ge [sflag:s19], $0x4000  }
0x32: {  	[sflag:s19] =	ssyncset.done $0x0  }
.Ltmp0:
0x33: {  	s25 =	sadd.s32 $0x1000, s25;
	[sflag:s19] =	ssyncadd.s32 $0xFFFFC000;
	(pc) =	sbr.rel @p2 .LBB2_2-.Ltmp0, $4  }
0x34: {  	[hbm4b:s25+s17] =	stream.strided.scatter [tilespmem:s15], [sflag:$0x3], $0x4000, s18, s17, $0x38;
	[tilespmem:$0x9880] =	vst v63  }
0x35: {  	_ =	swait.ge [sflag:s13], $0x4000  }
0x36: {  	[sflag:s13] =	ssyncset.done $0x0  }
0x37: {  	s24 =	sadd.s32 $0x100, s24;
	[sflag:s13] =	ssyncadd.s32 $0xFFFFC000  }
0x38: {  	[tilespmem:s15], [sflag:$0x2] =	stream.indirect.gather [hbm4b:s1+s11], $0x80, s22, s11, $0xb8;
	[tilespmem:$0x9880] =	vst v63  }
0x39: {  	_ =	swait.ge [sflag:s16], $0x4000  }
0x3a: {  	s22 =	simm.s32 @p0 $0x400;
	s23 =	simm.s32 @p0 $0x800;
	[sflag:s16] =	ssyncset.done $0x0  }
0x3b: {  	s24 =	simm.s32 @p0 $0x1880;
	s25 =	simm.s32 @p0 $0x3;
	[sflag:s16] =	ssyncadd.s32 $0xFFFFC000  }
0x3c: {  	[hbm4b:s7+s22] =	stream.strided.scatter @p0 [tilespmem:s24], [sflag:$0x3], $0x4000, s23, s22, $0x38;
	[tilespmem:$0x9880] =	vst v63  }
0x3d: {  	_ =	swait.ge @p0 [sflag:s25], $0x4000  }
0x3e: {  	s26 =	simm.s32 @!p0 $0x400;
	[sflag:s25] =	ssyncset.done @p0 $0x0  }
0x3f: {  	s28 =	simm.s32 @!p0 $0x800;
	s29 =	simm.s32 @!p0 $0x1880;
	[sflag:s25] =	ssyncadd.s32 @p0 $0xFFFFC000  }
0x40: {  	[hbm4b:s8+s26] =	stream.strided.scatter @!p0 [tilespmem:s29], [sflag:$0x3], $0x1000, s28, s26, $0x38;
	[tilespmem:$0x9880] =	vst v63  }
0x41: {  	s26 =	simm.s32 @!p0 $0x3  }
0x42: {  	_ =	swait.ge @!p0 [sflag:s26], $0x1000  }
0x43: {  	[sflag:s26] =	ssyncset.done @!p0 $0x0  }
0x44: {  	[sflag:s26] =	ssyncadd.s32 @!p0 $0xFFFFF000  }
0x45: {  	[tilespmem:s14], [sflag:$0x1] =	stream.indirect.gather [hbm4b:s1+s11], $0x80, s20, s11, $0xb8;
	[tilespmem:$0x9880] =	vst v63  }
0x46: {  	_ =	swait.ge [sflag:s19], $0x4000  }
0x47: {  	[sflag:s19] =	ssyncset.done $0x0  }
0x48: {  	s26 =	simm.s32 @p0 $0x5880;
	[sflag:s19] =	ssyncadd.s32 $0xFFFFC000  }
0x49: {  	[hbm4b:s9+s22] =	stream.strided.scatter @p0 [tilespmem:s26], [sflag:$0x3], $0x4000, s23, s22, $0x38;
	[tilespmem:$0x9880] =	vst v63  }
0x4a: {  	_ =	swait.ge @p0 [sflag:s25], $0x4000  }
0x4b: {  	[sflag:s25] =	ssyncset.done @p0 $0x0  }
0x4c: {  	s26 =	simm.s32 @p0 $0x1;
	[sflag:s25] =	ssyncadd.s32 @p0 $0xFFFFC000  }
0x4d: {  	_ =	swait.ge @p0 [sflag:s26], $0x4000  }
0x4e: {  	[sflag:s26] =	ssyncset.done @p0 $0x0  }
0x4f: {  	[sflag:s26] =	ssyncadd.s32 @p0 $0xFFFFC000  }
0x50: {  	[hbm4b:s5+s22] =	stream.strided.scatter @p0 [tilespmem:s24], [sflag:$0x3], $0x4000, s23, s22, $0x38;
	[tilespmem:$0x9880] =	vst v63  }
0x51: {  	_ =	swait.ge @p0 [sflag:s25], $0x4000  }
0x52: {  	s22 =	simm.s32 @!p1 $0x400;
	[sflag:s25] =	ssyncset.done @p0 $0x0  }
0x53: {  	s23 =	simm.s32 @!p1 $0x800;
	s24 =	simm.s32 @!p1 $0x1880;
	[sflag:s25] =	ssyncadd.s32 @p0 $0xFFFFC000  }
0x54: {  	[hbm4b:s5+s22] =	stream.strided.scatter @!p1 [tilespmem:s24], [sflag:$0x3], $0x1000, s23, s22, $0x38;
	[tilespmem:$0x9880] =	vst v63  }
0x55: {  	s21 =	sadd.s32 $0x1, s21;
	s22 =	simm.s32 @!p1 $0x3  }
0x56: {  	p2 =	sne.s32 s21, s6;
	_ =	swait.ge @!p1 [sflag:s22], $0x1000  }
.Ltmp1:
0x57: {  	[sflag:s22] =	ssyncset.done @!p1 $0x0;
	(pc) =	sbr.rel @p2 .LBB2_1-.Ltmp1, $4  }
0x58: {  	[sflag:s22] =	ssyncadd.s32 @!p1 $0xFFFFF000;
	s22 =	simm.s32 @!p0 $0x1  }
0x59: {  	_ =	swait.ge @!p0 [sflag:s22], $0x4000  }
0x5a: {  	[sflag:s22] =	ssyncset.done @!p0 $0x0  }
0x5b: {  	[sflag:s22] =	ssyncadd.s32 @!p0 $0xFFFFC000  }
0x5c: {  	_ =	sfence.sel $0x180000  }
0x5d: {  	[bflag:$0x0] =	sbarrier.arrive $0xFFFF  }
0x5e: {  	p0 =	sne.s32 s0, $0x0;
	_ =	strace $0x9000004D  }
0x5f: {  	s0 =	sadd.s32 @!p0 $0x100000, s2;
	[bflag:$0x2] =	sbarrier.arrive $0xFFFF  }
0x60: {  	[sflag:s0] =	ssyncadd.tile.s32 @!p0 $0x1;
	_ =	shalt  }
.Lfunc_end2:
_tile_overlayer_lowered:
.L_overlay_start_2:
0x61: {  	(tag) =	ssettag $0x2  }
0x62: {  	s0 =	rddreg [dreg:$0x0];
	s2 =	stileid.u32  }
0x63: {  	s1 =	rddreg [dreg:$0x1];
	p0 =	sne.s32 s2, $0x0  }
0x64: {  	s3 =	rddreg [dreg:$0x2];
	[bflag:$0x3] =	sbarrier.arrive $0xFFFF;
	s2 =	simm.s32 @!p0 $0x1C03  }
0x65: {  	[timem:s3], [sflag:s2] =	dma.local @!p0 [hbm:s0], s1  }
0x66: {  	s0 =	simm.s32 @!p0 $0x3  }
0x67: {  	_ =	swait.ge @!p0 [sflag:s0], s1  }
0x68: {  	s1 =	ssub.s32 @!p0 $0x0, s1;
	[sflag:s0] =	ssyncset.done @!p0 $0x0  }
0x69: {  	[sflag:s0] =	ssyncadd.s32 @!p0 s1  }
0x6a: {  	[bflag:$0x3] =	sbarrier.arrive $0xFFFF  }
0x6b: {  	_ =	shalt  }

// kernel: kernel.8.cloned.1.call-start
scs
__scs_entry_jumppad:
0x0: {  	(pc) =	sbr.rel $0x88, $3  }
0x1: {  	(tag) =	ssettag $0x0;
	lr =	simm.s32 $0x1  }
0x2: {  	[smem:$0x3F8C] =	sst lr;
	_ =	strace $0xD0000000  }
0x3: {  	_ = 	snop  }
0x4: {  	_ = 	snop  }
0x5: {  	_ = 	snop  }
0x6: {  	_ = 	snop  }
0x7: {  	_ = 	snop  }
__scs_overlays_trampoline_lowered:
0x8: {  	[smem:$0x3F9B] =	sst s0  }
0x9: {  	[smem:$0x3F9C] =	sst s1  }
0xa: {  	[smem:$0x3F9D] =	sst s2  }
0xb: {  	[smem:$0x3F9E] =	sst s3  }
0xc: {  	[smem:$0x3F9F] =	sst s4  }
0xd: {  	[smem:$0x3FA0] =	sst s5  }
0xe: {  	[smem:$0x3FA1] =	sst s6  }
0xf: {  	[smem:$0x3FA2] =	sst s7  }
0x10: {  	[smem:$0x3FA3] =	sst s8  }
0x11: {  	[smem:$0x3FA4] =	sst s9;
	s0 =	simm.s32 @!p0 $0x0  }
0x12: {  	s1 =	sld [smem:$0x3F8A];
	s0 =	simm.s32 @p0 $0x1  }
0x13: {  	[smem:$0x3FA5] =	sst s0;
	s0 =	simm.s32 @!p1 $0x0  }
0x14: {  	s2 =	sld [smem:$0x3F89];
	s0 =	simm.s32 @p1 $0x1  }
0x15: {  	[smem:$0x3FA6] =	sst s0;
	s0 =	simm.s32 @!p2 $0x0  }
0x16: {  	s3 =	sld [smem:$0x3FDB];
	s0 =	simm.s32 @p2 $0x1  }
0x17: {  	s4 =	simm.s32 $0x1BF5;
	[smem:$0x3FA8] =	sst s0  }
0x18: {  	s0 =	sld [smem:$0x3F8B];
	_ =	swait.ge [sflag:s4], $0x0  }
0x19: {  	s7 =	sld [smem:$0x3F8C]  }
0x1a: {  	s8 =	sadd.s32 $0xFFFFE003, lr  }
0x1b: {  	s9 =	sadd.s32 $0xFFFFFEF7, lr;
	s5 =	simm.s32 $0xFFFFFFFF;
	p2 =	slt.u32 s8, $0xFFFFF086  }
0x1c: {  	p1 =	slt.u32 s9, $0xF7A;
	s5 =	simm.s32 @!p2 $0x0  }
0x1d: {  	s5 =	simm.s32 @p1 $0x1;
	p0 =	seq.s32 s7, s2  }
0x1e: {  	s7 =	smul.u32 @!p0 $0xF7A, s2;
	p2 =	seq.s32 @!p0 s5, $0x0  }
0x1f: {  	s9 =	smul.u32 $0xF7A, s1;
	s8 =	simm.s32 @!p0 $0x1BF5;
	p2 =	por !p2, p0  }
0x20: {  	[sflag:s8] =	ssyncset.s32 @!p0 $0xFFFFF086;
	s6 =	sadd.s32 @!p0 s3, s7;
	s7 =	simm.s32 @!p0 $0x108  }
0x21: {  	s3 =	sadd.s32 s3, s9;
	s6 =	sadd.s32 @!p0 $0x88, s6;
	s7 =	simm.s32 @p2 $0x1082  }
0x22: {  	[simem:s7], [sflag:s8] =	dma.local @!p0 [hbm:s6], $0xF7A  }
0x23: {  	s9 =	sor.u32 $0xD0000000, s2;
	s6 =	simm.s32 $0x108;
	_ =	swait.ge @!p0 [sflag:s8], $0x0  }
0x24: {  	s3 =	sadd.s32 $0x88, s3;
	s6 =	simm.s32 @!p1 $0x1082;
	[sflag:s4] =	ssyncset.s32 $0xFFFFF086  }
0x25: {  	[simem:s6], [sflag:s4] =	dma.local [hbm:s3], $0xF7A  }
0x26: {  	[smem:$0x3F8C] =	sst s1;
	(tag) =	ssettag s2;
	_ =	strace s9  }
0x27: {  	s1 =	sld [smem:$0x3F9C]  }
0x28: {  	s2 =	sld [smem:$0x3F9D]  }
0x29: {  	s4 =	sld [smem:$0x3F9F]  }
0x2a: {  	p0 =	seq.s32 s5, $0x0;
	s5 =	sld [smem:$0x3FA0]  }
0x2b: {  	s6 =	sld [smem:$0x3FA1]  }
0x2c: {  	s7 =	sld [smem:$0x3FA2]  }
0x2d: {  	s3 =	simm.s32 $0x108;
	s8 =	sld [smem:$0x3FA3]  }
0x2e: {  	s3 =	simm.s32 @!p0 $0x1082;
	s9 =	sld [smem:$0x3FA4]  }
0x2f: {  	lr =	sadd.s32 s0, s3;
	s0 =	sld [smem:$0x3F9B]  }
0x30: {  	s3 =	sld [smem:$0x3F9E]  }
0x31: {  	[smem:$0x3FA7] =	sst s10  }
0x32: {  	s10 =	sld [smem:$0x3FA5];
	_ =	sdelay $0x3  }
0x33: {  	p0 =	seq.s32 s10, $0x1;
	s10 =	sld [smem:$0x3FA7];
	_ =	sdelay $0x3  }
0x34: {  	[smem:$0x3FA7] =	sst s10  }
0x35: {  	s10 =	sld [smem:$0x3FA6];
	_ =	sdelay $0x3  }
0x36: {  	p1 =	seq.s32 s10, $0x1;
	s10 =	sld [smem:$0x3FA7];
	_ =	sdelay $0x3  }
0x37: {  	[smem:$0x3FA7] =	sst s10  }
0x38: {  	s10 =	sld [smem:$0x3FA8]  }
0x39: {  	_ = 	snop;
	(pc) =	sbr.ind lr, $3  }
0x3a: {  	_ = 	snop  }
0x3b: {  	_ = 	snop  }
0x3c: {  	p2 =	seq.s32 s10, $0x1;
	s10 =	sld [smem:$0x3FA7]  }
0x3d: {  	_ =	shalt  }
0x3e: {  	_ =	shalt  }
0x3f: {  	_ =	shalt  }
0x40: {  	_ =	shalt  }
0x41: {  	_ =	shalt  }
0x42: {  	_ =	shalt  }
0x43: {  	_ =	shalt  }
0x44: {  	_ =	shalt  }
0x45: {  	_ =	shalt  }
0x46: {  	_ =	shalt  }
0x47: {  	_ =	shalt  }
0x48: {  	_ =	shalt  }
0x49: {  	_ =	shalt  }
0x4a: {  	_ =	shalt  }
0x4b: {  	_ =	shalt  }
0x4c: {  	_ =	shalt  }
0x4d: {  	_ =	shalt  }
0x4e: {  	_ =	shalt  }
0x4f: {  	_ =	shalt  }
0x50: {  	_ =	shalt  }
0x51: {  	_ =	shalt  }
0x52: {  	_ =	shalt  }
0x53: {  	_ =	shalt  }
0x54: {  	_ =	shalt  }
0x55: {  	_ =	shalt  }
0x56: {  	_ =	shalt  }
0x57: {  	_ =	shalt  }
0x58: {  	_ =	shalt  }
0x59: {  	_ =	shalt  }
0x5a: {  	_ =	shalt  }
0x5b: {  	_ =	shalt  }
0x5c: {  	_ =	shalt  }
0x5d: {  	_ =	shalt  }
0x5e: {  	_ =	shalt  }
0x5f: {  	_ =	shalt  }
0x60: {  	_ =	shalt  }
0x61: {  	_ =	shalt  }
0x62: {  	_ =	shalt  }
0x63: {  	_ =	shalt  }
0x64: {  	_ =	shalt  }
0x65: {  	_ =	shalt  }
0x66: {  	_ =	shalt  }
0x67: {  	_ =	shalt  }
0x68: {  	_ =	shalt  }
0x69: {  	_ =	shalt  }
0x6a: {  	_ =	shalt  }
0x6b: {  	_ =	shalt  }
0x6c: {  	_ =	shalt  }
0x6d: {  	_ =	shalt  }
0x6e: {  	_ =	shalt  }
0x6f: {  	_ =	shalt  }
0x70: {  	_ =	shalt  }
0x71: {  	_ =	shalt  }
0x72: {  	_ =	shalt  }
0x73: {  	_ =	shalt  }
0x74: {  	_ =	shalt  }
0x75: {  	_ =	shalt  }
0x76: {  	_ =	shalt  }
0x77: {  	_ =	shalt  }
0x78: {  	_ =	shalt  }
0x79: {  	_ =	shalt  }
0x7a: {  	_ =	shalt  }
0x7b: {  	_ =	shalt  }
0x7c: {  	_ =	shalt  }
0x7d: {  	_ =	shalt  }
0x7e: {  	_ =	shalt  }
0x7f: {  	_ =	shalt  }
0x80: {  	_ =	shalt  }
0x81: {  	_ =	shalt  }
0x82: {  	_ =	shalt  }
0x83: {  	_ =	shalt  }
0x84: {  	_ =	shalt  }
0x85: {  	_ =	shalt  }
0x86: {  	_ =	shalt  }
0x87: {  	_ =	shalt  }
.Lfunc_end0:
.L_simem_size_0:
called_computation_lowered:
.L_overlay_start_0:
0x88: {  	s2 =	sld [smem:$0x3FD9]  }
0x89: {  	s3 =	sld [smem:$0x3FFE];
	_ =	sdelay $0x1  }
0x8a: {  	s1 =	srdreg.scid  }
0x8b: {  	s0 =	sand.u32 $0x1, s1  }
0x8c: {  	s14 =	sshll.u32 s0, $0xA;
	s2 =	sadd.s32 s3, s2  }
0x8d: {  	s2 =	sadd.s32 s2, s14  }
0x8e: {  	[smem:$0x3FB3] =	sst s2  }
0x8f: {  	_ = 	snop  }
0x90: {  	s2 =	sld [smem:$0x3FD0];
	_ =	sdelay $0x2  }
0x91: {  	s15 =	simm.s32 $0xA;
	s4 =	simm.s32 $0x10  }
0x92: {  	[smem:s4], [sflag:s15] =	dma.local [hbm:s2], $0x1  }
0x93: {  	_ =	swait.eq [sflag:s15], $0x1  }
0x94: {  	[sflag:s15] =	ssyncset.done $0x0  }
0x95: {  	s16 =	sld [smem:$0x11];
	[sflag:s15] =	ssyncadd.s32 $0xFFFFFFFF  }
0x96: {  	s17 =	sld [smem:$0x12];
	(tm) =	ssettm $0x1  }
0x97: {  	s18 =	sld [smem:$0x3FFB];
	_ =	sdelay $0x3  }
0x98: {  	_ =	strace s18  }
0x99: {  	s4 =	sld [smem:$0x3FFC];
	_ =	sdelay $0x3  }
0x9a: {  	_ =	strace s4  }
0x9b: {  	s4 =	sld [smem:$0x3FFD];
	_ =	sdelay $0x3  }
0x9c: {  	_ =	strace s4  }
0x9d: {  	_ =	strace $0x8FFFFFFF  }
0x9e: {  	s19 =	sld [smem:$0x3FDB];
	_ =	sdelay $0x1  }
0x9f: {  	s5 =	simm.s32 $_scs_section_size  }
0xa0: {  	s6 =	simm.s32 $_size__tile_overlayer_lowered;
	s7 =	simm.s32 $_tile_overlayer_lowered  }
0xa1: {  	s22 =	simm.s32 $0x1BFF;
	s21 =	sshll.u32 s7, $0x1;
	s4 =	sadd.s32 s5, s19  }
0xa2: {  	s8 =	simm.s32 $0x0;
	s20 =	sshll.u32 s6, $0x1;
	s6 =	sadd.s32 s21, s4  }
0xa3: {  	[timem:s8], [sflag:s22] =	dma.local [hbm:s6], s20  }
0xa4: {  	_ =	swait.ge [sflag:s22], s20  }
0xa5: {  	s5 =	ssub.s32 $0x0, s20;
	[sflag:s22] =	ssyncset.done $0x0  }
0xa6: {  	[sflag:s22] =	ssyncadd.s32 s5;
	_ =	sdelay $0x1  }
0xa7: {  	s23 =	simm.s32 $0x1B8B  }
0xa8: {  	_ =	swait.ge [sflag:s23], $0x1  }
0xa9: {  	[sflag:s23] =	ssyncset.done $0x0  }
0xaa: {  	s25 =	simm.s32 $0x1B8E;
	s24 =	sld [smem:$0x3FFE];
	[sflag:s23] =	ssyncadd.s32 $0xFFFFFFFF  }
0xab: {  	s26 =	simm.s32 $execute0_lowered;
	[smem:$0x3FD2] =	sst s25  }
0xac: {  	s6 =	sshll.u32 s26, $0x1;
	_ =	strace $0x80000046;
	[dreg:$0x1] =	wrdreg $0xFFFFFFFF  }
0xad: {  	s28 =	simm.s32 $_size_execute0_lowered;
	s4 =	sadd.s32 s4, s6;
	[dreg:$0x0] =	wrdreg $0x0  }
0xae: {  	s6 =	sshll.u32 s28, $0x1;
	[dreg:$0x2] =	wrdreg s4  }
0xaf: {  	[dreg:$0x3] =	wrdreg s6  }
0xb0: {  	[dreg:$0x4] =	wrdreg $0xC0  }
0xb1: {  	_ =	task [dreg:s8], $0x5FFFF  }
0xb2: {  	[dreg:$0x1] =	wrdreg $0xFFFFFFFF  }
0xb3: {  	[dreg:$0x0] =	wrdreg $0x60  }
0xb4: {  	[dreg:$0x2] =	wrdreg s17  }
0xb5: {  	[dreg:$0x3] =	wrdreg s24  }
0xb6: {  	[dreg:$0x4] =	wrdreg s16  }
0xb7: {  	[dreg:$0x5] =	wrdreg $0x90000  }
0xb8: {  	[dreg:$0x6] =	wrdreg $0x9  }
0xb9: {  	_ =	task.clear_ibuf [dreg:s8], $0x7FFFF;
	_ =	strace $0x90000046  }
0xba: {  	s29 =	simm.s32 $0x9;
	_ =	strace $0x80000048  }
0xbb: {  	_ =	swait.ge [sflag:s29], $0x1  }
0xbc: {  	[sflag:s29] =	ssyncadd.s32 $0xFFFFFFFF  }
0xbd: {  	_ =	strace $0x90000048  }
0xbe: {  	_ =	sfence  }
0xbf: {  	s30 =	sld [smem:$0x0];
	_ =	sdelay $0x2  }
0xc0: {  	s31 =	sshll.u32 s1, $0xD;
	s1 =	sshrl.u32 s1, $0x2  }
0xc1: {  	s3 =	sand.u32 $0x4000, s31;
	s1 =	sadd.s32 s1, s30  }
0xc2: {  	s0 =	sor.u32 s3, s0;
	s1 =	sshll.u32 s1, $0x11  }
0xc3: {  	s0 =	sor.u32 s1, s0  }
0xc4: {  	s0 =	sadd.s32 $0x8F2B, s0  }
0xc5: {  	[sflag:s0] =	ssyncadd.remote.s32 $0x1  }
0xc6: {  	_ =	sfence.sel $0xFFFF  }
0xc7: {  	[dreg:$0x0] =	wrdreg $0xFFFFFFFF;
	(pc) =	sbr.abs _section_cstart, $3  }
0xc8: {  	[dreg:$0x1] =	wrdreg $0xFFFFFFFF  }
0xc9: {  	_ =	task.clear_ibuf [dreg:s8], $0x2FFFF;
	_ =	strace $0x9FFFFFFF  }
0xca: {  	(tm) =	ssettm $0x7FFFFFFF  }
0xcb: {  	_ =	shalt  }
tec
execute0_lowered:
.L_overlay_start_1:
0x0: {  	(tag) =	ssettag $0x1  }
0x1: {  	s1 =	rddreg [dreg:$0x0]  }
0x2: {  	s0 =	rddreg [dreg:$0x1]  }
0x3: {  	s2 =	rddreg [dreg:$0x2]  }
0x4: {  	s3 =	rddreg [dreg:$0x3];
	s4 =	simm.s32 $0x0;
	s16 =	stileid.u32  }
0x5: {  	s5 =	srdreg.scid;
	s28 =	simm.s32 $0x1;
	s29 =	simm.s32 $0x1CC00  }
0x6: {  	s31 =	simm.s32 $0x2;
	s30 =	simm.s32 $0x880;
	s7 =	smul.u32 $0x13C00, s16  }
0x7: {  	[smem:$0x7FF] =	sst s4;
	s8 =	sand.u32 $0x1, s5;
	s25 =	smul.u32 $0x4F000, s16  }
0x8: {  	s6 =	sshrl.u32 s16, $0x3;
	s5 =	sadd.s32 $0x17600, s0;
	s15 =	smul.u32 $0x5000, s16  }
0x9: {  	s12 =	sshll.u32 s16, $0x7;
	s20 =	sshll.u32 s16, $0x6;
	s9 =	smul.u32 $0x27800, s8  }
0xa: {  	_ =	strace $0x80000047;
	s11 =	smul.u32 $0x13C00, s6;
	s6 =	sadd.s32 $0x3600, s0  }
0xb: {  	s24 =	sand.u32 $0x380, s12;
	s26 =	ssub.s32 $0x2, s8;
	s13 =	smul.u32 $0x50000, s8  }
0xc: {  	s8 =	smul.u32 $0x13C000, s8;
	s21 =	sor.u32 $0x1C05, s20;
	s20 =	simm.s32 $0x400  }
0xd: {  	s10 =	sshrl.u32 s7, $0x3;
	s14 =	sshrl.u32 s26, $0x1;
	s18 =	sshrl.u32 s25, $0x2  }
0xe: {  	s10 =	sadd.s32 s10, s0;
	s9 =	sadd.s32 s9, s11;
	s17 =	ssub.s32 s26, s14  }
0xf: {  	s11 =	sadd.s32 s18, s3;
	s19 =	sadd.s32 s15, s13;
	s7 =	sadd.s32 s7, s8  }
0x10: {  	s14 =	simm.s32 $0x680;
	s15 =	simm.s32 $0x380;
	s8 =	simm.s32 $0x700  }
0x11: {  	s18 =	simm.s32 $0x4;
	s9 =	sor.u32 s24, s9;
	s10 =	sadd.s32 $0x2B600, s10  }
0x12: {  	s13 =	sshrl.u32 s19, $0x3;
	s23 =	sor.u32 $0x400, s19;
	s7 =	sshrl.u32 s7, $0x3  }
0x13: {  	s26 =	smax.u32 s17, $0x1;
	s16 =	sor.u32 $0x800, s19;
	s17 =	sor.u32 $0xC00, s19  }
0x14: {  	s19 =	simm.s32 $0x5;
	s9 =	sshrl.u32 s9, $0x3;
	[dreg:$0x5] =	wrdreg s10  }
0x15: {  	s22 =	sadd.s32 s5, s13;
	s13 =	sadd.s32 s6, s13;
	s12 =	sshrl.u32 s23, $0x3  }
0x16: {  	s2 =	sadd.s32 s2, s7;
	[dreg:$0xd] =	wrdreg s26;
	s7 =	sshrl.u32 s11, $0x3  }
0x17: {  	s23 =	simm.s32 $0x3;
	s26 =	simm.s32 $0x5000;
	[dreg:$0x7] =	wrdreg s22  }
0x18: {  	s11 =	simm.s32 $0x280;
	s0 =	sadd.s32 s9, s0;
	[dreg:$0x8] =	wrdreg s13  }
0x19: {  	s24 =	sadd.s32 s5, s12;
	s25 =	sadd.s32 s6, s12;
	[dreg:$0xb] =	wrdreg s2  }
.Ltmp0:
0x1a: {  	s2 =	smov.u32 s21;
	[dreg:$0xe] =	wrdreg s7;
	(pc) =	sbr.rel .LBB2_1-.Ltmp0, $4  }
0x1b: {  	s21 =	simm.s32 $0x800;
	s12 =	simm.s32 $0x600;
	[dreg:$0x9] =	wrdreg s24  }
0x1c: {  	s13 =	simm.s32 $0x300;
	s22 =	simm.s32 $0x780;
	[dreg:$0xa] =	wrdreg s25  }
0x1d: {  	s9 =	simm.s32 $0x0;
	s0 =	sadd.s32 $0x52E00, s0;
	[dreg:$0x6] =	wrdreg s2  }
0x1e: {  	v0 =	vimm.f32 $0.0e+00;
	v1 =	vimm.f32 $1.000000000e+00;
	s24 =	simm.s32 $0x80;
	s25 =	simm.s32 $0x1000;
	[dreg:$0xc] =	wrdreg s0  }
.LBB2_14:
0x1f: {  	[bflag:$0x0] =	sbarrier.arrive $0xFFFF  }
0x20: {  	s2 =	rddreg [dreg:$0x6]  }
0x21: {  	s0 =	rddreg [dreg:$0xb]  }
0x22: {  	s7 =	rddreg [dreg:$0xe]  }
0x23: {  	[hbm:s0], [sflag:s2] =	dma.local [spmem:s7], $0x2780  }
0x24: {  	_ =	swait.ge [sflag:s19], $0x2780  }
0x25: {  	[sflag:s19] =	ssyncset.done $0x0  }
0x26: {  	s9 =	rddreg [dreg:$0xc];
	[sflag:s19] =	ssyncadd.s32 $0xFFFFD880  }
0x27: {  	[hbm4b:s9+s24] =	stream.strided.scatter [tilespmem:s29], [sflag:$0x5], $0x2780, s20, s24, $0x38;
	[tilespmem:$0x1F380] =	vst v63  }
0x28: {  	_ =	swait.ge [sflag:s19], $0x2780  }
0x29: {  	s9 =	rddreg [dreg:$0xf]  }
0x2a: {  	s10 =	rddreg [dreg:$0xd];
	s9 =	sadd.s32 $0x1, s9  }
0x2b: {  	p0 =	sne.s32 s9, s10  }
.Ltmp1:
0x2c: {  	_ = 	snop;
	(pc) =	sbr.rel @!p0 .LBB2_15-.Ltmp1, $3  }
0x2d: {  	_ =	sdelay $0x1  }
0x2e: {  	[sflag:s19] =	ssyncset.done $0x0  }
0x2f: {  	[sflag:s19] =	ssyncadd.s32 $0xFFFFD880  }
.LBB2_1:
0x30: {  	[dreg:$0xf] =	wrdreg s9  }
0x31: {  	s0 =	rddreg [dreg:$0x5]  }
0x32: {  	[spmem:s7], [sflag:s2] =	dma.local [hbm:s0], $0x2780  }
0x33: {  	_ =	swait.ge [sflag:s19], $0x2780  }
0x34: {  	[sflag:s19] =	ssyncset.done $0x0  }
0x35: {  	s0 =	simm.s32 $0x40;
	s2 =	simm.s32 $0x0;
	[sflag:s19] =	ssyncadd.s32 $0xFFFFD880  }
.LBB2_2:
0x36: {  	p0 =	sne.s32 s0, $0x9DC0;
	[tilespmem:s2+$0x1CC00] =	vst v0;
	s2 =	smov.u32 s0;
	s0 =	sadd.s32 $0x40, s0  }
.Ltmp2:
0x37: {  	(pc) =	sbr.rel @p0 .LBB2_2-.Ltmp2, $2  }
0x38: {  	_ =	sdelay $0x2  }
0x39: {  	s2 =	sshra.s32 s2, $0x2  }
0x3a: {  	[tilespmem:s2+$0x1CC00] =	vst v0  }
0x3b: {  	[bflag:$0x0] =	sbarrier.arrive $0xFFFF  }
0x3c: {  	s0 =	simm.s32 $0x0;
	s10 =	rddreg [dreg:$0x7]  }
0x3d: {  	[tilespmem:s0], [sflag:$0x3] =	stream.linear.gather [hbm4b:s10+s0], $0x400, $0x38;
	[tilespmem:$0x1F380] =	vst v63  }
0x3e: {  	s7 =	rddreg [dreg:$0x8]  }
0x3f: {  	[tilespmem:s20], [sflag:$0x3] =	stream.linear.gather [hbm4b:s7+s0], $0x400, $0x38;
	[tilespmem:$0x1F380] =	vst v63  }
0x40: {  	s9 =	rddreg [dreg:$0x9]  }
0x41: {  	[tilespmem:s21], [sflag:$0x4] =	stream.linear.gather [hbm4b:s9+s0], $0x400, $0x38;
	[tilespmem:$0x1F380] =	vst v63  }
0x42: {  	s10 =	rddreg [dreg:$0xa];
	s7 =	simm.s32 $0xC00  }
0x43: {  	[tilespmem:s7], [sflag:$0x4] =	stream.linear.gather [hbm4b:s10+s0], $0x400, $0x38;
	[tilespmem:$0x1F380] =	vst v63  }
0x44: {  	_ =	swait.ge [sflag:s23], $0x400  }
0x45: {  	[sflag:s23] =	ssyncset.done $0x0  }
0x46: {  	[sflag:s23] =	ssyncadd.s32 $0xFFFFFC00  }
0x47: {  	_ =	swait.ge [sflag:s23], $0x400  }
0x48: {  	[sflag:s23] =	ssyncset.done $0x0  }
0x49: {  	[sflag:s23] =	ssyncadd.s32 $0xFFFFFC00  }
0x4a: {  	[tilespmem:s25], [sflag:$0x1] =	stream.indirect.gather [hbm4b:s1+s24], $0x80, s0, s24, $0xb8;
	[tilespmem:$0x1F380] =	vst v63  }
0x4b: {  	_ = 	snop  }
0x4c: {  	[tilespmem:s26], [sflag:$0x2] =	stream.indirect.gather [hbm4b:s1+s24], $0x80, s24, s24, $0xb8;
	[tilespmem:$0x1F380] =	vst v63  }
.LBB2_4:
0x4d: {  	_ =	swait.ge [sflag:s28], $0x4000  }
0x4e: {  	[sflag:s28] =	ssyncset.done $0x0  }
0x4f: {  	[sflag:s28] =	ssyncadd.s32 $0xFFFFC000  }
0x50: {  	[spmem:s3] =	stream.indirect.scatter.add.f32 [tilespmem:s25], [sflag:$0x5], $0x80, s20, s24, $0xb8;
	[tilespmem:$0x1F380] =	vst v63  }
0x51: {  	_ =	swait.ge [sflag:s19], $0x4000  }
0x52: {  	[sflag:s19] =	ssyncset.done $0x0  }
0x53: {  	[sflag:s19] =	ssyncadd.s32 $0xFFFFC000  }
0x54: {  	v2 =	vld [tilespmem:$0x400];
	_ =	sdelay $0x7  }
0x55: {  	[tilespmem:v2+s29+$0x0] =	vst.idx.add.f32.msk $0xffff, v1  }
0x56: {  	v2 =	vld [tilespmem:$0x410];
	_ =	sdelay $0x7  }
0x57: {  	[tilespmem:v2+s29+$0x0] =	vst.idx.add.f32.msk $0xffff, v1  }
0x58: {  	v2 =	vld [tilespmem:$0x420];
	_ =	sdelay $0x7  }
0x59: {  	[tilespmem:v2+s29+$0x0] =	vst.idx.add.f32.msk $0xffff, v1  }
0x5a: {  	v2 =	vld [tilespmem:$0x430];
	_ =	sdelay $0x7  }
0x5b: {  	[tilespmem:v2+s29+$0x0] =	vst.idx.add.f32.msk $0xffff, v1  }
0x5c: {  	v2 =	vld [tilespmem:$0x440];
	_ =	sdelay $0x7  }
0x5d: {  	[tilespmem:v2+s29+$0x0] =	vst.idx.add.f32.msk $0xffff, v1  }
0x5e: {  	v2 =	vld [tilespmem:$0x450];
	_ =	sdelay $0x7  }
0x5f: {  	[tilespmem:v2+s29+$0x0] =	vst.idx.add.f32.msk $0xffff, v1  }
0x60: {  	v2 =	vld [tilespmem:$0x460];
	_ =	sdelay $0x7  }
0x61: {  	[tilespmem:v2+s29+$0x0] =	vst.idx.add.f32.msk $0xffff, v1  }
0x62: {  	v2 =	vld [tilespmem:$0x470];
	_ =	sdelay $0x7  }
0x63: {  	s2 =	simm.s32 $0x100;
	[tilespmem:v2+s29+$0x0] =	vst.idx.add.f32.msk $0xffff, v1  }
0x64: {  	[tilespmem:s25], [sflag:$0x1] =	stream.indirect.gather [hbm4b:s1+s24], $0x80, s2, s24, $0xb8;
	[tilespmem:$0x1F380] =	vst v63  }
0x65: {  	_ =	swait.ge [sflag:s31], $0x4000  }
0x66: {  	[sflag:s31] =	ssyncset.done $0x0  }
0x67: {  	s9 =	simm.s32 $0x480;
	[sflag:s31] =	ssyncadd.s32 $0xFFFFC000  }
0x68: {  	[spmem:s3] =	stream.indirect.scatter.add.f32 [tilespmem:s26], [sflag:$0x5], $0x80, s9, s24, $0xb8;
	[tilespmem:$0x1F380] =	vst v63  }
0x69: {  	_ =	swait.ge [sflag:s19], $0x4000  }
0x6a: {  	[sflag:s19] =	ssyncset.done $0x0  }
0x6b: {  	[sflag:s19] =	ssyncadd.s32 $0xFFFFC000  }
0x6c: {  	v2 =	vld [tilespmem:$0x480];
	_ =	sdelay $0x7  }
0x6d: {  	[tilespmem:v2+s29+$0x0] =	vst.idx.add.f32.msk $0xffff, v1  }
0x6e: {  	v2 =	vld [tilespmem:$0x490];
	_ =	sdelay $0x7  }
0x6f: {  	[tilespmem:v2+s29+$0x0] =	vst.idx.add.f32.msk $0xffff, v1  }
0x70: {  	v2 =	vld [tilespmem:$0x4A0];
	_ =	sdelay $0x7  }
0x71: {  	[tilespmem:v2+s29+$0x0] =	vst.idx.add.f32.msk $0xffff, v1  }
0x72: {  	v2 =	vld [tilespmem:$0x4B0];
	_ =	sdelay $0x7  }
0x73: {  	[tilespmem:v2+s29+$0x0] =	vst.idx.add.f32.msk $0xffff, v1  }
0x74: {  	v2 =	vld [tilespmem:$0x4C0];
	_ =	sdelay $0x7  }
0x75: {  	[tilespmem:v2+s29+$0x0] =	vst.idx.add.f32.msk $0xffff, v1  }
0x76: {  	v2 =	vld [tilespmem:$0x4D0];
	_ =	sdelay $0x7  }
0x77: {  	[tilespmem:v2+s29+$0x0] =	vst.idx.add.f32.msk $0xffff, v1  }
0x78: {  	v2 =	vld [tilespmem:$0x4E0];
	_ =	sdelay $0x7  }
0x79: {  	[tilespmem:v2+s29+$0x0] =	vst.idx.add.f32.msk $0xffff, v1  }
0x7a: {  	v2 =	vld [tilespmem:$0x4F0];
	_ =	sdelay $0x7  }
0x7b: {  	s10 =	simm.s32 $0x180;
	[tilespmem:v2+s29+$0x0] =	vst.idx.add.f32.msk $0xffff, v1  }
0x7c: {  	[tilespmem:s26], [sflag:$0x2] =	stream.indirect.gather [hbm4b:s1+s24], $0x80, s10, s24, $0xb8;
	[tilespmem:$0x1F380] =	vst v63  }
0x7d: {  	_ =	swait.ge [sflag:s28], $0x4000  }
0x7e: {  	[sflag:s28] =	ssyncset.done $0x0  }
0x7f: {  	s7 =	simm.s32 $0x500;
	[sflag:s28] =	ssyncadd.s32 $0xFFFFC000  }
0x80: {  	[spmem:s3] =	stream.indirect.scatter.add.f32 [tilespmem:s25], [sflag:$0x5], $0x80, s7, s24, $0xb8;
	[tilespmem:$0x1F380] =	vst v63  }
0x81: {  	_ =	swait.ge [sflag:s19], $0x4000  }
0x82: {  	[sflag:s19] =	ssyncset.done $0x0  }
0x83: {  	[sflag:s19] =	ssyncadd.s32 $0xFFFFC000  }
0x84: {  	v2 =	vld [tilespmem:$0x500];
	_ =	sdelay $0x7  }
0x85: {  	[tilespmem:v2+s29+$0x0] =	vst.idx.add.f32.msk $0xffff, v1  }
0x86: {  	v2 =	vld [tilespmem:$0x510];
	_ =	sdelay $0x7  }
0x87: {  	[tilespmem:v2+s29+$0x0] =	vst.idx.add.f32.msk $0xffff, v1  }
0x88: {  	v2 =	vld [tilespmem:$0x520];
	_ =	sdelay $0x7  }
0x89: {  	[tilespmem:v2+s29+$0x0] =	vst.idx.add.f32.msk $0xffff, v1  }
0x8a: {  	v2 =	vld [tilespmem:$0x530];
	_ =	sdelay $0x7  }
0x8b: {  	[tilespmem:v2+s29+$0x0] =	vst.idx.add.f32.msk $0xffff, v1  }
0x8c: {  	v2 =	vld [tilespmem:$0x540];
	_ =	sdelay $0x7  }
0x8d: {  	[tilespmem:v2+s29+$0x0] =	vst.idx.add.f32.msk $0xffff, v1  }
0x8e: {  	v2 =	vld [tilespmem:$0x550];
	_ =	sdelay $0x7  }
0x8f: {  	[tilespmem:v2+s29+$0x0] =	vst.idx.add.f32.msk $0xffff, v1  }
0x90: {  	v2 =	vld [tilespmem:$0x560];
	_ =	sdelay $0x7  }
0x91: {  	[tilespmem:v2+s29+$0x0] =	vst.idx.add.f32.msk $0xffff, v1  }
0x92: {  	v2 =	vld [tilespmem:$0x570];
	_ =	sdelay $0x7  }
0x93: {  	s9 =	simm.s32 $0x200;
	[tilespmem:v2+s29+$0x0] =	vst.idx.add.f32.msk $0xffff, v1  }
0x94: {  	[tilespmem:s25], [sflag:$0x1] =	stream.indirect.gather [hbm4b:s1+s24], $0x80, s9, s24, $0xb8;
	[tilespmem:$0x1F380] =	vst v63  }
0x95: {  	_ =	swait.ge [sflag:s31], $0x4000  }
0x96: {  	[sflag:s31] =	ssyncset.done $0x0  }
0x97: {  	s10 =	simm.s32 $0x580;
	[sflag:s31] =	ssyncadd.s32 $0xFFFFC000  }
0x98: {  	[spmem:s3] =	stream.indirect.scatter.add.f32 [tilespmem:s26], [sflag:$0x5], $0x80, s10, s24, $0xb8;
	[tilespmem:$0x1F380] =	vst v63  }
0x99: {  	_ =	swait.ge [sflag:s19], $0x4000  }
0x9a: {  	[sflag:s19] =	ssyncset.done $0x0  }
0x9b: {  	[sflag:s19] =	ssyncadd.s32 $0xFFFFC000  }
0x9c: {  	v2 =	vld [tilespmem:$0x580];
	_ =	sdelay $0x7  }
0x9d: {  	[tilespmem:v2+s29+$0x0] =	vst.idx.add.f32.msk $0xffff, v1  }
0x9e: {  	v2 =	vld [tilespmem:$0x590];
	_ =	sdelay $0x7  }
0x9f: {  	[tilespmem:v2+s29+$0x0] =	vst.idx.add.f32.msk $0xffff, v1  }
0xa0: {  	v2 =	vld [tilespmem:$0x5A0];
	_ =	sdelay $0x7  }
0xa1: {  	[tilespmem:v2+s29+$0x0] =	vst.idx.add.f32.msk $0xffff, v1  }
0xa2: {  	v2 =	vld [tilespmem:$0x5B0];
	_ =	sdelay $0x7  }
0xa3: {  	[tilespmem:v2+s29+$0x0] =	vst.idx.add.f32.msk $0xffff, v1  }
0xa4: {  	v2 =	vld [tilespmem:$0x5C0];
	_ =	sdelay $0x7  }
0xa5: {  	[tilespmem:v2+s29+$0x0] =	vst.idx.add.f32.msk $0xffff, v1  }
0xa6: {  	v2 =	vld [tilespmem:$0x5D0];
	_ =	sdelay $0x7  }
0xa7: {  	[tilespmem:v2+s29+$0x0] =	vst.idx.add.f32.msk $0xffff, v1  }
0xa8: {  	v2 =	vld [tilespmem:$0x5E0];
	_ =	sdelay $0x7  }
0xa9: {  	[tilespmem:v2+s29+$0x0] =	vst.idx.add.f32.msk $0xffff, v1  }
0xaa: {  	v2 =	vld [tilespmem:$0x5F0];
	_ =	sdelay $0x7  }
0xab: {  	[tilespmem:v2+s29+$0x0] =	vst.idx.add.f32.msk $0xffff, v1  }
0xac: {  	[tilespmem:s26], [sflag:$0x2] =	stream.indirect.gather [hbm4b:s1+s24], $0x80, s11, s24, $0xb8;
	[tilespmem:$0x1F380] =	vst v63  }
0xad: {  	_ =	swait.ge [sflag:s28], $0x4000  }
0xae: {  	[sflag:s28] =	ssyncset.done $0x0  }
0xaf: {  	[sflag:s28] =	ssyncadd.s32 $0xFFFFC000  }
0xb0: {  	[spmem:s3] =	stream.indirect.scatter.add.f32 [tilespmem:s25], [sflag:$0x5], $0x80, s12, s24, $0xb8;
	[tilespmem:$0x1F380] =	vst v63  }
0xb1: {  	_ =	swait.ge [sflag:s19], $0x4000  }
0xb2: {  	[sflag:s19] =	ssyncset.done $0x0  }
0xb3: {  	[sflag:s19] =	ssyncadd.s32 $0xFFFFC000  }
0xb4: {  	v2 =	vld [tilespmem:$0x600];
	_ =	sdelay $0x7  }
0xb5: {  	[tilespmem:v2+s29+$0x0] =	vst.idx.add.f32.msk $0xffff, v1  }
0xb6: {  	v2 =	vld [tilespmem:$0x610];
	_ =	sdelay $0x7  }
0xb7: {  	[tilespmem:v2+s29+$0x0] =	vst.idx.add.f32.msk $0xffff, v1  }
0xb8: {  	v2 =	vld [tilespmem:$0x620];
	_ =	sdelay $0x7  }
0xb9: {  	[tilespmem:v2+s29+$0x0] =	vst.idx.add.f32.msk $0xffff, v1  }
0xba: {  	v2 =	vld [tilespmem:$0x630];
	_ =	sdelay $0x7  }
0xbb: {  	[tilespmem:v2+s29+$0x0] =	vst.idx.add.f32.msk $0xffff, v1  }
0xbc: {  	v2 =	vld [tilespmem:$0x640];
	_ =	sdelay $0x7  }
0xbd: {  	[tilespmem:v2+s29+$0x0] =	vst.idx.add.f32.msk $0xffff, v1  }
0xbe: {  	v2 =	vld [tilespmem:$0x650];
	_ =	sdelay $0x7  }
0xbf: {  	[tilespmem:v2+s29+$0x0] =	vst.idx.add.f32.msk $0xffff, v1  }
0xc0: {  	v2 =	vld [tilespmem:$0x660];
	_ =	sdelay $0x7  }
0xc1: {  	[tilespmem:v2+s29+$0x0] =	vst.idx.add.f32.msk $0xffff, v1  }
0xc2: {  	v2 =	vld [tilespmem:$0x670];
	_ =	sdelay $0x7  }
0xc3: {  	[tilespmem:v2+s29+$0x0] =	vst.idx.add.f32.msk $0xffff, v1  }
0xc4: {  	[tilespmem:s25], [sflag:$0x1] =	stream.indirect.gather [hbm4b:s1+s24], $0x80, s13, s24, $0xb8;
	[tilespmem:$0x1F380] =	vst v63  }
0xc5: {  	_ =	swait.ge [sflag:s31], $0x4000  }
0xc6: {  	[sflag:s31] =	ssyncset.done $0x0  }
0xc7: {  	[sflag:s31] =	ssyncadd.s32 $0xFFFFC000  }
0xc8: {  	[spmem:s3] =	stream.indirect.scatter.add.f32 [tilespmem:s26], [sflag:$0x5], $0x80, s14, s24, $0xb8;
	[tilespmem:$0x1F380] =	vst v63  }
0xc9: {  	_ =	swait.ge [sflag:s19], $0x4000  }
0xca: {  	[sflag:s19] =	ssyncset.done $0x0  }
0xcb: {  	[sflag:s19] =	ssyncadd.s32 $0xFFFFC000  }
0xcc: {  	v2 =	vld [tilespmem:$0x680];
	_ =	sdelay $0x7  }
0xcd: {  	[tilespmem:v2+s29+$0x0] =	vst.idx.add.f32.msk $0xffff, v1  }
0xce: {  	v2 =	vld [tilespmem:$0x690];
	_ =	sdelay $0x7  }
0xcf: {  	[tilespmem:v2+s29+$0x0] =	vst.idx.add.f32.msk $0xffff, v1  }
0xd0: {  	v2 =	vld [tilespmem:$0x6A0];
	_ =	sdelay $0x7  }
0xd1: {  	[tilespmem:v2+s29+$0x0] =	vst.idx.add.f32.msk $0xffff, v1  }
0xd2: {  	v2 =	vld [tilespmem:$0x6B0];
	_ =	sdelay $0x7  }
0xd3: {  	[tilespmem:v2+s29+$0x0] =	vst.idx.add.f32.msk $0xffff, v1  }
0xd4: {  	v2 =	vld [tilespmem:$0x6C0];
	_ =	sdelay $0x7  }
0xd5: {  	[tilespmem:v2+s29+$0x0] =	vst.idx.add.f32.msk $0xffff, v1  }
0xd6: {  	v2 =	vld [tilespmem:$0x6D0];
	_ =	sdelay $0x7  }
0xd7: {  	[tilespmem:v2+s29+$0x0] =	vst.idx.add.f32.msk $0xffff, v1  }
0xd8: {  	v2 =	vld [tilespmem:$0x6E0];
	_ =	sdelay $0x7  }
0xd9: {  	[tilespmem:v2+s29+$0x0] =	vst.idx.add.f32.msk $0xffff, v1  }
0xda: {  	v2 =	vld [tilespmem:$0x6F0];
	_ =	sdelay $0x7  }
0xdb: {  	[tilespmem:v2+s29+$0x0] =	vst.idx.add.f32.msk $0xffff, v1  }
0xdc: {  	[tilespmem:s26], [sflag:$0x2] =	stream.indirect.gather [hbm4b:s1+s24], $0x80, s15, s24, $0xb8;
	[tilespmem:$0x1F380] =	vst v63  }
0xdd: {  	_ =	swait.ge [sflag:s28], $0x4000  }
0xde: {  	[sflag:s28] =	ssyncset.done $0x0  }
0xdf: {  	[sflag:s28] =	ssyncadd.s32 $0xFFFFC000  }
0xe0: {  	[spmem:s3] =	stream.indirect.scatter.add.f32 [tilespmem:s25], [sflag:$0x5], $0x80, s8, s24, $0xb8;
	[tilespmem:$0x1F380] =	vst v63  }
0xe1: {  	_ =	swait.ge [sflag:s19], $0x4000  }
0xe2: {  	[sflag:s19] =	ssyncset.done $0x0  }
0xe3: {  	[sflag:s19] =	ssyncadd.s32 $0xFFFFC000  }
0xe4: {  	v2 =	vld [tilespmem:$0x700];
	_ =	sdelay $0x7  }
0xe5: {  	[tilespmem:v2+s29+$0x0] =	vst.idx.add.f32.msk $0xffff, v1  }
0xe6: {  	v2 =	vld [tilespmem:$0x710];
	_ =	sdelay $0x7  }
0xe7: {  	[tilespmem:v2+s29+$0x0] =	vst.idx.add.f32.msk $0xffff, v1  }
0xe8: {  	v2 =	vld [tilespmem:$0x720];
	_ =	sdelay $0x7  }
0xe9: {  	[tilespmem:v2+s29+$0x0] =	vst.idx.add.f32.msk $0xffff, v1  }
0xea: {  	v2 =	vld [tilespmem:$0x730];
	_ =	sdelay $0x7  }
0xeb: {  	[tilespmem:v2+s29+$0x0] =	vst.idx.add.f32.msk $0xffff, v1  }
0xec: {  	v2 =	vld [tilespmem:$0x740];
	_ =	sdelay $0x7  }
0xed: {  	[tilespmem:v2+s29+$0x0] =	vst.idx.add.f32.msk $0xffff, v1  }
0xee: {  	v2 =	vld [tilespmem:$0x750];
	_ =	sdelay $0x7  }
0xef: {  	[tilespmem:v2+s29+$0x0] =	vst.idx.add.f32.msk $0xffff, v1  }
0xf0: {  	v2 =	vld [tilespmem:$0x760];
	_ =	sdelay $0x7  }
0xf1: {  	[tilespmem:v2+s29+$0x0] =	vst.idx.add.f32.msk $0xffff, v1  }
0xf2: {  	v2 =	vld [tilespmem:$0x770];
	_ =	sdelay $0x7  }
0xf3: {  	[tilespmem:v2+s29+$0x0] =	vst.idx.add.f32.msk $0xffff, v1  }
0xf4: {  	_ =	swait.ge [sflag:s18], $0x400  }
0xf5: {  	[sflag:s18] =	ssyncset.done $0x0  }
0xf6: {  	[sflag:s18] =	ssyncadd.s32 $0xFFFFFC00  }
0xf7: {  	_ =	swait.ge [sflag:s18], $0x400  }
0xf8: {  	[sflag:s18] =	ssyncset.done $0x0  }
0xf9: {  	[sflag:s18] =	ssyncadd.s32 $0xFFFFFC00  }
0xfa: {  	[tilespmem:s25], [sflag:$0x1] =	stream.indirect.gather [hbm4b:s1+s24], $0x80, s21, s24, $0xb8;
	[tilespmem:$0x1F380] =	vst v63  }
0xfb: {  	_ =	swait.ge [sflag:s31], $0x4000  }
0xfc: {  	[sflag:s31] =	ssyncset.done $0x0  }
0xfd: {  	[sflag:s31] =	ssyncadd.s32 $0xFFFFC000  }
0xfe: {  	[spmem:s3] =	stream.indirect.scatter.add.f32 [tilespmem:s26], [sflag:$0x5], $0x80, s22, s24, $0xb8;
	[tilespmem:$0x1F380] =	vst v63  }
0xff: {  	_ =	swait.ge [sflag:s19], $0x4000  }
0x100: {  	[sflag:s19] =	ssyncset.done $0x0  }
0x101: {  	[sflag:s19] =	ssyncadd.s32 $0xFFFFC000  }
0x102: {  	v2 =	vld [tilespmem:$0x780];
	_ =	sdelay $0x7  }
0x103: {  	[tilespmem:v2+s29+$0x0] =	vst.idx.add.f32.msk $0xffff, v1  }
0x104: {  	v2 =	vld [tilespmem:$0x790];
	_ =	sdelay $0x7  }
0x105: {  	[tilespmem:v2+s29+$0x0] =	vst.idx.add.f32.msk $0xffff, v1  }
0x106: {  	v2 =	vld [tilespmem:$0x7A0];
	_ =	sdelay $0x7  }
0x107: {  	[tilespmem:v2+s29+$0x0] =	vst.idx.add.f32.msk $0xffff, v1  }
0x108: {  	v2 =	vld [tilespmem:$0x7B0];
	_ =	sdelay $0x7  }
0x109: {  	[tilespmem:v2+s29+$0x0] =	vst.idx.add.f32.msk $0xffff, v1  }
0x10a: {  	v2 =	vld [tilespmem:$0x7C0];
	_ =	sdelay $0x7  }
0x10b: {  	[tilespmem:v2+s29+$0x0] =	vst.idx.add.f32.msk $0xffff, v1  }
0x10c: {  	v2 =	vld [tilespmem:$0x7D0];
	_ =	sdelay $0x7  }
0x10d: {  	[tilespmem:v2+s29+$0x0] =	vst.idx.add.f32.msk $0xffff, v1  }
0x10e: {  	v2 =	vld [tilespmem:$0x7E0];
	_ =	sdelay $0x7  }
0x10f: {  	[tilespmem:v2+s29+$0x0] =	vst.idx.add.f32.msk $0xffff, v1  }
0x110: {  	v2 =	vld [tilespmem:$0x7F0];
	_ =	sdelay $0x4  }
0x111: {  	p0 =	seq.s32 s0, $0x9  }
0x112: {  	s2 =	sshll.u32 @!p0 s0, $0xB  }
0x113: {  	s2 =	sadd.s32 @!p0 s16, s2  }
0x114: {  	s2 =	sshrl.u32 @!p0 s2, $0x3;
	[tilespmem:v2+s29+$0x0] =	vst.idx.add.f32.msk $0xffff, v1  }
0x115: {  	[tilespmem:s26], [sflag:$0x2] =	stream.indirect.gather [hbm4b:s1+s24], $0x80, s30, s24, $0xb8;
	[tilespmem:$0x1F380] =	vst v63  }
0x116: {  	s7 =	sadd.s32 @!p0 s5, s2;
	s9 =	simm.s32 @!p0 $0x0  }
0x117: {  	[tilespmem:s9], [sflag:$0x3] =	stream.linear.gather @!p0 [hbm4b:s7+s9], $0x400, $0x38;
	[tilespmem:$0x1F380] =	vst v63  }
0x118: {  	s2 =	sadd.s32 @!p0 s6, s2;
	s7 =	simm.s32 @!p0 $0x400  }
0x119: {  	[tilespmem:s7], [sflag:$0x3] =	stream.linear.gather @!p0 [hbm4b:s2+s9], $0x400, $0x38;
	[tilespmem:$0x1F380] =	vst v63  }
0x11a: {  	s2 =	sadd.s32 $0x1, s0;
	s7 =	simm.s32 $0x0  }
.LBB2_5:
0x11b: {  	_ =	swait.ge [sflag:s28], $0x4000  }
0x11c: {  	s9 =	sshra.s32 s7, $0x2;
	[sflag:s28] =	ssyncset.done $0x0  }
0x11d: {  	s10 =	sadd.s32 $0xC00, s9;
	[sflag:s28] =	ssyncadd.s32 $0xFFFFC000  }
0x11e: {  	[spmem:s3] =	stream.indirect.scatter.add.f32 [tilespmem:s25], [sflag:$0x5], $0x80, s10, s24, $0xb8;
	[tilespmem:$0x1F380] =	vst v63  }
0x11f: {  	_ =	swait.ge [sflag:s19], $0x4000  }
0x120: {  	[sflag:s19] =	ssyncset.done $0x0  }
0x121: {  	[sflag:s19] =	ssyncadd.s32 $0xFFFFC000  }
0x122: {  	v2 =	vld [tilespmem:s9+$0xC00];
	_ =	sdelay $0x7  }
0x123: {  	[tilespmem:v2+s29+$0x0] =	vst.idx.add.f32.msk $0xffff, v1  }
0x124: {  	v2 =	vld [tilespmem:s9+$0xC10];
	_ =	sdelay $0x7  }
0x125: {  	[tilespmem:v2+s29+$0x0] =	vst.idx.add.f32.msk $0xffff, v1  }
0x126: {  	v2 =	vld [tilespmem:s9+$0xC20];
	_ =	sdelay $0x7  }
0x127: {  	[tilespmem:v2+s29+$0x0] =	vst.idx.add.f32.msk $0xffff, v1  }
0x128: {  	v2 =	vld [tilespmem:s9+$0xC30];
	_ =	sdelay $0x7  }
0x129: {  	[tilespmem:v2+s29+$0x0] =	vst.idx.add.f32.msk $0xffff, v1  }
0x12a: {  	v2 =	vld [tilespmem:s9+$0xC40];
	_ =	sdelay $0x7  }
0x12b: {  	[tilespmem:v2+s29+$0x0] =	vst.idx.add.f32.msk $0xffff, v1  }
0x12c: {  	v2 =	vld [tilespmem:s9+$0xC50];
	_ =	sdelay $0x7  }
0x12d: {  	[tilespmem:v2+s29+$0x0] =	vst.idx.add.f32.msk $0xffff, v1  }
0x12e: {  	v2 =	vld [tilespmem:s9+$0xC60];
	_ =	sdelay $0x7  }
0x12f: {  	[tilespmem:v2+s29+$0x0] =	vst.idx.add.f32.msk $0xffff, v1  }
0x130: {  	v2 =	vld [tilespmem:s9+$0xC70];
	_ =	sdelay $0x1  }
0x131: {  	p1 =	sne.s32 @!p0 s7, $0xC00  }
0x132: {  	p1 =	por p0, p1  }
.Ltmp3:
0x133: {  	_ = 	snop;
	(pc) =	sbr.rel @p1 .LBB2_7-.Ltmp3, $2  }
0x134: {  	_ =	sdelay $0x2  }
0x135: {  	[tilespmem:v2+s29+$0x0] =	vst.idx.add.f32.msk $0xffff, v1  }
0x136: {  	_ =	swait.ge [sflag:s23], $0x400  }
0x137: {  	[sflag:s23] =	ssyncset.done $0x0  }
0x138: {  	[sflag:s23] =	ssyncadd.s32 $0xFFFFFC00  }
0x139: {  	_ =	swait.ge [sflag:s23], $0x400  }
0x13a: {  	[sflag:s23] =	ssyncset.done $0x0  }
0x13b: {  	s10 =	simm.s32 $0x0;
	[sflag:s23] =	ssyncadd.s32 $0xFFFFFC00  }
.LBB2_10:
0x13c: {  	[tilespmem:s25], [sflag:$0x1] =	stream.indirect.gather [hbm4b:s1+s24], $0x80, s10, s24, $0xb8;
	[tilespmem:$0x1F380] =	vst v63  }
.LBB2_11:
0x13d: {  	_ =	swait.ge [sflag:s31], $0x4000  }
0x13e: {  	[sflag:s31] =	ssyncset.done $0x0  }
0x13f: {  	s10 =	sadd.s32 $0xC80, s9;
	[sflag:s31] =	ssyncadd.s32 $0xFFFFC000  }
0x140: {  	[spmem:s3] =	stream.indirect.scatter.add.f32 [tilespmem:s26], [sflag:$0x5], $0x80, s10, s24, $0xb8;
	[tilespmem:$0x1F380] =	vst v63  }
0x141: {  	_ =	swait.ge [sflag:s19], $0x4000  }
0x142: {  	[sflag:s19] =	ssyncset.done $0x0  }
0x143: {  	[sflag:s19] =	ssyncadd.s32 $0xFFFFC000  }
0x144: {  	v2 =	vld [tilespmem:s9+$0xC80];
	_ =	sdelay $0x7  }
0x145: {  	[tilespmem:v2+s29+$0x0] =	vst.idx.add.f32.msk $0xffff, v1  }
0x146: {  	v2 =	vld [tilespmem:s9+$0xC90];
	_ =	sdelay $0x7  }
0x147: {  	[tilespmem:v2+s29+$0x0] =	vst.idx.add.f32.msk $0xffff, v1  }
0x148: {  	v2 =	vld [tilespmem:s9+$0xCA0];
	_ =	sdelay $0x7  }
0x149: {  	[tilespmem:v2+s29+$0x0] =	vst.idx.add.f32.msk $0xffff, v1  }
0x14a: {  	v2 =	vld [tilespmem:s9+$0xCB0];
	_ =	sdelay $0x7  }
0x14b: {  	[tilespmem:v2+s29+$0x0] =	vst.idx.add.f32.msk $0xffff, v1  }
0x14c: {  	v2 =	vld [tilespmem:s9+$0xCC0];
	_ =	sdelay $0x7  }
0x14d: {  	[tilespmem:v2+s29+$0x0] =	vst.idx.add.f32.msk $0xffff, v1  }
0x14e: {  	v2 =	vld [tilespmem:s9+$0xCD0];
	_ =	sdelay $0x7  }
0x14f: {  	[tilespmem:v2+s29+$0x0] =	vst.idx.add.f32.msk $0xffff, v1  }
0x150: {  	v2 =	vld [tilespmem:s9+$0xCE0];
	_ =	sdelay $0x7  }
0x151: {  	[tilespmem:v2+s29+$0x0] =	vst.idx.add.f32.msk $0xffff, v1  }
0x152: {  	v2 =	vld [tilespmem:s9+$0xCF0];
	_ =	sdelay $0x2  }
0x153: {  	p1 =	sne.s32 s7, $0xC00  }
.Ltmp4:
0x154: {  	_ = 	snop;
	(pc) =	sbr.rel @!p1 .LBB2_12-.Ltmp4, $2  }
0x155: {  	_ =	sdelay $0x2  }
0x156: {  	[tilespmem:v2+s29+$0x0] =	vst.idx.add.f32.msk $0xffff, v1  }
.Ltmp5:
0x157: {  	(pc) =	sbr.rel .LBB2_5-.Ltmp5, $3  }
0x158: {  	_ =	sdelay $0x1  }
0x159: {  	s9 =	sadd.s32 $0x980, s9;
	s7 =	sadd.s32 $0x400, s7  }
0x15a: {  	[tilespmem:s26], [sflag:$0x2] =	stream.indirect.gather [hbm4b:s1+s24], $0x80, s9, s24, $0xb8;
	[tilespmem:$0x1F380] =	vst v63  }
.LBB2_7:
0x15b: {  	p1 =	seq.s32 s7, $0xC00  }
.Ltmp6:
0x15c: {  	_ = 	snop;
	(pc) =	sbr.rel @!p1 .LBB2_8-.Ltmp6, $1  }
0x15d: {  	_ =	sdelay $0x3  }
.Ltmp7:
0x15e: {  	(pc) =	sbr.rel @p0 .LBB2_11-.Ltmp7, $4  }
.Ltmp8:
0x15f: {  	(pc) =	sbr.rel @!p0 .LBB2_10-.Ltmp8, $4  }
0x160: {  	_ = 	snop  }
0x161: {  	_ = 	snop  }
0x162: {  	s10 =	simm.s32 $0x0  }
0x163: {  	_ = 	snop  }
.LBB2_8:
.Ltmp9:
0x164: {  	(pc) =	sbr.rel .LBB2_10-.Ltmp9, $2  }
0x165: {  	_ =	sdelay $0x2  }
0x166: {  	s10 =	sadd.s32 $0x900, s9  }
.LBB2_12:
0x167: {  	p0 =	sne.s32 s0, $0x9  }
.Ltmp10:
0x168: {  	_ = 	snop;
	(pc) =	sbr.rel @!p0 .LBB2_14-.Ltmp10, $1  }
0x169: {  	_ =	sdelay $0x3  }
0x16a: {  	[tilespmem:s26], [sflag:$0x2] =	stream.indirect.gather [hbm4b:s1+s24], $0x80, s24, s24, $0xb8;
	[tilespmem:$0x1F380] =	vst v63  }
0x16b: {  	s0 =	sshll.u32 s0, $0xB  }
0x16c: {  	s0 =	sadd.s32 s17, s0  }
0x16d: {  	s0 =	sshrl.u32 s0, $0x3  }
.Ltmp11:
0x16e: {  	s7 =	sadd.s32 s5, s0;
	(pc) =	sbr.rel .LBB2_4-.Ltmp11, $4  }
0x16f: {  	[tilespmem:s21], [sflag:$0x4] =	stream.linear.gather [hbm4b:s7+s4], $0x400, $0x38;
	[tilespmem:$0x1F380] =	vst v63  }
0x170: {  	s10 =	simm.s32 $0xC00;
	s0 =	sadd.s32 s6, s0  }
0x171: {  	[tilespmem:s10], [sflag:$0x4] =	stream.linear.gather [hbm4b:s0+s4], $0x400, $0x38;
	[tilespmem:$0x1F380] =	vst v63  }
0x172: {  	s0 =	smov.u32 s2  }
.LBB2_15:
0x173: {  	_ =	sfence.sel $0x180000  }
0x174: {  	[bflag:$0x0] =	sbarrier.arrive $0xFFFF  }
0x175: {  	_ =	strace $0x90000047  }
0x176: {  	s0 =	stileid.u32;
	[bflag:$0x2] =	sbarrier.arrive $0xFFFF  }
0x177: {  	p0 =	sne.s32 s0, $0x0;
	s0 =	rddreg [dreg:$0x4]  }
0x178: {  	s0 =	sadd.s32 @!p0 $0x100000, s0  }
0x179: {  	[sflag:s0] =	ssyncadd.tile.s32 @!p0 $0x1;
	_ =	shalt  }
.Lfunc_end2:
_tile_overlayer_lowered:
.L_overlay_start_2:
0x17a: {  	(tag) =	ssettag $0x2  }
0x17b: {  	s0 =	rddreg [dreg:$0x0];
	s2 =	stileid.u32  }
0x17c: {  	s1 =	rddreg [dreg:$0x1];
	p0 =	sne.s32 s2, $0x0  }
0x17d: {  	s3 =	rddreg [dreg:$0x2];
	[bflag:$0x3] =	sbarrier.arrive $0xFFFF;
	s2 =	simm.s32 @!p0 $0x1C05  }
0x17e: {  	[timem:s3], [sflag:s2] =	dma.local @!p0 [hbm:s0], s1  }
0x17f: {  	s0 =	simm.s32 @!p0 $0x5  }
0x180: {  	_ =	swait.ge @!p0 [sflag:s0], s1  }
0x181: {  	s1 =	ssub.s32 @!p0 $0x0, s1;
	[sflag:s0] =	ssyncset.done @!p0 $0x0  }
0x182: {  	[sflag:s0] =	ssyncadd.s32 @!p0 s1  }
0x183: {  	[bflag:$0x3] =	sbarrier.arrive $0xFFFF  }
0x184: {  	_ =	shalt  }

</sc_bundles>
